<compile_context>
chip_gen: v7x
topology: tpu7x:2x2x1
jax: 0.10.2.dev20260603
libtpu: 0.0.44.dev20260713+nightly
codegen_flags: <defaults>
</compile_context>

<pallas_src>
import functools

import jax
import jax.numpy as jnp
from jax import lax
from jax.experimental import pallas as pl
from jax.experimental.pallas import tpu as pltpu
from jax.experimental.pallas import tpu_sc as plsc

NC = 2
NS = 16
NW = NC * NS
LANES = 16
K = 128

F32 = jnp.float32
I32 = jnp.int32


@functools.cache
def _build_spmm(n_pad, d, n_chunks, interpret=False):
    ntc = NW * n_chunks
    rpt = n_pad // NS
    mesh = plsc.VectorSubcoreMesh(core_axis_name="c", subcore_axis_name="s",
                                  num_cores=NC, num_subcores=NS)

    def body(h, srcm, dstm, wrep, zeros, out, src_v, dst_v, w_v, rows_v,
             pooled_sh, sem):
        c = lax.axis_index("c")
        s = lax.axis_index("s")
        wid = s * NC + c

        pltpu.sync_copy(zeros.at[pl.ds(s * rpt, rpt)],
                        pooled_sh.at[pl.ds(s * rpt, rpt)])
        plsc.subcore_barrier()

        base = wid * n_chunks

        def chunk_body(t, carry):
            row = base + t
            pltpu.sync_copy(srcm.at[row], src_v.at[0])
            pltpu.sync_copy(dstm.at[row], dst_v.at[0])
            pltpu.sync_copy(wrep.at[row], w_v.at[0])
            pltpu.async_copy(h.at[src_v.at[0]], rows_v.at[0], sem).wait()

            def edge_body(j, carry2):
                wv = w_v[0, j]
                for cb in range(d // LANES):
                    sl = pl.ds(cb * LANES, LANES)
                    rows_v[0, j, sl] = rows_v[0, j, sl] * wv
                return carry2

            lax.fori_loop(0, K, edge_body, 0)
            pltpu.sync_copy(rows_v.at[0], pooled_sh.at[dst_v.at[0]], add=True)
            return carry

        lax.fori_loop(0, n_chunks, chunk_body, 0)
        plsc.subcore_barrier()
        pltpu.sync_copy(pooled_sh.at[pl.ds(s * rpt, rpt)],
                        out.at[c, pl.ds(s * rpt, rpt)])

    return pl.kernel(
        body,
        out_type=jax.ShapeDtypeStruct((NC, n_pad, d), F32),
        mesh=mesh,
        scratch_types=[
            pltpu.VMEM((1, K), I32),
            pltpu.VMEM((1, K), I32),
            pltpu.VMEM((1, K, LANES), F32),
            pltpu.VMEM((1, K, d), F32),
            pltpu.VMEM_SHARED((n_pad, d), F32),
            pltpu.SemaphoreType.DMA,
        ],
        interpret=interpret,
    )


@functools.cache
def _build_prep(n_pad, d, g, m, cdim, bn, interpret=False):
    nb = n_pad // bn

    def body(gids_ref, x_ref, cl_ref, ge_ref, idx_ref,
             P_ref, bias_ref, ph0_ref, tmp_ref, ci_s, tmp_s):
        i = pl.program_id(0)

        @pl.when(i == 0)
        def _():
            def gather_row(k, carry):
                ci_s[pl.ds(k, 1), :] = cl_ref[pl.ds(idx_ref[k], 1), :]
                return carry
            lax.fori_loop(0, g, gather_row, 0)
            t1 = lax.dot_general(ci_s[...], cl_ref[...],
                                 (((1,), (1,)), ((), ())),
                                 preferred_element_type=F32)
            t2 = lax.dot_general(t1, ge_ref[...],
                                 (((1,), (0,)), ((), ())),
                                 preferred_element_type=F32)
            tmp_s[...] = t2
            tmp_ref[...] = t2
            ph0_ref[...] = jnp.zeros((g, d), F32)

        ids = gids_ref[0, 0, :]
        iota_g = lax.broadcasted_iota(I32, (g, bn), 0)
        P_blk = (iota_g == ids[None, :]).astype(F32)
        P_ref[...] = P_blk
        bias_ref[...] = lax.dot_general(P_blk, tmp_s[...],
                                        (((0,), (0,)), ((), ())),
                                        preferred_element_type=F32)
        ph0_ref[...] += lax.dot_general(P_blk, x_ref[...],
                                        (((1,), (0,)), ((), ())),
                                        preferred_element_type=F32)

    return pl.pallas_call(
        body,
        grid=(nb,),
        in_specs=[
            pl.BlockSpec((1, 1, bn), lambda i: (i, 0, 0)),
            pl.BlockSpec((bn, d), lambda i: (i, 0)),
            pl.BlockSpec((m, cdim), lambda i: (0, 0)),
            pl.BlockSpec((m, d), lambda i: (0, 0)),
            pl.BlockSpec(memory_space=pltpu.SMEM),
        ],
        out_specs=[
            pl.BlockSpec((g, bn), lambda i: (0, i)),
            pl.BlockSpec((bn, d), lambda i: (i, 0)),
            pl.BlockSpec((g, d), lambda i: (0, 0)),
            pl.BlockSpec((g, d), lambda i: (0, 0)),
        ],
        out_shape=[
            jax.ShapeDtypeStruct((g, n_pad), F32),
            jax.ShapeDtypeStruct((n_pad, d), F32),
            jax.ShapeDtypeStruct((g, d), F32),
            jax.ShapeDtypeStruct((g, d), F32),
        ],
        scratch_shapes=[
            pltpu.VMEM((g, cdim), F32),
            pltpu.VMEM((g, d), F32),
        ],
        interpret=interpret,
    )


@functools.cache
def _build_layer(n_pad, d, g, bn, interpret=False):
    nb = n_pad // bn

    def body(parts_ref0, parts_ref1, bias_ref, P_ref,
             w1_ref, b1_ref, g1_ref, be1_ref, w2_ref, b2_ref, bng_ref, bnb_ref,
             h_ref, ph_ref):
        i = pl.program_id(0)
        pooled = parts_ref0[0] + parts_ref1[0] + bias_ref[...]
        h1 = lax.dot_general(pooled, w1_ref[...], (((1,), (1,)), ((), ())),
                             preferred_element_type=F32) + b1_ref[...]
        h1 = jnp.maximum(h1 * g1_ref[...] + be1_ref[...], 0.0)
        pr = lax.dot_general(h1, w2_ref[...], (((1,), (1,)), ((), ())),
                             preferred_element_type=F32) + b2_ref[...]
        h = jnp.maximum(pr * bng_ref[...] + bnb_ref[...], 0.0)
        h_ref[...] = h

        @pl.when(i == 0)
        def _():
            ph_ref[...] = jnp.zeros((g, d), F32)
        ph_ref[...] += lax.dot_general(P_ref[...], h, (((1,), (0,)), ((), ())),
                                       preferred_element_type=F32)

    vec = pl.BlockSpec((1, d), lambda i: (0, 0))
    return pl.pallas_call(
        body,
        grid=(nb,),
        in_specs=[
            pl.BlockSpec((1, bn, d), lambda i: (0, i, 0)),
            pl.BlockSpec((1, bn, d), lambda i: (1, i, 0)),
            pl.BlockSpec((bn, d), lambda i: (i, 0)),
            pl.BlockSpec((g, bn), lambda i: (0, i)),
            pl.BlockSpec((d, d), lambda i: (0, 0)),
            vec, vec, vec,
            pl.BlockSpec((d, d), lambda i: (0, 0)),
            vec, vec, vec,
        ],
        out_specs=[
            pl.BlockSpec((bn, d), lambda i: (i, 0)),
            pl.BlockSpec((g, d), lambda i: (0, 0)),
        ],
        out_shape=[
            jax.ShapeDtypeStruct((n_pad, d), F32),
            jax.ShapeDtypeStruct((g, d), F32),
        ],
        interpret=interpret,
    )


@functools.cache
def _build_readout(g, d, out_dim, n_layers, interpret=False):
    def body(ph_ref, pw_ref, pb_ref, score_ref):
        acc = jnp.zeros((g, out_dim), F32)
        for l in range(n_layers):
            acc += lax.dot_general(ph_ref[l], pw_ref[l],
                                   (((1,), (1,)), ((), ())),
                                   preferred_element_type=F32)
        acc += jnp.sum(pb_ref[...], axis=0)[None, :]
        score_ref[...] = acc

    return pl.pallas_call(
        body,
        out_shape=jax.ShapeDtypeStruct((g, out_dim), F32),
        interpret=interpret,
    )


def _forward_impl(x, edge_index, edge_weight, graph_ids, Cl, ge, idx,
                  mlp_W1, mlp_b1, mlp_g1, mlp_be1, mlp_W2, mlp_b2,
                  bn_g, bn_b, pred_W, pred_b, interpret=False):
    n, d = x.shape
    e = edge_weight.shape[0]
    g = idx.shape[0]
    m, cdim = Cl.shape
    n_layers = mlp_W1.shape[0]
    out_dim = pred_W.shape[1]

    bn = 1024
    n_pad = ((n + bn - 1) // bn) * bn
    e_per_w = -(-e // NW)
    n_chunks = -(-e_per_w // K)
    e_pad = NW * n_chunks * K

    dst = edge_index[0]
    src = edge_index[1]
    pad_e = e_pad - e
    src_p = jnp.concatenate([src, jnp.zeros((pad_e,), I32)])
    dst_p = jnp.concatenate([dst, (jnp.arange(pad_e, dtype=I32) % n)])
    w_p = jnp.concatenate([edge_weight, jnp.zeros((pad_e,), F32)])

    ntc = e_pad // K
    src2 = src_p.reshape(ntc, K)
    dst2 = dst_p.reshape(ntc, K)
    wrep = jnp.broadcast_to(w_p[:, None], (e_pad, LANES)).reshape(ntc, K, LANES)

    x_pad = jnp.concatenate([x, jnp.zeros((n_pad - n, d), F32)])
    gids_pad = jnp.concatenate(
        [graph_ids, jnp.full((n_pad - n,), g, I32)]).reshape(n_pad // bn, 1, bn)
    zeros_nd = jnp.zeros((n_pad, d), F32)

    spmm = _build_spmm(n_pad, d, n_chunks, interpret)
    prep = _build_prep(n_pad, d, g, m, cdim, bn, interpret)
    layer = _build_layer(n_pad, d, g, bn, interpret)
    readout = _build_readout(g, d, out_dim, n_layers + 1, interpret)

    P, bias, ph0, _tmp = prep(gids_pad, x_pad, Cl, ge, idx)
    phs = [ph0]
    h = x_pad
    for l in range(n_layers):
        parts = spmm(h, src2, dst2, wrep, zeros_nd)
        h, ph_l = layer(parts, parts, bias, P,
                        mlp_W1[l], mlp_b1[l][None, :], mlp_g1[l][None, :],
                        mlp_be1[l][None, :], mlp_W2[l], mlp_b2[l][None, :],
                        bn_g[l][None, :], bn_b[l][None, :])
        phs.append(ph_l)
    score = readout(jnp.stack(phs), pred_W, pred_b)
    return score


def kernel(x, edge_index, edge_weight, graph_ids, Cl, ge, idx,
           mlp_W1, mlp_b1, mlp_g1, mlp_be1, mlp_W2, mlp_b2,
           bn_g, bn_b, pred_W, pred_b):
    return _forward_impl(x, edge_index, edge_weight, graph_ids, Cl, ge, idx,
                         mlp_W1, mlp_b1, mlp_g1, mlp_be1, mlp_W2, mlp_b2,
                         bn_g, bn_b, pred_W, pred_b)

# --- scband reference (transcript-rebuilt; emitter-appended) ---
"""Pipeline reference for scband-gnn-59768764891453 (READ-ONLY COPY).

The authoritative reference and input builder live on the scoring server;
editing this copy changes nothing except your own understanding.
"""

import jax, jax.numpy as jnp
import numpy as np

N = 10000
E = 320000
D = 128
G = 64
M = 1024
C = 64
L = 4
OUT = 128

def setup_inputs(seed: int = 0):
    key = jax.random.key(seed)
    ks = jax.random.split(key, 12)
    inp = {}
    inp['x'] = jax.random.normal(ks[0], (N, D), dtype=jnp.float32)
    inp['edge_index'] = jax.random.randint(ks[1], (2, E), 0, N, dtype=jnp.int32)
    inp['edge_weight'] = jax.random.uniform(ks[2], (E,), dtype=jnp.float32)
    inp['graph_ids'] = jnp.sort(jax.random.randint(ks[3], (N,), 0, G, dtype=jnp.int32))
    inp['Cl'] = jax.random.normal(ks[4], (M, C), dtype=jnp.float32)
    inp['ge'] = jax.random.normal(ks[5], (M, D), dtype=jnp.float32)
    inp['idx'] = jax.random.randint(ks[6], (G,), 0, M, dtype=jnp.int32)
    inp['mlp_W1'] = jax.random.normal(ks[7], (L, D, D), dtype=jnp.float32) * 0.05
    inp['mlp_b1'] = jnp.zeros((L, D), dtype=jnp.float32)
    inp['mlp_g1'] = jnp.ones((L, D), dtype=jnp.float32)
    inp['mlp_be1'] = jnp.zeros((L, D), dtype=jnp.float32)
    inp['mlp_W2'] = jax.random.normal(ks[8], (L, D, D), dtype=jnp.float32) * 0.05
    inp['mlp_b2'] = jnp.zeros((L, D), dtype=jnp.float32)
    inp['bn_g'] = jnp.ones((L, D), dtype=jnp.float32)
    inp['bn_b'] = jnp.zeros((L, D), dtype=jnp.float32)
    inp['pred_W'] = jax.random.normal(ks[9], (L + 1, OUT, D), dtype=jnp.float32) * 0.05
    inp['pred_b'] = jnp.zeros((L + 1, OUT), dtype=jnp.float32)
    return inp

def _forward(x, edge_weight, Cl, ge, mlp_W1, mlp_b1, mlp_g1, mlp_be1, mlp_W2, mlp_b2, bn_g, bn_b, pred_W, pred_b, edge_index, graph_ids, idx):
    n = x.shape[0]
    g = idx.shape[0]
    dst = edge_index[0]
    src = edge_index[1]
    h = x
    hidden = [x]
    for layer in range(mlp_W1.shape[0]):
        # pooled = spmm(Adj_block, h): Adj[e0, e1] = w_e -> pooled[e0] += w_e * h[e1]
        msgs = edge_weight[:, None] * jnp.take(h, src, axis=0)
        pooled = jax.ops.segment_sum(msgs, dst, num_segments=n)
        # next_layer Cl branch: tmp = Cl[idx] @ Cl.T ; tmp = tmp @ ge ; pooled += graph_pool_n @ tmp
        tmp = jnp.matmul(jnp.take(Cl, idx, axis=0), Cl.T)
        tmp = jnp.matmul(tmp, ge)
        pooled = pooled + jnp.take(tmp, graph_ids, axis=0)
        # MLP (num_mlp_layers=2): relu(BN(W1 pooled + b1)) then W2 ... + b2; BN in eval (fresh running stats)
        h1 = jnp.matmul(pooled, mlp_W1[layer].T) + mlp_b1[layer]
        h1 = h1 * mlp_g1[layer] + mlp_be1[layer]
        h1 = jax.nn.relu(h1)
        pr = jnp.matmul(h1, mlp_W2[layer].T) + mlp_b2[layer]
        hh = pr * bn_g[layer] + bn_b[layer]
        h = jax.nn.relu(hh)
        hidden.append(h)
    # readout: sum over layers of linears_prediction[layer](spmm(graph_pool, h)); dropout is eval no-op
    score = jnp.zeros((g, pred_W.shape[1]), dtype=x.dtype)
    for layer in range(len(hidden)):
        pooled_h = jax.ops.segment_sum(hidden[layer], graph_ids, num_segments=g)
        score = score + jnp.matmul(pooled_h, pred_W[layer].T) + pred_b[layer]
    return score

def reference(x, edge_index, edge_weight, graph_ids, Cl, ge, idx, mlp_W1, mlp_b1, mlp_g1, mlp_be1, mlp_W2, mlp_b2, bn_g, bn_b, pred_W, pred_b):
    return _forward(x, edge_weight, Cl, ge, mlp_W1, mlp_b1, mlp_g1, mlp_be1, mlp_W2, mlp_b2, bn_g, bn_b, pred_W, pred_b, edge_index, graph_ids, idx)

if __name__ == "__main__":
    import jax
    _d = setup_inputs()
    print(jax.jit(kernel)(*tuple(_d.values())))

</pallas_src>

<mosaic_0001>
#map = affine_map<(d0, d1) -> (0, 0)>
#map1 = affine_map<(d0, d1) -> (0, 0, 0)>
module attributes {stable_mosaic.version = 14 : i64} {
  func.func @body(%arg0: i32, %arg1: i32, %arg2: memref<10240x128xf32, #tpu.memory_space<hbm>>, %arg3: memref<2528x128xi32, #tpu.memory_space<hbm>>, %arg4: memref<2528x128xi32, #tpu.memory_space<hbm>>, %arg5: memref<2528x128x16xf32, #tpu.memory_space<hbm>>, %arg6: memref<10240x128xf32, #tpu.memory_space<hbm>>, %arg7: memref<2x10240x128xf32, #tpu.memory_space<hbm>>, %arg8: memref<1x128xi32, #tpu.memory_space<vmem>>, %arg9: memref<1x128xi32, #tpu.memory_space<vmem>>, %arg10: memref<1x128x16xf32, #tpu.memory_space<vmem>>, %arg11: memref<1x128x128xf32, #tpu.memory_space<vmem>>, %arg12: memref<10240x128xf32, #tpu.memory_space<vmem_shared>>, %arg13: memref<!tpu.dma_semaphore, #tpu.memory_space<semaphore_mem>>) attributes {dimension_semantics = [#tpu.dimension_semantics<core_parallel>, #tpu.dimension_semantics<subcore_parallel>], iteration_bounds = array<i64: 2, 16>, scalar_prefetch = 0 : i64, scratch_operands = 6 : i64, tpu.core_type = #tpu.core_type<sc_vector_subcore>, window_params = [{transform_indices = #map}, {transform_indices = #map}, {transform_indices = #map}, {transform_indices = #map1}, {transform_indices = #map}, {transform_indices = #map1}]} {
    %mul3A = arith.constant 2 : i32
    %mul3A_0 = arith.muli %arg1, %mul3A : i32
    %add3A = arith.addi %mul3A_0, %arg0 : i32
    %mul3A_1 = arith.constant 640 : i32
    %mul3A_2 = arith.muli %arg1, %mul3A_1 : i32
    %mul3A_3 = arith.constant 640 : i32
    %mul3A_4 = arith.muli %arg1, %mul3A_3 : i32
    "tpu.region"() ({
      %run_scoped3A = tpu.sem_alloc : memref<!tpu.dma_semaphore, #tpu.memory_space<semaphore_mem>>
      %dma_start3A = arith.constant 0 : i32
      %dma_start3A_17 = tpu.memref_slice %arg12[%mul3A_4, %dma_start3A] : memref<10240x128xf32, #tpu.memory_space<vmem_shared>> -> memref<640x128xf32, #tpu.memory_space<vmem_shared>>
      %dma_start3A_18 = arith.constant 0 : i32
      %dma_start3A_19 = tpu.memref_slice %arg6[%mul3A_2, %dma_start3A_18] : memref<10240x128xf32, #tpu.memory_space<hbm>> -> memref<640x128xf32, #tpu.memory_space<hbm>>
      tpu.enqueue_dma source(%dma_start3A_19 : memref<640x128xf32, #tpu.memory_space<hbm>>) target(%dma_start3A_17 : memref<640x128xf32, #tpu.memory_space<vmem_shared>>) target_semaphore(%run_scoped3A : memref<!tpu.dma_semaphore, #tpu.memory_space<semaphore_mem>>)
      %dma_wait3A = arith.constant 0 : i32
      %dma_wait3A_20 = tpu.memref_slice %arg12[%mul3A_4, %dma_wait3A] : memref<10240x128xf32, #tpu.memory_space<vmem_shared>> -> memref<640x128xf32, #tpu.memory_space<vmem_shared>>
      %dma_wait3A_21 = arith.constant 0 : i32
      %dma_wait3A_22 = tpu.memref_slice %arg6[%mul3A_2, %dma_wait3A_21] : memref<10240x128xf32, #tpu.memory_space<hbm>> -> memref<640x128xf32, #tpu.memory_space<hbm>>
      tpu.wait_dma2 semaphore(%run_scoped3A : memref<!tpu.dma_semaphore, #tpu.memory_space<semaphore_mem>>) src(%dma_wait3A_22 : memref<640x128xf32, #tpu.memory_space<hbm>>) dst(%dma_wait3A_20 : memref<640x128xf32, #tpu.memory_space<vmem_shared>>)
      tpu.yield
    }) : () -> ()
    %barrier3A = arith.constant 0 : index
    tpu.barrier barrier_id(%barrier3A)
    %mul3A_5 = arith.constant 79 : i32
    %mul3A_6 = arith.muli %add3A, %mul3A_5 : i32
    %scan3A = arith.constant 0 : i32
    %scan3A_7 = arith.constant 0 : i32
    %scan3A_8 = arith.constant 79 : i32
    %scan3A_9 = arith.addi %scan3A_7, %scan3A_8 : i32
    %scan3A_10 = arith.constant 1 : i32
    scf.for %scan3A_17 = %scan3A_7 to %scan3A_9 step %scan3A_10  : i32 {
      %add3A_18 = arith.addi %mul3A_6, %scan3A_17 : i32
      %run_scoped3A = arith.constant 0 : i32
      "tpu.region"() ({
        %run_scoped3A_51 = tpu.sem_alloc : memref<!tpu.dma_semaphore, #tpu.memory_space<semaphore_mem>>
        %dma_start3A_52 = arith.constant 0 : i32
        %dma_start3A_53 = tpu.memref_slice %arg8[%run_scoped3A, %dma_start3A_52] : memref<1x128xi32, #tpu.memory_space<vmem>> -> memref<1x128xi32, #tpu.memory_space<vmem>>
        %dma_start3A_54 = tpu.memref_squeeze %dma_start3A_53 : memref<1x128xi32, #tpu.memory_space<vmem>> -> memref<128xi32, #tpu.memory_space<vmem>>
        %dma_start3A_55 = arith.constant 0 : i32
        %dma_start3A_56 = tpu.memref_slice %arg3[%add3A_18, %dma_start3A_55] : memref<2528x128xi32, #tpu.memory_space<hbm>> -> memref<1x128xi32, #tpu.memory_space<hbm>>
        %dma_start3A_57 = tpu.memref_squeeze %dma_start3A_56 : memref<1x128xi32, #tpu.memory_space<hbm>> -> memref<128xi32, #tpu.memory_space<hbm>>
        %dma_start3A_58 = arith.constant 0 : i32
        %dma_start3A_59 = tpu.memref_slice %arg8[%run_scoped3A, %dma_start3A_58] : memref<1x128xi32, #tpu.memory_space<vmem>> -> memref<1x128xi32, #tpu.memory_space<vmem>>
        %dma_start3A_60 = tpu.memref_squeeze %dma_start3A_59 : memref<1x128xi32, #tpu.memory_space<vmem>> -> memref<128xi32, #tpu.memory_space<vmem>>
        %dma_start3A_61 = arith.constant 0 : i32
        %dma_start3A_62 = tpu.memref_slice %arg3[%add3A_18, %dma_start3A_61] : memref<2528x128xi32, #tpu.memory_space<hbm>> -> memref<1x128xi32, #tpu.memory_space<hbm>>
        %dma_start3A_63 = tpu.memref_squeeze %dma_start3A_62 : memref<1x128xi32, #tpu.memory_space<hbm>> -> memref<128xi32, #tpu.memory_space<hbm>>
        tpu.enqueue_dma source(%dma_start3A_63 : memref<128xi32, #tpu.memory_space<hbm>>) target(%dma_start3A_60 : memref<128xi32, #tpu.memory_space<vmem>>) target_semaphore(%run_scoped3A_51 : memref<!tpu.dma_semaphore, #tpu.memory_space<semaphore_mem>>)
        %dma_wait3A_64 = arith.constant 0 : i32
        %dma_wait3A_65 = tpu.memref_slice %arg8[%run_scoped3A, %dma_wait3A_64] : memref<1x128xi32, #tpu.memory_space<vmem>> -> memref<1x128xi32, #tpu.memory_space<vmem>>
        %dma_wait3A_66 = tpu.memref_squeeze %dma_wait3A_65 : memref<1x128xi32, #tpu.memory_space<vmem>> -> memref<128xi32, #tpu.memory_space<vmem>>
        %dma_wait3A_67 = arith.constant 0 : i32
        %dma_wait3A_68 = tpu.memref_slice %arg3[%add3A_18, %dma_wait3A_67] : memref<2528x128xi32, #tpu.memory_space<hbm>> -> memref<1x128xi32, #tpu.memory_space<hbm>>
        %dma_wait3A_69 = tpu.memref_squeeze %dma_wait3A_68 : memref<1x128xi32, #tpu.memory_space<hbm>> -> memref<128xi32, #tpu.memory_space<hbm>>
        %dma_wait3A_70 = arith.constant 0 : i32
        %dma_wait3A_71 = tpu.memref_slice %arg8[%run_scoped3A, %dma_wait3A_70] : memref<1x128xi32, #tpu.memory_space<vmem>> -> memref<1x128xi32, #tpu.memory_space<vmem>>
        %dma_wait3A_72 = tpu.memref_squeeze %dma_wait3A_71 : memref<1x128xi32, #tpu.memory_space<vmem>> -> memref<128xi32, #tpu.memory_space<vmem>>
        %dma_wait3A_73 = arith.constant 0 : i32
        %dma_wait3A_74 = tpu.memref_slice %arg3[%add3A_18, %dma_wait3A_73] : memref<2528x128xi32, #tpu.memory_space<hbm>> -> memref<1x128xi32, #tpu.memory_space<hbm>>
        %dma_wait3A_75 = tpu.memref_squeeze %dma_wait3A_74 : memref<1x128xi32, #tpu.memory_space<hbm>> -> memref<128xi32, #tpu.memory_space<hbm>>
        tpu.wait_dma2 semaphore(%run_scoped3A_51 : memref<!tpu.dma_semaphore, #tpu.memory_space<semaphore_mem>>) src(%dma_wait3A_75 : memref<128xi32, #tpu.memory_space<hbm>>) dst(%dma_wait3A_72 : memref<128xi32, #tpu.memory_space<vmem>>)
        tpu.yield
      }) : () -> ()
      %run_scoped3A_19 = arith.constant 0 : i32
      "tpu.region"() ({
        %run_scoped3A_51 = tpu.sem_alloc : memref<!tpu.dma_semaphore, #tpu.memory_space<semaphore_mem>>
        %dma_start3A_52 = arith.constant 0 : i32
        %dma_start3A_53 = tpu.memref_slice %arg9[%run_scoped3A_19, %dma_start3A_52] : memref<1x128xi32, #tpu.memory_space<vmem>> -> memref<1x128xi32, #tpu.memory_space<vmem>>
        %dma_start3A_54 = tpu.memref_squeeze %dma_start3A_53 : memref<1x128xi32, #tpu.memory_space<vmem>> -> memref<128xi32, #tpu.memory_space<vmem>>
        %dma_start3A_55 = arith.constant 0 : i32
        %dma_start3A_56 = tpu.memref_slice %arg4[%add3A_18, %dma_start3A_55] : memref<2528x128xi32, #tpu.memory_space<hbm>> -> memref<1x128xi32, #tpu.memory_space<hbm>>
        %dma_start3A_57 = tpu.memref_squeeze %dma_start3A_56 : memref<1x128xi32, #tpu.memory_space<hbm>> -> memref<128xi32, #tpu.memory_space<hbm>>
        %dma_start3A_58 = arith.constant 0 : i32
        %dma_start3A_59 = tpu.memref_slice %arg9[%run_scoped3A_19, %dma_start3A_58] : memref<1x128xi32, #tpu.memory_space<vmem>> -> memref<1x128xi32, #tpu.memory_space<vmem>>
        %dma_start3A_60 = tpu.memref_squeeze %dma_start3A_59 : memref<1x128xi32, #tpu.memory_space<vmem>> -> memref<128xi32, #tpu.memory_space<vmem>>
        %dma_start3A_61 = arith.constant 0 : i32
        %dma_start3A_62 = tpu.memref_slice %arg4[%add3A_18, %dma_start3A_61] : memref<2528x128xi32, #tpu.memory_space<hbm>> -> memref<1x128xi32, #tpu.memory_space<hbm>>
        %dma_start3A_63 = tpu.memref_squeeze %dma_start3A_62 : memref<1x128xi32, #tpu.memory_space<hbm>> -> memref<128xi32, #tpu.memory_space<hbm>>
        tpu.enqueue_dma source(%dma_start3A_63 : memref<128xi32, #tpu.memory_space<hbm>>) target(%dma_start3A_60 : memref<128xi32, #tpu.memory_space<vmem>>) target_semaphore(%run_scoped3A_51 : memref<!tpu.dma_semaphore, #tpu.memory_space<semaphore_mem>>)
        %dma_wait3A_64 = arith.constant 0 : i32
        %dma_wait3A_65 = tpu.memref_slice %arg9[%run_scoped3A_19, %dma_wait3A_64] : memref<1x128xi32, #tpu.memory_space<vmem>> -> memref<1x128xi32, #tpu.memory_space<vmem>>
        %dma_wait3A_66 = tpu.memref_squeeze %dma_wait3A_65 : memref<1x128xi32, #tpu.memory_space<vmem>> -> memref<128xi32, #tpu.memory_space<vmem>>
        %dma_wait3A_67 = arith.constant 0 : i32
        %dma_wait3A_68 = tpu.memref_slice %arg4[%add3A_18, %dma_wait3A_67] : memref<2528x128xi32, #tpu.memory_space<hbm>> -> memref<1x128xi32, #tpu.memory_space<hbm>>
        %dma_wait3A_69 = tpu.memref_squeeze %dma_wait3A_68 : memref<1x128xi32, #tpu.memory_space<hbm>> -> memref<128xi32, #tpu.memory_space<hbm>>
        %dma_wait3A_70 = arith.constant 0 : i32
        %dma_wait3A_71 = tpu.memref_slice %arg9[%run_scoped3A_19, %dma_wait3A_70] : memref<1x128xi32, #tpu.memory_space<vmem>> -> memref<1x128xi32, #tpu.memory_space<vmem>>
        %dma_wait3A_72 = tpu.memref_squeeze %dma_wait3A_71 : memref<1x128xi32, #tpu.memory_space<vmem>> -> memref<128xi32, #tpu.memory_space<vmem>>
        %dma_wait3A_73 = arith.constant 0 : i32
        %dma_wait3A_74 = tpu.memref_slice %arg4[%add3A_18, %dma_wait3A_73] : memref<2528x128xi32, #tpu.memory_space<hbm>> -> memref<1x128xi32, #tpu.memory_space<hbm>>
        %dma_wait3A_75 = tpu.memref_squeeze %dma_wait3A_74 : memref<1x128xi32, #tpu.memory_space<hbm>> -> memref<128xi32, #tpu.memory_space<hbm>>
        tpu.wait_dma2 semaphore(%run_scoped3A_51 : memref<!tpu.dma_semaphore, #tpu.memory_space<semaphore_mem>>) src(%dma_wait3A_75 : memref<128xi32, #tpu.memory_space<hbm>>) dst(%dma_wait3A_72 : memref<128xi32, #tpu.memory_space<vmem>>)
        tpu.yield
      }) : () -> ()
      %run_scoped3A_20 = arith.constant 0 : i32
      "tpu.region"() ({
        %run_scoped3A_51 = tpu.sem_alloc : memref<!tpu.dma_semaphore, #tpu.memory_space<semaphore_mem>>
        %dma_start3A_52 = arith.constant 0 : i32
        %dma_start3A_53 = arith.constant 0 : i32
        %dma_start3A_54 = tpu.memref_slice %arg10[%run_scoped3A_20, %dma_start3A_52, %dma_start3A_53] : memref<1x128x16xf32, #tpu.memory_space<vmem>> -> memref<1x128x16xf32, #tpu.memory_space<vmem>>
        %dma_start3A_55 = tpu.memref_squeeze %dma_start3A_54 : memref<1x128x16xf32, #tpu.memory_space<vmem>> -> memref<128x16xf32, #tpu.memory_space<vmem>>
        %dma_start3A_56 = arith.constant 0 : i32
        %dma_start3A_57 = arith.constant 0 : i32
        %dma_start3A_58 = tpu.memref_slice %arg5[%add3A_18, %dma_start3A_56, %dma_start3A_57] : memref<2528x128x16xf32, #tpu.memory_space<hbm>> -> memref<1x128x16xf32, #tpu.memory_space<hbm>>
        %dma_start3A_59 = tpu.memref_squeeze %dma_start3A_58 : memref<1x128x16xf32, #tpu.memory_space<hbm>> -> memref<128x16xf32, #tpu.memory_space<hbm>>
        %dma_start3A_60 = arith.constant 0 : i32
        %dma_start3A_61 = arith.constant 0 : i32
        %dma_start3A_62 = tpu.memref_slice %arg10[%run_scoped3A_20, %dma_start3A_60, %dma_start3A_61] : memref<1x128x16xf32, #tpu.memory_space<vmem>> -> memref<1x128x16xf32, #tpu.memory_space<vmem>>
        %dma_start3A_63 = tpu.memref_squeeze %dma_start3A_62 : memref<1x128x16xf32, #tpu.memory_space<vmem>> -> memref<128x16xf32, #tpu.memory_space<vmem>>
        %dma_start3A_64 = arith.constant 0 : i32
        %dma_start3A_65 = arith.constant 0 : i32
        %dma_start3A_66 = tpu.memref_slice %arg5[%add3A_18, %dma_start3A_64, %dma_start3A_65] : memref<2528x128x16xf32, #tpu.memory_space<hbm>> -> memref<1x128x16xf32, #tpu.memory_space<hbm>>
        %dma_start3A_67 = tpu.memref_squeeze %dma_start3A_66 : memref<1x128x16xf32, #tpu.memory_space<hbm>> -> memref<128x16xf32, #tpu.memory_space<hbm>>
        tpu.enqueue_dma source(%dma_start3A_67 : memref<128x16xf32, #tpu.memory_space<hbm>>) target(%dma_start3A_63 : memref<128x16xf32, #tpu.memory_space<vmem>>) target_semaphore(%run_scoped3A_51 : memref<!tpu.dma_semaphore, #tpu.memory_space<semaphore_mem>>)
        %dma_wait3A_68 = arith.constant 0 : i32
        %dma_wait3A_69 = arith.constant 0 : i32
        %dma_wait3A_70 = tpu.memref_slice %arg10[%run_scoped3A_20, %dma_wait3A_68, %dma_wait3A_69] : memref<1x128x16xf32, #tpu.memory_space<vmem>> -> memref<1x128x16xf32, #tpu.memory_space<vmem>>
        %dma_wait3A_71 = tpu.memref_squeeze %dma_wait3A_70 : memref<1x128x16xf32, #tpu.memory_space<vmem>> -> memref<128x16xf32, #tpu.memory_space<vmem>>
        %dma_wait3A_72 = arith.constant 0 : i32
        %dma_wait3A_73 = arith.constant 0 : i32
        %dma_wait3A_74 = tpu.memref_slice %arg5[%add3A_18, %dma_wait3A_72, %dma_wait3A_73] : memref<2528x128x16xf32, #tpu.memory_space<hbm>> -> memref<1x128x16xf32, #tpu.memory_space<hbm>>
        %dma_wait3A_75 = tpu.memref_squeeze %dma_wait3A_74 : memref<1x128x16xf32, #tpu.memory_space<hbm>> -> memref<128x16xf32, #tpu.memory_space<hbm>>
        %dma_wait3A_76 = arith.constant 0 : i32
        %dma_wait3A_77 = arith.constant 0 : i32
        %dma_wait3A_78 = tpu.memref_slice %arg10[%run_scoped3A_20, %dma_wait3A_76, %dma_wait3A_77] : memref<1x128x16xf32, #tpu.memory_space<vmem>> -> memref<1x128x16xf32, #tpu.memory_space<vmem>>
        %dma_wait3A_79 = tpu.memref_squeeze %dma_wait3A_78 : memref<1x128x16xf32, #tpu.memory_space<vmem>> -> memref<128x16xf32, #tpu.memory_space<vmem>>
        %dma_wait3A_80 = arith.constant 0 : i32
        %dma_wait3A_81 = arith.constant 0 : i32
        %dma_wait3A_82 = tpu.memref_slice %arg5[%add3A_18, %dma_wait3A_80, %dma_wait3A_81] : memref<2528x128x16xf32, #tpu.memory_space<hbm>> -> memref<1x128x16xf32, #tpu.memory_space<hbm>>
        %dma_wait3A_83 = tpu.memref_squeeze %dma_wait3A_82 : memref<1x128x16xf32, #tpu.memory_space<hbm>> -> memref<128x16xf32, #tpu.memory_space<hbm>>
        tpu.wait_dma2 semaphore(%run_scoped3A_51 : memref<!tpu.dma_semaphore, #tpu.memory_space<semaphore_mem>>) src(%dma_wait3A_83 : memref<128x16xf32, #tpu.memory_space<hbm>>) dst(%dma_wait3A_79 : memref<128x16xf32, #tpu.memory_space<vmem>>)
        tpu.yield
      }) : () -> ()
      %dma_start3A = arith.constant 0 : i32
      %dma_start3A_21 = arith.constant 0 : i32
      %dma_start3A_22 = arith.constant 0 : i32
      %dma_start3A_23 = arith.constant 0 : i32
      %dma_start3A_24 = tpu.memref_slice %arg11[%dma_start3A_21, %dma_start3A_22, %dma_start3A_23] : memref<1x128x128xf32, #tpu.memory_space<vmem>> -> memref<1x128x128xf32, #tpu.memory_space<vmem>>
      %dma_start3A_25 = tpu.memref_squeeze %dma_start3A_24 : memref<1x128x128xf32, #tpu.memory_space<vmem>> -> memref<128x128xf32, #tpu.memory_space<vmem>>
      %dma_start3A_26 = arith.constant 0 : i32
      %dma_start3A_27 = tpu.memref_slice %arg8[%dma_start3A, %dma_start3A_26] : memref<1x128xi32, #tpu.memory_space<vmem>> -> memref<1x128xi32, #tpu.memory_space<vmem>>
      %dma_start3A_28 = tpu.memref_squeeze %dma_start3A_27 : memref<1x128xi32, #tpu.memory_space<vmem>> -> memref<128xi32, #tpu.memory_space<vmem>>
      %dma_start3A_29 = arith.constant 0 : i32
      %dma_start3A_30 = arith.constant 0 : i32
      %dma_start3A_31 = tpu.memref_slice %arg2[%dma_start3A_29, %dma_start3A_30] : memref<10240x128xf32, #tpu.memory_space<hbm>> -> memref<10240x128xf32, #tpu.memory_space<hbm>>
      tpu.enqueue_indirect_dma source(%dma_start3A_31 : memref<10240x128xf32, #tpu.memory_space<hbm>>) target(%dma_start3A_25 : memref<128x128xf32, #tpu.memory_space<vmem>>) offsets(%dma_start3A_28 : memref<128xi32, #tpu.memory_space<vmem>>) semaphore(%arg13 : memref<!tpu.dma_semaphore, #tpu.memory_space<semaphore_mem>>)
      %dma_wait3A = arith.constant 0 : i32
      %dma_wait3A_32 = arith.constant 0 : i32
      %dma_wait3A_33 = arith.constant 0 : i32
      %dma_wait3A_34 = arith.constant 0 : i32
      %dma_wait3A_35 = tpu.memref_slice %arg11[%dma_wait3A_32, %dma_wait3A_33, %dma_wait3A_34] : memref<1x128x128xf32, #tpu.memory_space<vmem>> -> memref<1x128x128xf32, #tpu.memory_space<vmem>>
      %dma_wait3A_36 = tpu.memref_squeeze %dma_wait3A_35 : memref<1x128x128xf32, #tpu.memory_space<vmem>> -> memref<128x128xf32, #tpu.memory_space<vmem>>
      %dma_wait3A_37 = arith.constant 0 : i32
      %dma_wait3A_38 = tpu.memref_slice %arg8[%dma_wait3A, %dma_wait3A_37] : memref<1x128xi32, #tpu.memory_space<vmem>> -> memref<1x128xi32, #tpu.memory_space<vmem>>
      %dma_wait3A_39 = tpu.memref_squeeze %dma_wait3A_38 : memref<1x128xi32, #tpu.memory_space<vmem>> -> memref<128xi32, #tpu.memory_space<vmem>>
      %dma_wait3A_40 = arith.constant 0 : i32
      %dma_wait3A_41 = arith.constant 0 : i32
      %dma_wait3A_42 = tpu.memref_slice %arg2[%dma_wait3A_40, %dma_wait3A_41] : memref<10240x128xf32, #tpu.memory_space<hbm>> -> memref<10240x128xf32, #tpu.memory_space<hbm>>
      tpu.wait_indirect_dma semaphore(%arg13 : memref<!tpu.dma_semaphore, #tpu.memory_space<semaphore_mem>>) src(%dma_wait3A_42 : memref<10240x128xf32, #tpu.memory_space<hbm>>) dst(%dma_wait3A_36 : memref<128x128xf32, #tpu.memory_space<vmem>>)
      %scan3A_43 = arith.constant 0 : i32
      %scan3A_44 = arith.constant 0 : i32
      %scan3A_45 = arith.constant 128 : i32
      %scan3A_46 = arith.addi %scan3A_44, %scan3A_45 : i32
      %scan3A_47 = arith.constant 1 : i32
      scf.for %scan3A_51 = %scan3A_44 to %scan3A_46 step %scan3A_47  : i32 {
        %get3A = arith.constant 0 : i32
        %get3A_52 = arith.index_cast %get3A : i32 to index
        %get3A_53 = arith.index_cast %scan3A_51 : i32 to index
        %get3A_54 = arith.constant 0 : index
        %get3A_55 = tpu.vector_load %arg10[%get3A_52, %get3A_53, %get3A_54] {strides = array<i32>} : memref<1x128x16xf32, #tpu.memory_space<vmem>>, vector<1x1x16xf32>,
        %get3A_56 = vector.shape_cast %get3A_55 : vector<1x1x16xf32> to vector<16xf32>
        %get3A_57 = arith.constant 0 : i32
        %get3A_58 = arith.index_cast %get3A_57 : i32 to index
        %get3A_59 = arith.index_cast %scan3A_51 : i32 to index
        %get3A_60 = arith.constant 0 : index
        %get3A_61 = tpu.vector_load %arg11[%get3A_58, %get3A_59, %get3A_60] {strides = array<i32>} : memref<1x128x128xf32, #tpu.memory_space<vmem>>, vector<1x1x16xf32>,
        %get3A_62 = vector.shape_cast %get3A_61 : vector<1x1x16xf32> to vector<16xf32>
        %mul3A_63 = arith.mulf %get3A_62, %get3A_56 : vector<16xf32>
        %swap3A = arith.constant 0 : i32
        %swap3A_64 = arith.index_cast %swap3A : i32 to index
        %swap3A_65 = arith.index_cast %scan3A_51 : i32 to index
        %swap3A_66 = arith.constant 0 : index
        %swap3A_67 = tpu.vector_load %arg11[%swap3A_64, %swap3A_65, %swap3A_66] {strides = array<i32>} : memref<1x128x128xf32, #tpu.memory_space<vmem>>, vector<1x1x16xf32>,
        %swap3A_68 = vector.shape_cast %swap3A_67 : vector<1x1x16xf32> to vector<16xf32>
        %swap3A_69 = vector.shape_cast %mul3A_63 : vector<16xf32> to vector<1x1x16xf32>
        tpu.vector_store %arg11[%swap3A_64, %swap3A_65, %swap3A_66], %swap3A_69 {strides = array<i32>} : memref<1x128x128xf32, #tpu.memory_space<vmem>>, vector<1x1x16xf32>,
        %get3A_70 = arith.constant 0 : i32
        %get3A_71 = arith.index_cast %get3A_70 : i32 to index
        %get3A_72 = arith.index_cast %scan3A_51 : i32 to index
        %get3A_73 = arith.constant 16 : index
        %get3A_74 = tpu.vector_load %arg11[%get3A_71, %get3A_72, %get3A_73] {strides = array<i32>} : memref<1x128x128xf32, #tpu.memory_space<vmem>>, vector<1x1x16xf32>,
        %get3A_75 = vector.shape_cast %get3A_74 : vector<1x1x16xf32> to vector<16xf32>
        %mul3A_76 = arith.mulf %get3A_75, %get3A_56 : vector<16xf32>
        %swap3A_77 = arith.constant 0 : i32
        %swap3A_78 = arith.index_cast %swap3A_77 : i32 to index
        %swap3A_79 = arith.index_cast %scan3A_51 : i32 to index
        %swap3A_80 = arith.constant 16 : index
        %swap3A_81 = tpu.vector_load %arg11[%swap3A_78, %swap3A_79, %swap3A_80] {strides = array<i32>} : memref<1x128x128xf32, #tpu.memory_space<vmem>>, vector<1x1x16xf32>,
        %swap3A_82 = vector.shape_cast %swap3A_81 : vector<1x1x16xf32> to vector<16xf32>
        %swap3A_83 = vector.shape_cast %mul3A_76 : vector<16xf32> to vector<1x1x16xf32>
        tpu.vector_store %arg11[%swap3A_78, %swap3A_79, %swap3A_80], %swap3A_83 {strides = array<i32>} : memref<1x128x128xf32, #tpu.memory_space<vmem>>, vector<1x1x16xf32>,
        %get3A_84 = arith.constant 0 : i32
        %get3A_85 = arith.index_cast %get3A_84 : i32 to index
        %get3A_86 = arith.index_cast %scan3A_51 : i32 to index
        %get3A_87 = arith.constant 32 : index
        %get3A_88 = tpu.vector_load %arg11[%get3A_85, %get3A_86, %get3A_87] {strides = array<i32>} : memref<1x128x128xf32, #tpu.memory_space<vmem>>, vector<1x1x16xf32>,
        %get3A_89 = vector.shape_cast %get3A_88 : vector<1x1x16xf32> to vector<16xf32>
        %mul3A_90 = arith.mulf %get3A_89, %get3A_56 : vector<16xf32>
        %swap3A_91 = arith.constant 0 : i32
        %swap3A_92 = arith.index_cast %swap3A_91 : i32 to index
        %swap3A_93 = arith.index_cast %scan3A_51 : i32 to index
        %swap3A_94 = arith.constant 32 : index
        %swap3A_95 = tpu.vector_load %arg11[%swap3A_92, %swap3A_93, %swap3A_94] {strides = array<i32>} : memref<1x128x128xf32, #tpu.memory_space<vmem>>, vector<1x1x16xf32>,
        %swap3A_96 = vector.shape_cast %swap3A_95 : vector<1x1x16xf32> to vector<16xf32>
        %swap3A_97 = vector.shape_cast %mul3A_90 : vector<16xf32> to vector<1x1x16xf32>
        tpu.vector_store %arg11[%swap3A_92, %swap3A_93, %swap3A_94], %swap3A_97 {strides = array<i32>} : memref<1x128x128xf32, #tpu.memory_space<vmem>>, vector<1x1x16xf32>,
        %get3A_98 = arith.constant 0 : i32
        %get3A_99 = arith.index_cast %get3A_98 : i32 to index
        %get3A_100 = arith.index_cast %scan3A_51 : i32 to index
        %get3A_101 = arith.constant 48 : index
        %get3A_102 = tpu.vector_load %arg11[%get3A_99, %get3A_100, %get3A_101] {strides = array<i32>} : memref<1x128x128xf32, #tpu.memory_space<vmem>>, vector<1x1x16xf32>,
        %get3A_103 = vector.shape_cast %get3A_102 : vector<1x1x16xf32> to vector<16xf32>
        %mul3A_104 = arith.mulf %get3A_103, %get3A_56 : vector<16xf32>
        %swap3A_105 = arith.constant 0 : i32
        %swap3A_106 = arith.index_cast %swap3A_105 : i32 to index
        %swap3A_107 = arith.index_cast %scan3A_51 : i32 to index
        %swap3A_108 = arith.constant 48 : index
        %swap3A_109 = tpu.vector_load %arg11[%swap3A_106, %swap3A_107, %swap3A_108] {strides = array<i32>} : memref<1x128x128xf32, #tpu.memory_space<vmem>>, vector<1x1x16xf32>,
        %swap3A_110 = vector.shape_cast %swap3A_109 : vector<1x1x16xf32> to vector<16xf32>
        %swap3A_111 = vector.shape_cast %mul3A_104 : vector<16xf32> to vector<1x1x16xf32>
        tpu.vector_store %arg11[%swap3A_106, %swap3A_107, %swap3A_108], %swap3A_111 {strides = array<i32>} : memref<1x128x128xf32, #tpu.memory_space<vmem>>, vector<1x1x16xf32>,
        %get3A_112 = arith.constant 0 : i32
        %get3A_113 = arith.index_cast %get3A_112 : i32 to index
        %get3A_114 = arith.index_cast %scan3A_51 : i32 to index
        %get3A_115 = arith.constant 64 : index
        %get3A_116 = tpu.vector_load %arg11[%get3A_113, %get3A_114, %get3A_115] {strides = array<i32>} : memref<1x128x128xf32, #tpu.memory_space<vmem>>, vector<1x1x16xf32>,
        %get3A_117 = vector.shape_cast %get3A_116 : vector<1x1x16xf32> to vector<16xf32>
        %mul3A_118 = arith.mulf %get3A_117, %get3A_56 : vector<16xf32>
        %swap3A_119 = arith.constant 0 : i32
        %swap3A_120 = arith.index_cast %swap3A_119 : i32 to index
        %swap3A_121 = arith.index_cast %scan3A_51 : i32 to index
        %swap3A_122 = arith.constant 64 : index
        %swap3A_123 = tpu.vector_load %arg11[%swap3A_120, %swap3A_121, %swap3A_122] {strides = array<i32>} : memref<1x128x128xf32, #tpu.memory_space<vmem>>, vector<1x1x16xf32>,
        %swap3A_124 = vector.shape_cast %swap3A_123 : vector<1x1x16xf32> to vector<16xf32>
        %swap3A_125 = vector.shape_cast %mul3A_118 : vector<16xf32> to vector<1x1x16xf32>
        tpu.vector_store %arg11[%swap3A_120, %swap3A_121, %swap3A_122], %swap3A_125 {strides = array<i32>} : memref<1x128x128xf32, #tpu.memory_space<vmem>>, vector<1x1x16xf32>,
        %get3A_126 = arith.constant 0 : i32
        %get3A_127 = arith.index_cast %get3A_126 : i32 to index
        %get3A_128 = arith.index_cast %scan3A_51 : i32 to index
        %get3A_129 = arith.constant 80 : index
        %get3A_130 = tpu.vector_load %arg11[%get3A_127, %get3A_128, %get3A_129] {strides = array<i32>} : memref<1x128x128xf32, #tpu.memory_space<vmem>>, vector<1x1x16xf32>,
        %get3A_131 = vector.shape_cast %get3A_130 : vector<1x1x16xf32> to vector<16xf32>
        %mul3A_132 = arith.mulf %get3A_131, %get3A_56 : vector<16xf32>
        %swap3A_133 = arith.constant 0 : i32
        %swap3A_134 = arith.index_cast %swap3A_133 : i32 to index
        %swap3A_135 = arith.index_cast %scan3A_51 : i32 to index
        %swap3A_136 = arith.constant 80 : index
        %swap3A_137 = tpu.vector_load %arg11[%swap3A_134, %swap3A_135, %swap3A_136] {strides = array<i32>} : memref<1x128x128xf32, #tpu.memory_space<vmem>>, vector<1x1x16xf32>,
        %swap3A_138 = vector.shape_cast %swap3A_137 : vector<1x1x16xf32> to vector<16xf32>
        %swap3A_139 = vector.shape_cast %mul3A_132 : vector<16xf32> to vector<1x1x16xf32>
        tpu.vector_store %arg11[%swap3A_134, %swap3A_135, %swap3A_136], %swap3A_139 {strides = array<i32>} : memref<1x128x128xf32, #tpu.memory_space<vmem>>, vector<1x1x16xf32>,
        %get3A_140 = arith.constant 0 : i32
        %get3A_141 = arith.index_cast %get3A_140 : i32 to index
        %get3A_142 = arith.index_cast %scan3A_51 : i32 to index
        %get3A_143 = arith.constant 96 : index
        %get3A_144 = tpu.vector_load %arg11[%get3A_141, %get3A_142, %get3A_143] {strides = array<i32>} : memref<1x128x128xf32, #tpu.memory_space<vmem>>, vector<1x1x16xf32>,
        %get3A_145 = vector.shape_cast %get3A_144 : vector<1x1x16xf32> to vector<16xf32>
        %mul3A_146 = arith.mulf %get3A_145, %get3A_56 : vector<16xf32>
        %swap3A_147 = arith.constant 0 : i32
        %swap3A_148 = arith.index_cast %swap3A_147 : i32 to index
        %swap3A_149 = arith.index_cast %scan3A_51 : i32 to index
        %swap3A_150 = arith.constant 96 : index
        %swap3A_151 = tpu.vector_load %arg11[%swap3A_148, %swap3A_149, %swap3A_150] {strides = array<i32>} : memref<1x128x128xf32, #tpu.memory_space<vmem>>, vector<1x1x16xf32>,
        %swap3A_152 = vector.shape_cast %swap3A_151 : vector<1x1x16xf32> to vector<16xf32>
        %swap3A_153 = vector.shape_cast %mul3A_146 : vector<16xf32> to vector<1x1x16xf32>
        tpu.vector_store %arg11[%swap3A_148, %swap3A_149, %swap3A_150], %swap3A_153 {strides = array<i32>} : memref<1x128x128xf32, #tpu.memory_space<vmem>>, vector<1x1x16xf32>,
        %get3A_154 = arith.constant 0 : i32
        %get3A_155 = arith.index_cast %get3A_154 : i32 to index
        %get3A_156 = arith.index_cast %scan3A_51 : i32 to index
        %get3A_157 = arith.constant 112 : index
        %get3A_158 = tpu.vector_load %arg11[%get3A_155, %get3A_156, %get3A_157] {strides = array<i32>} : memref<1x128x128xf32, #tpu.memory_space<vmem>>, vector<1x1x16xf32>,
        %get3A_159 = vector.shape_cast %get3A_158 : vector<1x1x16xf32> to vector<16xf32>
        %mul3A_160 = arith.mulf %get3A_159, %get3A_56 : vector<16xf32>
        %swap3A_161 = arith.constant 0 : i32
        %swap3A_162 = arith.index_cast %swap3A_161 : i32 to index
        %swap3A_163 = arith.index_cast %scan3A_51 : i32 to index
        %swap3A_164 = arith.constant 112 : index
        %swap3A_165 = tpu.vector_load %arg11[%swap3A_162, %swap3A_163, %swap3A_164] {strides = array<i32>} : memref<1x128x128xf32, #tpu.memory_space<vmem>>, vector<1x1x16xf32>,
        %swap3A_166 = vector.shape_cast %swap3A_165 : vector<1x1x16xf32> to vector<16xf32>
        %swap3A_167 = vector.shape_cast %mul3A_160 : vector<16xf32> to vector<1x1x16xf32>
        tpu.vector_store %arg11[%swap3A_162, %swap3A_163, %swap3A_164], %swap3A_167 {strides = array<i32>} : memref<1x128x128xf32, #tpu.memory_space<vmem>>, vector<1x1x16xf32>,
      }
      %scan3A_48 = arith.constant 128 : i32
      %run_scoped3A_49 = arith.constant 0 : i32
      %run_scoped3A_50 = arith.constant 0 : i32
      "tpu.region"() ({
        %run_scoped3A_51 = tpu.sem_alloc : memref<!tpu.dma_semaphore, #tpu.memory_space<semaphore_mem>>
        %dma_start3A_52 = arith.constant 0 : i32
        %dma_start3A_53 = arith.constant 0 : i32
        %dma_start3A_54 = tpu.memref_slice %arg11[%run_scoped3A_49, %dma_start3A_52, %dma_start3A_53] : memref<1x128x128xf32, #tpu.memory_space<vmem>> -> memref<1x128x128xf32, #tpu.memory_space<vmem>>
        %dma_start3A_55 = tpu.memref_squeeze %dma_start3A_54 : memref<1x128x128xf32, #tpu.memory_space<vmem>> -> memref<128x128xf32, #tpu.memory_space<vmem>>
        %dma_start3A_56 = arith.constant 0 : i32
        %dma_start3A_57 = tpu.memref_slice %arg9[%run_scoped3A_50, %dma_start3A_56] : memref<1x128xi32, #tpu.memory_space<vmem>> -> memref<1x128xi32, #tpu.memory_space<vmem>>
        %dma_start3A_58 = tpu.memref_squeeze %dma_start3A_57 : memref<1x128xi32, #tpu.memory_space<vmem>> -> memref<128xi32, #tpu.memory_space<vmem>>
        %dma_start3A_59 = arith.constant 0 : i32
        %dma_start3A_60 = arith.constant 0 : i32
        %dma_start3A_61 = tpu.memref_slice %arg12[%dma_start3A_59, %dma_start3A_60] : memref<10240x128xf32, #tpu.memory_space<vmem_shared>> -> memref<10240x128xf32, #tpu.memory_space<vmem_shared>>
        tpu.enqueue_indirect_dma source(%dma_start3A_55 : memref<128x128xf32, #tpu.memory_space<vmem>>) target(%dma_start3A_61 : memref<10240x128xf32, #tpu.memory_space<vmem_shared>>) offsets(%dma_start3A_58 : memref<128xi32, #tpu.memory_space<vmem>>) semaphore(%run_scoped3A_51 : memref<!tpu.dma_semaphore, #tpu.memory_space<semaphore_mem>>) {add = true}
        %dma_wait3A_62 = arith.constant 0 : i32
        %dma_wait3A_63 = arith.constant 0 : i32
        %dma_wait3A_64 = tpu.memref_slice %arg11[%run_scoped3A_49, %dma_wait3A_62, %dma_wait3A_63] : memref<1x128x128xf32, #tpu.memory_space<vmem>> -> memref<1x128x128xf32, #tpu.memory_space<vmem>>
        %dma_wait3A_65 = tpu.memref_squeeze %dma_wait3A_64 : memref<1x128x128xf32, #tpu.memory_space<vmem>> -> memref<128x128xf32, #tpu.memory_space<vmem>>
        %dma_wait3A_66 = arith.constant 0 : i32
        %dma_wait3A_67 = tpu.memref_slice %arg9[%run_scoped3A_50, %dma_wait3A_66] : memref<1x128xi32, #tpu.memory_space<vmem>> -> memref<1x128xi32, #tpu.memory_space<vmem>>
        %dma_wait3A_68 = tpu.memref_squeeze %dma_wait3A_67 : memref<1x128xi32, #tpu.memory_space<vmem>> -> memref<128xi32, #tpu.memory_space<vmem>>
        %dma_wait3A_69 = arith.constant 0 : i32
        %dma_wait3A_70 = arith.constant 0 : i32
        %dma_wait3A_71 = tpu.memref_slice %arg12[%dma_wait3A_69, %dma_wait3A_70] : memref<10240x128xf32, #tpu.memory_space<vmem_shared>> -> memref<10240x128xf32, #tpu.memory_space<vmem_shared>>
        tpu.wait_indirect_dma semaphore(%run_scoped3A_51 : memref<!tpu.dma_semaphore, #tpu.memory_space<semaphore_mem>>) src(%dma_wait3A_65 : memref<128x128xf32, #tpu.memory_space<vmem>>) dst(%dma_wait3A_71 : memref<10240x128xf32, #tpu.memory_space<vmem_shared>>)
        tpu.yield
      }) : () -> ()
    }
    %scan3A_11 = arith.constant 79 : i32
    %barrier3A_12 = arith.constant 0 : index
    tpu.barrier barrier_id(%barrier3A_12)
    %mul3A_13 = arith.constant 640 : i32
    %mul3A_14 = arith.muli %arg1, %mul3A_13 : i32
    %mul3A_15 = arith.constant 640 : i32
    %mul3A_16 = arith.muli %arg1, %mul3A_15 : i32
    "tpu.region"() ({
      %run_scoped3A = tpu.sem_alloc : memref<!tpu.dma_semaphore, #tpu.memory_space<semaphore_mem>>
      %dma_start3A = arith.constant 0 : i32
      %dma_start3A_17 = tpu.memref_slice %arg7[%arg0, %mul3A_16, %dma_start3A] : memref<2x10240x128xf32, #tpu.memory_space<hbm>> -> memref<1x640x128xf32, #tpu.memory_space<hbm>>
      %dma_start3A_18 = tpu.memref_squeeze %dma_start3A_17 : memref<1x640x128xf32, #tpu.memory_space<hbm>> -> memref<640x128xf32, #tpu.memory_space<hbm>>
      %dma_start3A_19 = arith.constant 0 : i32
      %dma_start3A_20 = tpu.memref_slice %arg12[%mul3A_14, %dma_start3A_19] : memref<10240x128xf32, #tpu.memory_space<vmem_shared>> -> memref<640x128xf32, #tpu.memory_space<vmem_shared>>
      tpu.enqueue_dma source(%dma_start3A_20 : memref<640x128xf32, #tpu.memory_space<vmem_shared>>) target(%dma_start3A_18 : memref<640x128xf32, #tpu.memory_space<hbm>>) target_semaphore(%run_scoped3A : memref<!tpu.dma_semaphore, #tpu.memory_space<semaphore_mem>>)
      %dma_wait3A = arith.constant 0 : i32
      %dma_wait3A_21 = tpu.memref_slice %arg7[%arg0, %mul3A_16, %dma_wait3A] : memref<2x10240x128xf32, #tpu.memory_space<hbm>> -> memref<1x640x128xf32, #tpu.memory_space<hbm>>
      %dma_wait3A_22 = tpu.memref_squeeze %dma_wait3A_21 : memref<1x640x128xf32, #tpu.memory_space<hbm>> -> memref<640x128xf32, #tpu.memory_space<hbm>>
      %dma_wait3A_23 = arith.constant 0 : i32
      %dma_wait3A_24 = tpu.memref_slice %arg12[%mul3A_14, %dma_wait3A_23] : memref<10240x128xf32, #tpu.memory_space<vmem_shared>> -> memref<640x128xf32, #tpu.memory_space<vmem_shared>>
      tpu.wait_dma2 semaphore(%run_scoped3A : memref<!tpu.dma_semaphore, #tpu.memory_space<semaphore_mem>>) src(%dma_wait3A_24 : memref<640x128xf32, #tpu.memory_space<vmem_shared>>) dst(%dma_wait3A_22 : memref<640x128xf32, #tpu.memory_space<hbm>>)
      tpu.yield
    }) : () -> ()
    return
  }
}

#map = affine_map<(d0, d1) -> (0, 0)>
#map1 = affine_map<(d0, d1) -> (0, 0, 0)>
module attributes {stable_mosaic.version = 14 : i64} {
  func.func @body(%arg0: i32, %arg1: i32, %arg2: memref<10240x128xf32, #tpu.memory_space<hbm>>, %arg3: memref<2528x128xi32, #tpu.memory_space<hbm>>, %arg4: memref<2528x128xi32, #tpu.memory_space<hbm>>, %arg5: memref<2528x128x16xf32, #tpu.memory_space<hbm>>, %arg6: memref<10240x128xf32, #tpu.memory_space<hbm>>, %arg7: memref<2x10240x128xf32, #tpu.memory_space<hbm>>, %arg8: memref<1x128xi32, #tpu.memory_space<vmem>>, %arg9: memref<1x128xi32, #tpu.memory_space<vmem>>, %arg10: memref<1x128x16xf32, #tpu.memory_space<vmem>>, %arg11: memref<1x128x128xf32, #tpu.memory_space<vmem>>, %arg12: memref<10240x128xf32, #tpu.memory_space<vmem_shared>>, %arg13: memref<!tpu.dma_semaphore, #tpu.memory_space<semaphore_mem>>) attributes {dimension_semantics = [#tpu.dimension_semantics<core_parallel>, #tpu.dimension_semantics<subcore_parallel>], iteration_bounds = array<i64: 2, 16>, scalar_prefetch = 0 : i64, scratch_operands = 6 : i64, tpu.core_type = #tpu.core_type<sc_vector_subcore>, window_params = [{transform_indices = #map}, {transform_indices = #map}, {transform_indices = #map}, {transform_indices = #map1}, {transform_indices = #map}, {transform_indices = #map1}]} {
    %mul3A = arith.constant 2 : i32
    %mul3A_0 = arith.muli %arg1, %mul3A : i32
    %add3A = arith.addi %mul3A_0, %arg0 : i32
    %mul3A_1 = arith.constant 640 : i32
    %mul3A_2 = arith.muli %arg1, %mul3A_1 : i32
    %mul3A_3 = arith.constant 640 : i32
    %mul3A_4 = arith.muli %arg1, %mul3A_3 : i32
    "tpu.region"() ({
      %run_scoped3A = tpu.sem_alloc : memref<!tpu.dma_semaphore, #tpu.memory_space<semaphore_mem>>
      %dma_start3A = arith.constant 0 : i32
      %dma_start3A_17 = tpu.memref_slice %arg12[%mul3A_4, %dma_start3A] : memref<10240x128xf32, #tpu.memory_space<vmem_shared>> -> memref<640x128xf32, #tpu.memory_space<vmem_shared>>
      %dma_start3A_18 = arith.constant 0 : i32
      %dma_start3A_19 = tpu.memref_slice %arg6[%mul3A_2, %dma_start3A_18] : memref<10240x128xf32, #tpu.memory_space<hbm>> -> memref<640x128xf32, #tpu.memory_space<hbm>>
      tpu.enqueue_dma source(%dma_start3A_19 : memref<640x128xf32, #tpu.memory_space<hbm>>) target(%dma_start3A_17 : memref<640x128xf32, #tpu.memory_space<vmem_shared>>) target_semaphore(%run_scoped3A : memref<!tpu.dma_semaphore, #tpu.memory_space<semaphore_mem>>)
      %dma_wait3A = arith.constant 0 : i32
      %dma_wait3A_20 = tpu.memref_slice %arg12[%mul3A_4, %dma_wait3A] : memref<10240x128xf32, #tpu.memory_space<vmem_shared>> -> memref<640x128xf32, #tpu.memory_space<vmem_shared>>
      %dma_wait3A_21 = arith.constant 0 : i32
      %dma_wait3A_22 = tpu.memref_slice %arg6[%mul3A_2, %dma_wait3A_21] : memref<10240x128xf32, #tpu.memory_space<hbm>> -> memref<640x128xf32, #tpu.memory_space<hbm>>
      tpu.wait_dma2 semaphore(%run_scoped3A : memref<!tpu.dma_semaphore, #tpu.memory_space<semaphore_mem>>) src(%dma_wait3A_22 : memref<640x128xf32, #tpu.memory_space<hbm>>) dst(%dma_wait3A_20 : memref<640x128xf32, #tpu.memory_space<vmem_shared>>)
      tpu.yield
    }) : () -> ()
    %barrier3A = arith.constant 0 : index
    tpu.barrier barrier_id(%barrier3A)
    %mul3A_5 = arith.constant 79 : i32
    %mul3A_6 = arith.muli %add3A, %mul3A_5 : i32
    %scan3A = arith.constant 0 : i32
    %scan3A_7 = arith.constant 0 : i32
    %scan3A_8 = arith.constant 79 : i32
    %scan3A_9 = arith.addi %scan3A_7, %scan3A_8 : i32
    %scan3A_10 = arith.constant 1 : i32
    scf.for %scan3A_17 = %scan3A_7 to %scan3A_9 step %scan3A_10  : i32 {
      %add3A_18 = arith.addi %mul3A_6, %scan3A_17 : i32
      %run_scoped3A = arith.constant 0 : i32
      "tpu.region"() ({
        %run_scoped3A_51 = tpu.sem_alloc : memref<!tpu.dma_semaphore, #tpu.memory_space<semaphore_mem>>
        %dma_start3A_52 = arith.constant 0 : i32
        %dma_start3A_53 = tpu.memref_slice %arg8[%run_scoped3A, %dma_start3A_52] : memref<1x128xi32, #tpu.memory_space<vmem>> -> memref<1x128xi32, #tpu.memory_space<vmem>>
        %dma_start3A_54 = tpu.memref_squeeze %dma_start3A_53 : memref<1x128xi32, #tpu.memory_space<vmem>> -> memref<128xi32, #tpu.memory_space<vmem>>
        %dma_start3A_55 = arith.constant 0 : i32
        %dma_start3A_56 = tpu.memref_slice %arg3[%add3A_18, %dma_start3A_55] : memref<2528x128xi32, #tpu.memory_space<hbm>> -> memref<1x128xi32, #tpu.memory_space<hbm>>
        %dma_start3A_57 = tpu.memref_squeeze %dma_start3A_56 : memref<1x128xi32, #tpu.memory_space<hbm>> -> memref<128xi32, #tpu.memory_space<hbm>>
        %dma_start3A_58 = arith.constant 0 : i32
        %dma_start3A_59 = tpu.memref_slice %arg8[%run_scoped3A, %dma_start3A_58] : memref<1x128xi32, #tpu.memory_space<vmem>> -> memref<1x128xi32, #tpu.memory_space<vmem>>
        %dma_start3A_60 = tpu.memref_squeeze %dma_start3A_59 : memref<1x128xi32, #tpu.memory_space<vmem>> -> memref<128xi32, #tpu.memory_space<vmem>>
        %dma_start3A_61 = arith.constant 0 : i32
        %dma_start3A_62 = tpu.memref_slice %arg3[%add3A_18, %dma_start3A_61] : memref<2528x128xi32, #tpu.memory_space<hbm>> -> memref<1x128xi32, #tpu.memory_space<hbm>>
        %dma_start3A_63 = tpu.memref_squeeze %dma_start3A_62 : memref<1x128xi32, #tpu.memory_space<hbm>> -> memref<128xi32, #tpu.memory_space<hbm>>
        tpu.enqueue_dma source(%dma_start3A_63 : memref<128xi32, #tpu.memory_space<hbm>>) target(%dma_start3A_60 : memref<128xi32, #tpu.memory_space<vmem>>) target_semaphore(%run_scoped3A_51 : memref<!tpu.dma_semaphore, #tpu.memory_space<semaphore_mem>>)
        %dma_wait3A_64 = arith.constant 0 : i32
        %dma_wait3A_65 = tpu.memref_slice %arg8[%run_scoped3A, %dma_wait3A_64] : memref<1x128xi32, #tpu.memory_space<vmem>> -> memref<1x128xi32, #tpu.memory_space<vmem>>
        %dma_wait3A_66 = tpu.memref_squeeze %dma_wait3A_65 : memref<1x128xi32, #tpu.memory_space<vmem>> -> memref<128xi32, #tpu.memory_space<vmem>>
        %dma_wait3A_67 = arith.constant 0 : i32
        %dma_wait3A_68 = tpu.memref_slice %arg3[%add3A_18, %dma_wait3A_67] : memref<2528x128xi32, #tpu.memory_space<hbm>> -> memref<1x128xi32, #tpu.memory_space<hbm>>
        %dma_wait3A_69 = tpu.memref_squeeze %dma_wait3A_68 : memref<1x128xi32, #tpu.memory_space<hbm>> -> memref<128xi32, #tpu.memory_space<hbm>>
        %dma_wait3A_70 = arith.constant 0 : i32
        %dma_wait3A_71 = tpu.memref_slice %arg8[%run_scoped3A, %dma_wait3A_70] : memref<1x128xi32, #tpu.memory_space<vmem>> -> memref<1x128xi32, #tpu.memory_space<vmem>>
        %dma_wait3A_72 = tpu.memref_squeeze %dma_wait3A_71 : memref<1x128xi32, #tpu.memory_space<vmem>> -> memref<128xi32, #tpu.memory_space<vmem>>
        %dma_wait3A_73 = arith.constant 0 : i32
        %dma_wait3A_74 = tpu.memref_slice %arg3[%add3A_18, %dma_wait3A_73] : memref<2528x128xi32, #tpu.memory_space<hbm>> -> memref<1x128xi32, #tpu.memory_space<hbm>>
        %dma_wait3A_75 = tpu.memref_squeeze %dma_wait3A_74 : memref<1x128xi32, #tpu.memory_space<hbm>> -> memref<128xi32, #tpu.memory_space<hbm>>
        tpu.wait_dma2 semaphore(%run_scoped3A_51 : memref<!tpu.dma_semaphore, #tpu.memory_space<semaphore_mem>>) src(%dma_wait3A_75 : memref<128xi32, #tpu.memory_space<hbm>>) dst(%dma_wait3A_72 : memref<128xi32, #tpu.memory_space<vmem>>)
        tpu.yield
      }) : () -> ()
      %run_scoped3A_19 = arith.constant 0 : i32
      "tpu.region"() ({
        %run_scoped3A_51 = tpu.sem_alloc : memref<!tpu.dma_semaphore, #tpu.memory_space<semaphore_mem>>
        %dma_start3A_52 = arith.constant 0 : i32
        %dma_start3A_53 = tpu.memref_slice %arg9[%run_scoped3A_19, %dma_start3A_52] : memref<1x128xi32, #tpu.memory_space<vmem>> -> memref<1x128xi32, #tpu.memory_space<vmem>>
        %dma_start3A_54 = tpu.memref_squeeze %dma_start3A_53 : memref<1x128xi32, #tpu.memory_space<vmem>> -> memref<128xi32, #tpu.memory_space<vmem>>
        %dma_start3A_55 = arith.constant 0 : i32
        %dma_start3A_56 = tpu.memref_slice %arg4[%add3A_18, %dma_start3A_55] : memref<2528x128xi32, #tpu.memory_space<hbm>> -> memref<1x128xi32, #tpu.memory_space<hbm>>
        %dma_start3A_57 = tpu.memref_squeeze %dma_start3A_56 : memref<1x128xi32, #tpu.memory_space<hbm>> -> memref<128xi32, #tpu.memory_space<hbm>>
        %dma_start3A_58 = arith.constant 0 : i32
        %dma_start3A_59 = tpu.memref_slice %arg9[%run_scoped3A_19, %dma_start3A_58] : memref<1x128xi32, #tpu.memory_space<vmem>> -> memref<1x128xi32, #tpu.memory_space<vmem>>
        %dma_start3A_60 = tpu.memref_squeeze %dma_start3A_59 : memref<1x128xi32, #tpu.memory_space<vmem>> -> memref<128xi32, #tpu.memory_space<vmem>>
        %dma_start3A_61 = arith.constant 0 : i32
        %dma_start3A_62 = tpu.memref_slice %arg4[%add3A_18, %dma_start3A_61] : memref<2528x128xi32, #tpu.memory_space<hbm>> -> memref<1x128xi32, #tpu.memory_space<hbm>>
        %dma_start3A_63 = tpu.memref_squeeze %dma_start3A_62 : memref<1x128xi32, #tpu.memory_space<hbm>> -> memref<128xi32, #tpu.memory_space<hbm>>
        tpu.enqueue_dma source(%dma_start3A_63 : memref<128xi32, #tpu.memory_space<hbm>>) target(%dma_start3A_60 : memref<128xi32, #tpu.memory_space<vmem>>) target_semaphore(%run_scoped3A_51 : memref<!tpu.dma_semaphore, #tpu.memory_space<semaphore_mem>>)
        %dma_wait3A_64 = arith.constant 0 : i32
        %dma_wait3A_65 = tpu.memref_slice %arg9[%run_scoped3A_19, %dma_wait3A_64] : memref<1x128xi32, #tpu.memory_space<vmem>> -> memref<1x128xi32, #tpu.memory_space<vmem>>
        %dma_wait3A_66 = tpu.memref_squeeze %dma_wait3A_65 : memref<1x128xi32, #tpu.memory_space<vmem>> -> memref<128xi32, #tpu.memory_space<vmem>>
        %dma_wait3A_67 = arith.constant 0 : i32
        %dma_wait3A_68 = tpu.memref_slice %arg4[%add3A_18, %dma_wait3A_67] : memref<2528x128xi32, #tpu.memory_space<hbm>> -> memref<1x128xi32, #tpu.memory_space<hbm>>
        %dma_wait3A_69 = tpu.memref_squeeze %dma_wait3A_68 : memref<1x128xi32, #tpu.memory_space<hbm>> -> memref<128xi32, #tpu.memory_space<hbm>>
        %dma_wait3A_70 = arith.constant 0 : i32
        %dma_wait3A_71 = tpu.memref_slice %arg9[%run_scoped3A_19, %dma_wait3A_70] : memref<1x128xi32, #tpu.memory_space<vmem>> -> memref<1x128xi32, #tpu.memory_space<vmem>>
        %dma_wait3A_72 = tpu.memref_squeeze %dma_wait3A_71 : memref<1x128xi32, #tpu.memory_space<vmem>> -> memref<128xi32, #tpu.memory_space<vmem>>
        %dma_wait3A_73 = arith.constant 0 : i32
        %dma_wait3A_74 = tpu.memref_slice %arg4[%add3A_18, %dma_wait3A_73] : memref<2528x128xi32, #tpu.memory_space<hbm>> -> memref<1x128xi32, #tpu.memory_space<hbm>>
        %dma_wait3A_75 = tpu.memref_squeeze %dma_wait3A_74 : memref<1x128xi32, #tpu.memory_space<hbm>> -> memref<128xi32, #tpu.memory_space<hbm>>
        tpu.wait_dma2 semaphore(%run_scoped3A_51 : memref<!tpu.dma_semaphore, #tpu.memory_space<semaphore_mem>>) src(%dma_wait3A_75 : memref<128xi32, #tpu.memory_space<hbm>>) dst(%dma_wait3A_72 : memref<128xi32, #tpu.memory_space<vmem>>)
        tpu.yield
      }) : () -> ()
      %run_scoped3A_20 = arith.constant 0 : i32
      "tpu.region"() ({
        %run_scoped3A_51 = tpu.sem_alloc : memref<!tpu.dma_semaphore, #tpu.memory_space<semaphore_mem>>
        %dma_start3A_52 = arith.constant 0 : i32
        %dma_start3A_53 = arith.constant 0 : i32
        %dma_start3A_54 = tpu.memref_slice %arg10[%run_scoped3A_20, %dma_start3A_52, %dma_start3A_53] : memref<1x128x16xf32, #tpu.memory_space<vmem>> -> memref<1x128x16xf32, #tpu.memory_space<vmem>>
        %dma_start3A_55 = tpu.memref_squeeze %dma_start3A_54 : memref<1x128x16xf32, #tpu.memory_space<vmem>> -> memref<128x16xf32, #tpu.memory_space<vmem>>
        %dma_start3A_56 = arith.constant 0 : i32
        %dma_start3A_57 = arith.constant 0 : i32
        %dma_start3A_58 = tpu.memref_slice %arg5[%add3A_18, %dma_start3A_56, %dma_start3A_57] : memref<2528x128x16xf32, #tpu.memory_space<hbm>> -> memref<1x128x16xf32, #tpu.memory_space<hbm>>
        %dma_start3A_59 = tpu.memref_squeeze %dma_start3A_58 : memref<1x128x16xf32, #tpu.memory_space<hbm>> -> memref<128x16xf32, #tpu.memory_space<hbm>>
        %dma_start3A_60 = arith.constant 0 : i32
        %dma_start3A_61 = arith.constant 0 : i32
        %dma_start3A_62 = tpu.memref_slice %arg10[%run_scoped3A_20, %dma_start3A_60, %dma_start3A_61] : memref<1x128x16xf32, #tpu.memory_space<vmem>> -> memref<1x128x16xf32, #tpu.memory_space<vmem>>
        %dma_start3A_63 = tpu.memref_squeeze %dma_start3A_62 : memref<1x128x16xf32, #tpu.memory_space<vmem>> -> memref<128x16xf32, #tpu.memory_space<vmem>>
        %dma_start3A_64 = arith.constant 0 : i32
        %dma_start3A_65 = arith.constant 0 : i32
        %dma_start3A_66 = tpu.memref_slice %arg5[%add3A_18, %dma_start3A_64, %dma_start3A_65] : memref<2528x128x16xf32, #tpu.memory_space<hbm>> -> memref<1x128x16xf32, #tpu.memory_space<hbm>>
        %dma_start3A_67 = tpu.memref_squeeze %dma_start3A_66 : memref<1x128x16xf32, #tpu.memory_space<hbm>> -> memref<128x16xf32, #tpu.memory_space<hbm>>
        tpu.enqueue_dma source(%dma_start3A_67 : memref<128x16xf32, #tpu.memory_space<hbm>>) target(%dma_start3A_63 : memref<128x16xf32, #tpu.memory_space<vmem>>) target_semaphore(%run_scoped3A_51 : memref<!tpu.dma_semaphore, #tpu.memory_space<semaphore_mem>>)
        %dma_wait3A_68 = arith.constant 0 : i32
        %dma_wait3A_69 = arith.constant 0 : i32
        %dma_wait3A_70 = tpu.memref_slice %arg10[%run_scoped3A_20, %dma_wait3A_68, %dma_wait3A_69] : memref<1x128x16xf32, #tpu.memory_space<vmem>> -> memref<1x128x16xf32, #tpu.memory_space<vmem>>
        %dma_wait3A_71 = tpu.memref_squeeze %dma_wait3A_70 : memref<1x128x16xf32, #tpu.memory_space<vmem>> -> memref<128x16xf32, #tpu.memory_space<vmem>>
        %dma_wait3A_72 = arith.constant 0 : i32
        %dma_wait3A_73 = arith.constant 0 : i32
        %dma_wait3A_74 = tpu.memref_slice %arg5[%add3A_18, %dma_wait3A_72, %dma_wait3A_73] : memref<2528x128x16xf32, #tpu.memory_space<hbm>> -> memref<1x128x16xf32, #tpu.memory_space<hbm>>
        %dma_wait3A_75 = tpu.memref_squeeze %dma_wait3A_74 : memref<1x128x16xf32, #tpu.memory_space<hbm>> -> memref<128x16xf32, #tpu.memory_space<hbm>>
        %dma_wait3A_76 = arith.constant 0 : i32
        %dma_wait3A_77 = arith.constant 0 : i32
        %dma_wait3A_78 = tpu.memref_slice %arg10[%run_scoped3A_20, %dma_wait3A_76, %dma_wait3A_77] : memref<1x128x16xf32, #tpu.memory_space<vmem>> -> memref<1x128x16xf32, #tpu.memory_space<vmem>>
        %dma_wait3A_79 = tpu.memref_squeeze %dma_wait3A_78 : memref<1x128x16xf32, #tpu.memory_space<vmem>> -> memref<128x16xf32, #tpu.memory_space<vmem>>
        %dma_wait3A_80 = arith.constant 0 : i32
        %dma_wait3A_81 = arith.constant 0 : i32
        %dma_wait3A_82 = tpu.memref_slice %arg5[%add3A_18, %dma_wait3A_80, %dma_wait3A_81] : memref<2528x128x16xf32, #tpu.memory_space<hbm>> -> memref<1x128x16xf32, #tpu.memory_space<hbm>>
        %dma_wait3A_83 = tpu.memref_squeeze %dma_wait3A_82 : memref<1x128x16xf32, #tpu.memory_space<hbm>> -> memref<128x16xf32, #tpu.memory_space<hbm>>
        tpu.wait_dma2 semaphore(%run_scoped3A_51 : memref<!tpu.dma_semaphore, #tpu.memory_space<semaphore_mem>>) src(%dma_wait3A_83 : memref<128x16xf32, #tpu.memory_space<hbm>>) dst(%dma_wait3A_79 : memref<128x16xf32, #tpu.memory_space<vmem>>)
        tpu.yield
      }) : () -> ()
      %dma_start3A = arith.constant 0 : i32
      %dma_start3A_21 = arith.constant 0 : i32
      %dma_start3A_22 = arith.constant 0 : i32
      %dma_start3A_23 = arith.constant 0 : i32
      %dma_start3A_24 = tpu.memref_slice %arg11[%dma_start3A_21, %dma_start3A_22, %dma_start3A_23] : memref<1x128x128xf32, #tpu.memory_space<vmem>> -> memref<1x128x128xf32, #tpu.memory_space<vmem>>
      %dma_start3A_25 = tpu.memref_squeeze %dma_start3A_24 : memref<1x128x128xf32, #tpu.memory_space<vmem>> -> memref<128x128xf32, #tpu.memory_space<vmem>>
      %dma_start3A_26 = arith.constant 0 : i32
      %dma_start3A_27 = tpu.memref_slice %arg8[%dma_start3A, %dma_start3A_26] : memref<1x128xi32, #tpu.memory_space<vmem>> -> memref<1x128xi32, #tpu.memory_space<vmem>>
      %dma_start3A_28 = tpu.memref_squeeze %dma_start3A_27 : memref<1x128xi32, #tpu.memory_space<vmem>> -> memref<128xi32, #tpu.memory_space<vmem>>
      %dma_start3A_29 = arith.constant 0 : i32
      %dma_start3A_30 = arith.constant 0 : i32
      %dma_start3A_31 = tpu.memref_slice %arg2[%dma_start3A_29, %dma_start3A_30] : memref<10240x128xf32, #tpu.memory_space<hbm>> -> memref<10240x128xf32, #tpu.memory_space<hbm>>
      tpu.enqueue_indirect_dma source(%dma_start3A_31 : memref<10240x128xf32, #tpu.memory_space<hbm>>) target(%dma_start3A_25 : memref<128x128xf32, #tpu.memory_space<vmem>>) offsets(%dma_start3A_28 : memref<128xi32, #tpu.memory_space<vmem>>) semaphore(%arg13 : memref<!tpu.dma_semaphore, #tpu.memory_space<semaphore_mem>>)
      %dma_wait3A = arith.constant 0 : i32
      %dma_wait3A_32 = arith.constant 0 : i32
      %dma_wait3A_33 = arith.constant 0 : i32
      %dma_wait3A_34 = arith.constant 0 : i32
      %dma_wait3A_35 = tpu.memref_slice %arg11[%dma_wait3A_32, %dma_wait3A_33, %dma_wait3A_34] : memref<1x128x128xf32, #tpu.memory_space<vmem>> -> memref<1x128x128xf32, #tpu.memory_space<vmem>>
      %dma_wait3A_36 = tpu.memref_squeeze %dma_wait3A_35 : memref<1x128x128xf32, #tpu.memory_space<vmem>> -> memref<128x128xf32, #tpu.memory_space<vmem>>
      %dma_wait3A_37 = arith.constant 0 : i32
      %dma_wait3A_38 = tpu.memref_slice %arg8[%dma_wait3A, %dma_wait3A_37] : memref<1x128xi32, #tpu.memory_space<vmem>> -> memref<1x128xi32, #tpu.memory_space<vmem>>
      %dma_wait3A_39 = tpu.memref_squeeze %dma_wait3A_38 : memref<1x128xi32, #tpu.memory_space<vmem>> -> memref<128xi32, #tpu.memory_space<vmem>>
      %dma_wait3A_40 = arith.constant 0 : i32
      %dma_wait3A_41 = arith.constant 0 : i32
      %dma_wait3A_42 = tpu.memref_slice %arg2[%dma_wait3A_40, %dma_wait3A_41] : memref<10240x128xf32, #tpu.memory_space<hbm>> -> memref<10240x128xf32, #tpu.memory_space<hbm>>
      tpu.wait_indirect_dma semaphore(%arg13 : memref<!tpu.dma_semaphore, #tpu.memory_space<semaphore_mem>>) src(%dma_wait3A_42 : memref<10240x128xf32, #tpu.memory_space<hbm>>) dst(%dma_wait3A_36 : memref<128x128xf32, #tpu.memory_space<vmem>>)
      %scan3A_43 = arith.constant 0 : i32
      %scan3A_44 = arith.constant 0 : i32
      %scan3A_45 = arith.constant 128 : i32
      %scan3A_46 = arith.addi %scan3A_44, %scan3A_45 : i32
      %scan3A_47 = arith.constant 1 : i32
      scf.for %scan3A_51 = %scan3A_44 to %scan3A_46 step %scan3A_47  : i32 {
        %get3A = arith.constant 0 : i32
        %get3A_52 = arith.index_cast %get3A : i32 to index
        %get3A_53 = arith.index_cast %scan3A_51 : i32 to index
        %get3A_54 = arith.constant 0 : index
        %get3A_55 = tpu.vector_load %arg10[%get3A_52, %get3A_53, %get3A_54] {strides = array<i32>} : memref<1x128x16xf32, #tpu.memory_space<vmem>>, vector<1x1x16xf32>,
        %get3A_56 = vector.shape_cast %get3A_55 : vector<1x1x16xf32> to vector<16xf32>
        %get3A_57 = arith.constant 0 : i32
        %get3A_58 = arith.index_cast %get3A_57 : i32 to index
        %get3A_59 = arith.index_cast %scan3A_51 : i32 to index
        %get3A_60 = arith.constant 0 : index
        %get3A_61 = tpu.vector_load %arg11[%get3A_58, %get3A_59, %get3A_60] {strides = array<i32>} : memref<1x128x128xf32, #tpu.memory_space<vmem>>, vector<1x1x16xf32>,
        %get3A_62 = vector.shape_cast %get3A_61 : vector<1x1x16xf32> to vector<16xf32>
        %mul3A_63 = arith.mulf %get3A_62, %get3A_56 : vector<16xf32>
        %swap3A = arith.constant 0 : i32
        %swap3A_64 = arith.index_cast %swap3A : i32 to index
        %swap3A_65 = arith.index_cast %scan3A_51 : i32 to index
        %swap3A_66 = arith.constant 0 : index
        %swap3A_67 = tpu.vector_load %arg11[%swap3A_64, %swap3A_65, %swap3A_66] {strides = array<i32>} : memref<1x128x128xf32, #tpu.memory_space<vmem>>, vector<1x1x16xf32>,
        %swap3A_68 = vector.shape_cast %swap3A_67 : vector<1x1x16xf32> to vector<16xf32>
        %swap3A_69 = vector.shape_cast %mul3A_63 : vector<16xf32> to vector<1x1x16xf32>
        tpu.vector_store %arg11[%swap3A_64, %swap3A_65, %swap3A_66], %swap3A_69 {strides = array<i32>} : memref<1x128x128xf32, #tpu.memory_space<vmem>>, vector<1x1x16xf32>,
        %get3A_70 = arith.constant 0 : i32
        %get3A_71 = arith.index_cast %get3A_70 : i32 to index
        %get3A_72 = arith.index_cast %scan3A_51 : i32 to index
        %get3A_73 = arith.constant 16 : index
        %get3A_74 = tpu.vector_load %arg11[%get3A_71, %get3A_72, %get3A_73] {strides = array<i32>} : memref<1x128x128xf32, #tpu.memory_space<vmem>>, vector<1x1x16xf32>,
        %get3A_75 = vector.shape_cast %get3A_74 : vector<1x1x16xf32> to vector<16xf32>
        %mul3A_76 = arith.mulf %get3A_75, %get3A_56 : vector<16xf32>
        %swap3A_77 = arith.constant 0 : i32
        %swap3A_78 = arith.index_cast %swap3A_77 : i32 to index
        %swap3A_79 = arith.index_cast %scan3A_51 : i32 to index
        %swap3A_80 = arith.constant 16 : index
        %swap3A_81 = tpu.vector_load %arg11[%swap3A_78, %swap3A_79, %swap3A_80] {strides = array<i32>} : memref<1x128x128xf32, #tpu.memory_space<vmem>>, vector<1x1x16xf32>,
        %swap3A_82 = vector.shape_cast %swap3A_81 : vector<1x1x16xf32> to vector<16xf32>
        %swap3A_83 = vector.shape_cast %mul3A_76 : vector<16xf32> to vector<1x1x16xf32>
        tpu.vector_store %arg11[%swap3A_78, %swap3A_79, %swap3A_80], %swap3A_83 {strides = array<i32>} : memref<1x128x128xf32, #tpu.memory_space<vmem>>, vector<1x1x16xf32>,
        %get3A_84 = arith.constant 0 : i32
        %get3A_85 = arith.index_cast %get3A_84 : i32 to index
        %get3A_86 = arith.index_cast %scan3A_51 : i32 to index
        %get3A_87 = arith.constant 32 : index
        %get3A_88 = tpu.vector_load %arg11[%get3A_85, %get3A_86, %get3A_87] {strides = array<i32>} : memref<1x128x128xf32, #tpu.memory_space<vmem>>, vector<1x1x16xf32>,
        %get3A_89 = vector.shape_cast %get3A_88 : vector<1x1x16xf32> to vector<16xf32>
        %mul3A_90 = arith.mulf %get3A_89, %get3A_56 : vector<16xf32>
        %swap3A_91 = arith.constant 0 : i32
        %swap3A_92 = arith.index_cast %swap3A_91 : i32 to index
        %swap3A_93 = arith.index_cast %scan3A_51 : i32 to index
        %swap3A_94 = arith.constant 32 : index
        %swap3A_95 = tpu.vector_load %arg11[%swap3A_92, %swap3A_93, %swap3A_94] {strides = array<i32>} : memref<1x128x128xf32, #tpu.memory_space<vmem>>, vector<1x1x16xf32>,
        %swap3A_96 = vector.shape_cast %swap3A_95 : vector<1x1x16xf32> to vector<16xf32>
        %swap3A_97 = vector.shape_cast %mul3A_90 : vector<16xf32> to vector<1x1x16xf32>
        tpu.vector_store %arg11[%swap3A_92, %swap3A_93, %swap3A_94], %swap3A_97 {strides = array<i32>} : memref<1x128x128xf32, #tpu.memory_space<vmem>>, vector<1x1x16xf32>,
        %get3A_98 = arith.constant 0 : i32
        %get3A_99 = arith.index_cast %get3A_98 : i32 to index
        %get3A_100 = arith.index_cast %scan3A_51 : i32 to index
        %get3A_101 = arith.constant 48 : index
        %get3A_102 = tpu.vector_load %arg11[%get3A_99, %get3A_100, %get3A_101] {strides = array<i32>} : memref<1x128x128xf32, #tpu.memory_space<vmem>>, vector<1x1x16xf32>,
        %get3A_103 = vector.shape_cast %get3A_102 : vector<1x1x16xf32> to vector<16xf32>
        %mul3A_104 = arith.mulf %get3A_103, %get3A_56 : vector<16xf32>
        %swap3A_105 = arith.constant 0 : i32
        %swap3A_106 = arith.index_cast %swap3A_105 : i32 to index
        %swap3A_107 = arith.index_cast %scan3A_51 : i32 to index
        %swap3A_108 = arith.constant 48 : index
        %swap3A_109 = tpu.vector_load %arg11[%swap3A_106, %swap3A_107, %swap3A_108] {strides = array<i32>} : memref<1x128x128xf32, #tpu.memory_space<vmem>>, vector<1x1x16xf32>,
        %swap3A_110 = vector.shape_cast %swap3A_109 : vector<1x1x16xf32> to vector<16xf32>
        %swap3A_111 = vector.shape_cast %mul3A_104 : vector<16xf32> to vector<1x1x16xf32>
        tpu.vector_store %arg11[%swap3A_106, %swap3A_107, %swap3A_108], %swap3A_111 {strides = array<i32>} : memref<1x128x128xf32, #tpu.memory_space<vmem>>, vector<1x1x16xf32>,
        %get3A_112 = arith.constant 0 : i32
        %get3A_113 = arith.index_cast %get3A_112 : i32 to index
        %get3A_114 = arith.index_cast %scan3A_51 : i32 to index
        %get3A_115 = arith.constant 64 : index
        %get3A_116 = tpu.vector_load %arg11[%get3A_113, %get3A_114, %get3A_115] {strides = array<i32>} : memref<1x128x128xf32, #tpu.memory_space<vmem>>, vector<1x1x16xf32>,
        %get3A_117 = vector.shape_cast %get3A_116 : vector<1x1x16xf32> to vector<16xf32>
        %mul3A_118 = arith.mulf %get3A_117, %get3A_56 : vector<16xf32>
        %swap3A_119 = arith.constant 0 : i32
        %swap3A_120 = arith.index_cast %swap3A_119 : i32 to index
        %swap3A_121 = arith.index_cast %scan3A_51 : i32 to index
        %swap3A_122 = arith.constant 64 : index
        %swap3A_123 = tpu.vector_load %arg11[%swap3A_120, %swap3A_121, %swap3A_122] {strides = array<i32>} : memref<1x128x128xf32, #tpu.memory_space<vmem>>, vector<1x1x16xf32>,
        %swap3A_124 = vector.shape_cast %swap3A_123 : vector<1x1x16xf32> to vector<16xf32>
        %swap3A_125 = vector.shape_cast %mul3A_118 : vector<16xf32> to vector<1x1x16xf32>
        tpu.vector_store %arg11[%swap3A_120, %swap3A_121, %swap3A_122], %swap3A_125 {strides = array<i32>} : memref<1x128x128xf32, #tpu.memory_space<vmem>>, vector<1x1x16xf32>,
        %get3A_126 = arith.constant 0 : i32
        %get3A_127 = arith.index_cast %get3A_126 : i32 to index
        %get3A_128 = arith.index_cast %scan3A_51 : i32 to index
        %get3A_129 = arith.constant 80 : index
        %get3A_130 = tpu.vector_load %arg11[%get3A_127, %get3A_128, %get3A_129] {strides = array<i32>} : memref<1x128x128xf32, #tpu.memory_space<vmem>>, vector<1x1x16xf32>,
        %get3A_131 = vector.shape_cast %get3A_130 : vector<1x1x16xf32> to vector<16xf32>
        %mul3A_132 = arith.mulf %get3A_131, %get3A_56 : vector<16xf32>
        %swap3A_133 = arith.constant 0 : i32
        %swap3A_134 = arith.index_cast %swap3A_133 : i32 to index
        %swap3A_135 = arith.index_cast %scan3A_51 : i32 to index
        %swap3A_136 = arith.constant 80 : index
        %swap3A_137 = tpu.vector_load %arg11[%swap3A_134, %swap3A_135, %swap3A_136] {strides = array<i32>} : memref<1x128x128xf32, #tpu.memory_space<vmem>>, vector<1x1x16xf32>,
        %swap3A_138 = vector.shape_cast %swap3A_137 : vector<1x1x16xf32> to vector<16xf32>
        %swap3A_139 = vector.shape_cast %mul3A_132 : vector<16xf32> to vector<1x1x16xf32>
        tpu.vector_store %arg11[%swap3A_134, %swap3A_135, %swap3A_136], %swap3A_139 {strides = array<i32>} : memref<1x128x128xf32, #tpu.memory_space<vmem>>, vector<1x1x16xf32>,
        %get3A_140 = arith.constant 0 : i32
        %get3A_141 = arith.index_cast %get3A_140 : i32 to index
        %get3A_142 = arith.index_cast %scan3A_51 : i32 to index
        %get3A_143 = arith.constant 96 : index
        %get3A_144 = tpu.vector_load %arg11[%get3A_141, %get3A_142, %get3A_143] {strides = array<i32>} : memref<1x128x128xf32, #tpu.memory_space<vmem>>, vector<1x1x16xf32>,
        %get3A_145 = vector.shape_cast %get3A_144 : vector<1x1x16xf32> to vector<16xf32>
        %mul3A_146 = arith.mulf %get3A_145, %get3A_56 : vector<16xf32>
        %swap3A_147 = arith.constant 0 : i32
        %swap3A_148 = arith.index_cast %swap3A_147 : i32 to index
        %swap3A_149 = arith.index_cast %scan3A_51 : i32 to index
        %swap3A_150 = arith.constant 96 : index
        %swap3A_151 = tpu.vector_load %arg11[%swap3A_148, %swap3A_149, %swap3A_150] {strides = array<i32>} : memref<1x128x128xf32, #tpu.memory_space<vmem>>, vector<1x1x16xf32>,
        %swap3A_152 = vector.shape_cast %swap3A_151 : vector<1x1x16xf32> to vector<16xf32>
        %swap3A_153 = vector.shape_cast %mul3A_146 : vector<16xf32> to vector<1x1x16xf32>
        tpu.vector_store %arg11[%swap3A_148, %swap3A_149, %swap3A_150], %swap3A_153 {strides = array<i32>} : memref<1x128x128xf32, #tpu.memory_space<vmem>>, vector<1x1x16xf32>,
        %get3A_154 = arith.constant 0 : i32
        %get3A_155 = arith.index_cast %get3A_154 : i32 to index
        %get3A_156 = arith.index_cast %scan3A_51 : i32 to index
        %get3A_157 = arith.constant 112 : index
        %get3A_158 = tpu.vector_load %arg11[%get3A_155, %get3A_156, %get3A_157] {strides = array<i32>} : memref<1x128x128xf32, #tpu.memory_space<vmem>>, vector<1x1x16xf32>,
        %get3A_159 = vector.shape_cast %get3A_158 : vector<1x1x16xf32> to vector<16xf32>
        %mul3A_160 = arith.mulf %get3A_159, %get3A_56 : vector<16xf32>
        %swap3A_161 = arith.constant 0 : i32
        %swap3A_162 = arith.index_cast %swap3A_161 : i32 to index
        %swap3A_163 = arith.index_cast %scan3A_51 : i32 to index
        %swap3A_164 = arith.constant 112 : index
        %swap3A_165 = tpu.vector_load %arg11[%swap3A_162, %swap3A_163, %swap3A_164] {strides = array<i32>} : memref<1x128x128xf32, #tpu.memory_space<vmem>>, vector<1x1x16xf32>,
        %swap3A_166 = vector.shape_cast %swap3A_165 : vector<1x1x16xf32> to vector<16xf32>
        %swap3A_167 = vector.shape_cast %mul3A_160 : vector<16xf32> to vector<1x1x16xf32>
        tpu.vector_store %arg11[%swap3A_162, %swap3A_163, %swap3A_164], %swap3A_167 {strides = array<i32>} : memref<1x128x128xf32, #tpu.memory_space<vmem>>, vector<1x1x16xf32>,
      }
      %scan3A_48 = arith.constant 128 : i32
      %run_scoped3A_49 = arith.constant 0 : i32
      %run_scoped3A_50 = arith.constant 0 : i32
      "tpu.region"() ({
        %run_scoped3A_51 = tpu.sem_alloc : memref<!tpu.dma_semaphore, #tpu.memory_space<semaphore_mem>>
        %dma_start3A_52 = arith.constant 0 : i32
        %dma_start3A_53 = arith.constant 0 : i32
        %dma_start3A_54 = tpu.memref_slice %arg11[%run_scoped3A_49, %dma_start3A_52, %dma_start3A_53] : memref<1x128x128xf32, #tpu.memory_space<vmem>> -> memref<1x128x128xf32, #tpu.memory_space<vmem>>
        %dma_start3A_55 = tpu.memref_squeeze %dma_start3A_54 : memref<1x128x128xf32, #tpu.memory_space<vmem>> -> memref<128x128xf32, #tpu.memory_space<vmem>>
        %dma_start3A_56 = arith.constant 0 : i32
        %dma_start3A_57 = tpu.memref_slice %arg9[%run_scoped3A_50, %dma_start3A_56] : memref<1x128xi32, #tpu.memory_space<vmem>> -> memref<1x128xi32, #tpu.memory_space<vmem>>
        %dma_start3A_58 = tpu.memref_squeeze %dma_start3A_57 : memref<1x128xi32, #tpu.memory_space<vmem>> -> memref<128xi32, #tpu.memory_space<vmem>>
        %dma_start3A_59 = arith.constant 0 : i32
        %dma_start3A_60 = arith.constant 0 : i32
        %dma_start3A_61 = tpu.memref_slice %arg12[%dma_start3A_59, %dma_start3A_60] : memref<10240x128xf32, #tpu.memory_space<vmem_shared>> -> memref<10240x128xf32, #tpu.memory_space<vmem_shared>>
        tpu.enqueue_indirect_dma source(%dma_start3A_55 : memref<128x128xf32, #tpu.memory_space<vmem>>) target(%dma_start3A_61 : memref<10240x128xf32, #tpu.memory_space<vmem_shared>>) offsets(%dma_start3A_58 : memref<128xi32, #tpu.memory_space<vmem>>) semaphore(%run_scoped3A_51 : memref<!tpu.dma_semaphore, #tpu.memory_space<semaphore_mem>>) {add = true}
        %dma_wait3A_62 = arith.constant 0 : i32
        %dma_wait3A_63 = arith.constant 0 : i32
        %dma_wait3A_64 = tpu.memref_slice %arg11[%run_scoped3A_49, %dma_wait3A_62, %dma_wait3A_63] : memref<1x128x128xf32, #tpu.memory_space<vmem>> -> memref<1x128x128xf32, #tpu.memory_space<vmem>>
        %dma_wait3A_65 = tpu.memref_squeeze %dma_wait3A_64 : memref<1x128x128xf32, #tpu.memory_space<vmem>> -> memref<128x128xf32, #tpu.memory_space<vmem>>
        %dma_wait3A_66 = arith.constant 0 : i32
        %dma_wait3A_67 = tpu.memref_slice %arg9[%run_scoped3A_50, %dma_wait3A_66] : memref<1x128xi32, #tpu.memory_space<vmem>> -> memref<1x128xi32, #tpu.memory_space<vmem>>
        %dma_wait3A_68 = tpu.memref_squeeze %dma_wait3A_67 : memref<1x128xi32, #tpu.memory_space<vmem>> -> memref<128xi32, #tpu.memory_space<vmem>>
        %dma_wait3A_69 = arith.constant 0 : i32
        %dma_wait3A_70 = arith.constant 0 : i32
        %dma_wait3A_71 = tpu.memref_slice %arg12[%dma_wait3A_69, %dma_wait3A_70] : memref<10240x128xf32, #tpu.memory_space<vmem_shared>> -> memref<10240x128xf32, #tpu.memory_space<vmem_shared>>
        tpu.wait_indirect_dma semaphore(%run_scoped3A_51 : memref<!tpu.dma_semaphore, #tpu.memory_space<semaphore_mem>>) src(%dma_wait3A_65 : memref<128x128xf32, #tpu.memory_space<vmem>>) dst(%dma_wait3A_71 : memref<10240x128xf32, #tpu.memory_space<vmem_shared>>)
        tpu.yield
      }) : () -> ()
    }
    %scan3A_11 = arith.constant 79 : i32
    %barrier3A_12 = arith.constant 0 : index
    tpu.barrier barrier_id(%barrier3A_12)
    %mul3A_13 = arith.constant 640 : i32
    %mul3A_14 = arith.muli %arg1, %mul3A_13 : i32
    %mul3A_15 = arith.constant 640 : i32
    %mul3A_16 = arith.muli %arg1, %mul3A_15 : i32
    "tpu.region"() ({
      %run_scoped3A = tpu.sem_alloc : memref<!tpu.dma_semaphore, #tpu.memory_space<semaphore_mem>>
      %dma_start3A = arith.constant 0 : i32
      %dma_start3A_17 = tpu.memref_slice %arg7[%arg0, %mul3A_16, %dma_start3A] : memref<2x10240x128xf32, #tpu.memory_space<hbm>> -> memref<1x640x128xf32, #tpu.memory_space<hbm>>
      %dma_start3A_18 = tpu.memref_squeeze %dma_start3A_17 : memref<1x640x128xf32, #tpu.memory_space<hbm>> -> memref<640x128xf32, #tpu.memory_space<hbm>>
      %dma_start3A_19 = arith.constant 0 : i32
      %dma_start3A_20 = tpu.memref_slice %arg12[%mul3A_14, %dma_start3A_19] : memref<10240x128xf32, #tpu.memory_space<vmem_shared>> -> memref<640x128xf32, #tpu.memory_space<vmem_shared>>
      tpu.enqueue_dma source(%dma_start3A_20 : memref<640x128xf32, #tpu.memory_space<vmem_shared>>) target(%dma_start3A_18 : memref<640x128xf32, #tpu.memory_space<hbm>>) target_semaphore(%run_scoped3A : memref<!tpu.dma_semaphore, #tpu.memory_space<semaphore_mem>>)
      %dma_wait3A = arith.constant 0 : i32
      %dma_wait3A_21 = tpu.memref_slice %arg7[%arg0, %mul3A_16, %dma_wait3A] : memref<2x10240x128xf32, #tpu.memory_space<hbm>> -> memref<1x640x128xf32, #tpu.memory_space<hbm>>
      %dma_wait3A_22 = tpu.memref_squeeze %dma_wait3A_21 : memref<1x640x128xf32, #tpu.memory_space<hbm>> -> memref<640x128xf32, #tpu.memory_space<hbm>>
      %dma_wait3A_23 = arith.constant 0 : i32
      %dma_wait3A_24 = tpu.memref_slice %arg12[%mul3A_14, %dma_wait3A_23] : memref<10240x128xf32, #tpu.memory_space<vmem_shared>> -> memref<640x128xf32, #tpu.memory_space<vmem_shared>>
      tpu.wait_dma2 semaphore(%run_scoped3A : memref<!tpu.dma_semaphore, #tpu.memory_space<semaphore_mem>>) src(%dma_wait3A_24 : memref<640x128xf32, #tpu.memory_space<vmem_shared>>) dst(%dma_wait3A_22 : memref<640x128xf32, #tpu.memory_space<hbm>>)
      tpu.yield
    }) : () -> ()
    return
  }
}

#map = affine_map<(d0, d1) -> (0, 0)>
#map1 = affine_map<(d0, d1) -> (0, 0, 0)>
module attributes {stable_mosaic.version = 14 : i64} {
  func.func @body(%arg0: i32, %arg1: i32, %arg2: memref<10240x128xf32, #tpu.memory_space<hbm>>, %arg3: memref<2528x128xi32, #tpu.memory_space<hbm>>, %arg4: memref<2528x128xi32, #tpu.memory_space<hbm>>, %arg5: memref<2528x128x16xf32, #tpu.memory_space<hbm>>, %arg6: memref<10240x128xf32, #tpu.memory_space<hbm>>, %arg7: memref<2x10240x128xf32, #tpu.memory_space<hbm>>, %arg8: memref<1x128xi32, #tpu.memory_space<vmem>>, %arg9: memref<1x128xi32, #tpu.memory_space<vmem>>, %arg10: memref<1x128x16xf32, #tpu.memory_space<vmem>>, %arg11: memref<1x128x128xf32, #tpu.memory_space<vmem>>, %arg12: memref<10240x128xf32, #tpu.memory_space<vmem_shared>>, %arg13: memref<!tpu.dma_semaphore, #tpu.memory_space<semaphore_mem>>) attributes {dimension_semantics = [#tpu.dimension_semantics<core_parallel>, #tpu.dimension_semantics<subcore_parallel>], iteration_bounds = array<i64: 2, 16>, scalar_prefetch = 0 : i64, scratch_operands = 6 : i64, tpu.core_type = #tpu.core_type<sc_vector_subcore>, window_params = [{transform_indices = #map}, {transform_indices = #map}, {transform_indices = #map}, {transform_indices = #map1}, {transform_indices = #map}, {transform_indices = #map1}]} {
    %mul3A = arith.constant 2 : i32
    %mul3A_0 = arith.muli %arg1, %mul3A : i32
    %add3A = arith.addi %mul3A_0, %arg0 : i32
    %mul3A_1 = arith.constant 640 : i32
    %mul3A_2 = arith.muli %arg1, %mul3A_1 : i32
    %mul3A_3 = arith.constant 640 : i32
    %mul3A_4 = arith.muli %arg1, %mul3A_3 : i32
    "tpu.region"() ({
      %run_scoped3A = tpu.sem_alloc : memref<!tpu.dma_semaphore, #tpu.memory_space<semaphore_mem>>
      %dma_start3A = arith.constant 0 : i32
      %dma_start3A_17 = tpu.memref_slice %arg12[%mul3A_4, %dma_start3A] : memref<10240x128xf32, #tpu.memory_space<vmem_shared>> -> memref<640x128xf32, #tpu.memory_space<vmem_shared>>
      %dma_start3A_18 = arith.constant 0 : i32
      %dma_start3A_19 = tpu.memref_slice %arg6[%mul3A_2, %dma_start3A_18] : memref<10240x128xf32, #tpu.memory_space<hbm>> -> memref<640x128xf32, #tpu.memory_space<hbm>>
      tpu.enqueue_dma source(%dma_start3A_19 : memref<640x128xf32, #tpu.memory_space<hbm>>) target(%dma_start3A_17 : memref<640x128xf32, #tpu.memory_space<vmem_shared>>) target_semaphore(%run_scoped3A : memref<!tpu.dma_semaphore, #tpu.memory_space<semaphore_mem>>)
      %dma_wait3A = arith.constant 0 : i32
      %dma_wait3A_20 = tpu.memref_slice %arg12[%mul3A_4, %dma_wait3A] : memref<10240x128xf32, #tpu.memory_space<vmem_shared>> -> memref<640x128xf32, #tpu.memory_space<vmem_shared>>
      %dma_wait3A_21 = arith.constant 0 : i32
      %dma_wait3A_22 = tpu.memref_slice %arg6[%mul3A_2, %dma_wait3A_21] : memref<10240x128xf32, #tpu.memory_space<hbm>> -> memref<640x128xf32, #tpu.memory_space<hbm>>
      tpu.wait_dma2 semaphore(%run_scoped3A : memref<!tpu.dma_semaphore, #tpu.memory_space<semaphore_mem>>) src(%dma_wait3A_22 : memref<640x128xf32, #tpu.memory_space<hbm>>) dst(%dma_wait3A_20 : memref<640x128xf32, #tpu.memory_space<vmem_shared>>)
      tpu.yield
    }) : () -> ()
    %barrier3A = arith.constant 0 : index
    tpu.barrier barrier_id(%barrier3A)
    %mul3A_5 = arith.constant 79 : i32
    %mul3A_6 = arith.muli %add3A, %mul3A_5 : i32
    %scan3A = arith.constant 0 : i32
    %scan3A_7 = arith.constant 0 : i32
    %scan3A_8 = arith.constant 79 : i32
    %scan3A_9 = arith.addi %scan3A_7, %scan3A_8 : i32
    %scan3A_10 = arith.constant 1 : i32
    scf.for %scan3A_17 = %scan3A_7 to %scan3A_9 step %scan3A_10  : i32 {
      %add3A_18 = arith.addi %mul3A_6, %scan3A_17 : i32
      %run_scoped3A = arith.constant 0 : i32
      "tpu.region"() ({
        %run_scoped3A_51 = tpu.sem_alloc : memref<!tpu.dma_semaphore, #tpu.memory_space<semaphore_mem>>
        %dma_start3A_52 = arith.constant 0 : i32
        %dma_start3A_53 = tpu.memref_slice %arg8[%run_scoped3A, %dma_start3A_52] : memref<1x128xi32, #tpu.memory_space<vmem>> -> memref<1x128xi32, #tpu.memory_space<vmem>>
        %dma_start3A_54 = tpu.memref_squeeze %dma_start3A_53 : memref<1x128xi32, #tpu.memory_space<vmem>> -> memref<128xi32, #tpu.memory_space<vmem>>
        %dma_start3A_55 = arith.constant 0 : i32
        %dma_start3A_56 = tpu.memref_slice %arg3[%add3A_18, %dma_start3A_55] : memref<2528x128xi32, #tpu.memory_space<hbm>> -> memref<1x128xi32, #tpu.memory_space<hbm>>
        %dma_start3A_57 = tpu.memref_squeeze %dma_start3A_56 : memref<1x128xi32, #tpu.memory_space<hbm>> -> memref<128xi32, #tpu.memory_space<hbm>>
        %dma_start3A_58 = arith.constant 0 : i32
        %dma_start3A_59 = tpu.memref_slice %arg8[%run_scoped3A, %dma_start3A_58] : memref<1x128xi32, #tpu.memory_space<vmem>> -> memref<1x128xi32, #tpu.memory_space<vmem>>
        %dma_start3A_60 = tpu.memref_squeeze %dma_start3A_59 : memref<1x128xi32, #tpu.memory_space<vmem>> -> memref<128xi32, #tpu.memory_space<vmem>>
        %dma_start3A_61 = arith.constant 0 : i32
        %dma_start3A_62 = tpu.memref_slice %arg3[%add3A_18, %dma_start3A_61] : memref<2528x128xi32, #tpu.memory_space<hbm>> -> memref<1x128xi32, #tpu.memory_space<hbm>>
        %dma_start3A_63 = tpu.memref_squeeze %dma_start3A_62 : memref<1x128xi32, #tpu.memory_space<hbm>> -> memref<128xi32, #tpu.memory_space<hbm>>
        tpu.enqueue_dma source(%dma_start3A_63 : memref<128xi32, #tpu.memory_space<hbm>>) target(%dma_start3A_60 : memref<128xi32, #tpu.memory_space<vmem>>) target_semaphore(%run_scoped3A_51 : memref<!tpu.dma_semaphore, #tpu.memory_space<semaphore_mem>>)
        %dma_wait3A_64 = arith.constant 0 : i32
        %dma_wait3A_65 = tpu.memref_slice %arg8[%run_scoped3A, %dma_wait3A_64] : memref<1x128xi32, #tpu.memory_space<vmem>> -> memref<1x128xi32, #tpu.memory_space<vmem>>
        %dma_wait3A_66 = tpu.memref_squeeze %dma_wait3A_65 : memref<1x128xi32, #tpu.memory_space<vmem>> -> memref<128xi32, #tpu.memory_space<vmem>>
        %dma_wait3A_67 = arith.constant 0 : i32
        %dma_wait3A_68 = tpu.memref_slice %arg3[%add3A_18, %dma_wait3A_67] : memref<2528x128xi32, #tpu.memory_space<hbm>> -> memref<1x128xi32, #tpu.memory_space<hbm>>
        %dma_wait3A_69 = tpu.memref_squeeze %dma_wait3A_68 : memref<1x128xi32, #tpu.memory_space<hbm>> -> memref<128xi32, #tpu.memory_space<hbm>>
        %dma_wait3A_70 = arith.constant 0 : i32
        %dma_wait3A_71 = tpu.memref_slice %arg8[%run_scoped3A, %dma_wait3A_70] : memref<1x128xi32, #tpu.memory_space<vmem>> -> memref<1x128xi32, #tpu.memory_space<vmem>>
        %dma_wait3A_72 = tpu.memref_squeeze %dma_wait3A_71 : memref<1x128xi32, #tpu.memory_space<vmem>> -> memref<128xi32, #tpu.memory_space<vmem>>
        %dma_wait3A_73 = arith.constant 0 : i32
        %dma_wait3A_74 = tpu.memref_slice %arg3[%add3A_18, %dma_wait3A_73] : memref<2528x128xi32, #tpu.memory_space<hbm>> -> memref<1x128xi32, #tpu.memory_space<hbm>>
        %dma_wait3A_75 = tpu.memref_squeeze %dma_wait3A_74 : memref<1x128xi32, #tpu.memory_space<hbm>> -> memref<128xi32, #tpu.memory_space<hbm>>
        tpu.wait_dma2 semaphore(%run_scoped3A_51 : memref<!tpu.dma_semaphore, #tpu.memory_space<semaphore_mem>>) src(%dma_wait3A_75 : memref<128xi32, #tpu.memory_space<hbm>>) dst(%dma_wait3A_72 : memref<128xi32, #tpu.memory_space<vmem>>)
        tpu.yield
      }) : () -> ()
      %run_scoped3A_19 = arith.constant 0 : i32
      "tpu.region"() ({
        %run_scoped3A_51 = tpu.sem_alloc : memref<!tpu.dma_semaphore, #tpu.memory_space<semaphore_mem>>
        %dma_start3A_52 = arith.constant 0 : i32
        %dma_start3A_53 = tpu.memref_slice %arg9[%run_scoped3A_19, %dma_start3A_52] : memref<1x128xi32, #tpu.memory_space<vmem>> -> memref<1x128xi32, #tpu.memory_space<vmem>>
        %dma_start3A_54 = tpu.memref_squeeze %dma_start3A_53 : memref<1x128xi32, #tpu.memory_space<vmem>> -> memref<128xi32, #tpu.memory_space<vmem>>
        %dma_start3A_55 = arith.constant 0 : i32
        %dma_start3A_56 = tpu.memref_slice %arg4[%add3A_18, %dma_start3A_55] : memref<2528x128xi32, #tpu.memory_space<hbm>> -> memref<1x128xi32, #tpu.memory_space<hbm>>
        %dma_start3A_57 = tpu.memref_squeeze %dma_start3A_56 : memref<1x128xi32, #tpu.memory_space<hbm>> -> memref<128xi32, #tpu.memory_space<hbm>>
        %dma_start3A_58 = arith.constant 0 : i32
        %dma_start3A_59 = tpu.memref_slice %arg9[%run_scoped3A_19, %dma_start3A_58] : memref<1x128xi32, #tpu.memory_space<vmem>> -> memref<1x128xi32, #tpu.memory_space<vmem>>
        %dma_start3A_60 = tpu.memref_squeeze %dma_start3A_59 : memref<1x128xi32, #tpu.memory_space<vmem>> -> memref<128xi32, #tpu.memory_space<vmem>>
        %dma_start3A_61 = arith.constant 0 : i32
        %dma_start3A_62 = tpu.memref_slice %arg4[%add3A_18, %dma_start3A_61] : memref<2528x128xi32, #tpu.memory_space<hbm>> -> memref<1x128xi32, #tpu.memory_space<hbm>>
        %dma_start3A_63 = tpu.memref_squeeze %dma_start3A_62 : memref<1x128xi32, #tpu.memory_space<hbm>> -> memref<128xi32, #tpu.memory_space<hbm>>
        tpu.enqueue_dma source(%dma_start3A_63 : memref<128xi32, #tpu.memory_space<hbm>>) target(%dma_start3A_60 : memref<128xi32, #tpu.memory_space<vmem>>) target_semaphore(%run_scoped3A_51 : memref<!tpu.dma_semaphore, #tpu.memory_space<semaphore_mem>>)
        %dma_wait3A_64 = arith.constant 0 : i32
        %dma_wait3A_65 = tpu.memref_slice %arg9[%run_scoped3A_19, %dma_wait3A_64] : memref<1x128xi32, #tpu.memory_space<vmem>> -> memref<1x128xi32, #tpu.memory_space<vmem>>
        %dma_wait3A_66 = tpu.memref_squeeze %dma_wait3A_65 : memref<1x128xi32, #tpu.memory_space<vmem>> -> memref<128xi32, #tpu.memory_space<vmem>>
        %dma_wait3A_67 = arith.constant 0 : i32
        %dma_wait3A_68 = tpu.memref_slice %arg4[%add3A_18, %dma_wait3A_67] : memref<2528x128xi32, #tpu.memory_space<hbm>> -> memref<1x128xi32, #tpu.memory_space<hbm>>
        %dma_wait3A_69 = tpu.memref_squeeze %dma_wait3A_68 : memref<1x128xi32, #tpu.memory_space<hbm>> -> memref<128xi32, #tpu.memory_space<hbm>>
        %dma_wait3A_70 = arith.constant 0 : i32
        %dma_wait3A_71 = tpu.memref_slice %arg9[%run_scoped3A_19, %dma_wait3A_70] : memref<1x128xi32, #tpu.memory_space<vmem>> -> memref<1x128xi32, #tpu.memory_space<vmem>>
        %dma_wait3A_72 = tpu.memref_squeeze %dma_wait3A_71 : memref<1x128xi32, #tpu.memory_space<vmem>> -> memref<128xi32, #tpu.memory_space<vmem>>
        %dma_wait3A_73 = arith.constant 0 : i32
        %dma_wait3A_74 = tpu.memref_slice %arg4[%add3A_18, %dma_wait3A_73] : memref<2528x128xi32, #tpu.memory_space<hbm>> -> memref<1x128xi32, #tpu.memory_space<hbm>>
        %dma_wait3A_75 = tpu.memref_squeeze %dma_wait3A_74 : memref<1x128xi32, #tpu.memory_space<hbm>> -> memref<128xi32, #tpu.memory_space<hbm>>
        tpu.wait_dma2 semaphore(%run_scoped3A_51 : memref<!tpu.dma_semaphore, #tpu.memory_space<semaphore_mem>>) src(%dma_wait3A_75 : memref<128xi32, #tpu.memory_space<hbm>>) dst(%dma_wait3A_72 : memref<128xi32, #tpu.memory_space<vmem>>)
        tpu.yield
      }) : () -> ()
      %run_scoped3A_20 = arith.constant 0 : i32
      "tpu.region"() ({
        %run_scoped3A_51 = tpu.sem_alloc : memref<!tpu.dma_semaphore, #tpu.memory_space<semaphore_mem>>
        %dma_start3A_52 = arith.constant 0 : i32
        %dma_start3A_53 = arith.constant 0 : i32
        %dma_start3A_54 = tpu.memref_slice %arg10[%run_scoped3A_20, %dma_start3A_52, %dma_start3A_53] : memref<1x128x16xf32, #tpu.memory_space<vmem>> -> memref<1x128x16xf32, #tpu.memory_space<vmem>>
        %dma_start3A_55 = tpu.memref_squeeze %dma_start3A_54 : memref<1x128x16xf32, #tpu.memory_space<vmem>> -> memref<128x16xf32, #tpu.memory_space<vmem>>
        %dma_start3A_56 = arith.constant 0 : i32
        %dma_start3A_57 = arith.constant 0 : i32
        %dma_start3A_58 = tpu.memref_slice %arg5[%add3A_18, %dma_start3A_56, %dma_start3A_57] : memref<2528x128x16xf32, #tpu.memory_space<hbm>> -> memref<1x128x16xf32, #tpu.memory_space<hbm>>
        %dma_start3A_59 = tpu.memref_squeeze %dma_start3A_58 : memref<1x128x16xf32, #tpu.memory_space<hbm>> -> memref<128x16xf32, #tpu.memory_space<hbm>>
        %dma_start3A_60 = arith.constant 0 : i32
        %dma_start3A_61 = arith.constant 0 : i32
        %dma_start3A_62 = tpu.memref_slice %arg10[%run_scoped3A_20, %dma_start3A_60, %dma_start3A_61] : memref<1x128x16xf32, #tpu.memory_space<vmem>> -> memref<1x128x16xf32, #tpu.memory_space<vmem>>
        %dma_start3A_63 = tpu.memref_squeeze %dma_start3A_62 : memref<1x128x16xf32, #tpu.memory_space<vmem>> -> memref<128x16xf32, #tpu.memory_space<vmem>>
        %dma_start3A_64 = arith.constant 0 : i32
        %dma_start3A_65 = arith.constant 0 : i32
        %dma_start3A_66 = tpu.memref_slice %arg5[%add3A_18, %dma_start3A_64, %dma_start3A_65] : memref<2528x128x16xf32, #tpu.memory_space<hbm>> -> memref<1x128x16xf32, #tpu.memory_space<hbm>>
        %dma_start3A_67 = tpu.memref_squeeze %dma_start3A_66 : memref<1x128x16xf32, #tpu.memory_space<hbm>> -> memref<128x16xf32, #tpu.memory_space<hbm>>
        tpu.enqueue_dma source(%dma_start3A_67 : memref<128x16xf32, #tpu.memory_space<hbm>>) target(%dma_start3A_63 : memref<128x16xf32, #tpu.memory_space<vmem>>) target_semaphore(%run_scoped3A_51 : memref<!tpu.dma_semaphore, #tpu.memory_space<semaphore_mem>>)
        %dma_wait3A_68 = arith.constant 0 : i32
        %dma_wait3A_69 = arith.constant 0 : i32
        %dma_wait3A_70 = tpu.memref_slice %arg10[%run_scoped3A_20, %dma_wait3A_68, %dma_wait3A_69] : memref<1x128x16xf32, #tpu.memory_space<vmem>> -> memref<1x128x16xf32, #tpu.memory_space<vmem>>
        %dma_wait3A_71 = tpu.memref_squeeze %dma_wait3A_70 : memref<1x128x16xf32, #tpu.memory_space<vmem>> -> memref<128x16xf32, #tpu.memory_space<vmem>>
        %dma_wait3A_72 = arith.constant 0 : i32
        %dma_wait3A_73 = arith.constant 0 : i32
        %dma_wait3A_74 = tpu.memref_slice %arg5[%add3A_18, %dma_wait3A_72, %dma_wait3A_73] : memref<2528x128x16xf32, #tpu.memory_space<hbm>> -> memref<1x128x16xf32, #tpu.memory_space<hbm>>
        %dma_wait3A_75 = tpu.memref_squeeze %dma_wait3A_74 : memref<1x128x16xf32, #tpu.memory_space<hbm>> -> memref<128x16xf32, #tpu.memory_space<hbm>>
        %dma_wait3A_76 = arith.constant 0 : i32
        %dma_wait3A_77 = arith.constant 0 : i32
        %dma_wait3A_78 = tpu.memref_slice %arg10[%run_scoped3A_20, %dma_wait3A_76, %dma_wait3A_77] : memref<1x128x16xf32, #tpu.memory_space<vmem>> -> memref<1x128x16xf32, #tpu.memory_space<vmem>>
        %dma_wait3A_79 = tpu.memref_squeeze %dma_wait3A_78 : memref<1x128x16xf32, #tpu.memory_space<vmem>> -> memref<128x16xf32, #tpu.memory_space<vmem>>
        %dma_wait3A_80 = arith.constant 0 : i32
        %dma_wait3A_81 = arith.constant 0 : i32
        %dma_wait3A_82 = tpu.memref_slice %arg5[%add3A_18, %dma_wait3A_80, %dma_wait3A_81] : memref<2528x128x16xf32, #tpu.memory_space<hbm>> -> memref<1x128x16xf32, #tpu.memory_space<hbm>>
        %dma_wait3A_83 = tpu.memref_squeeze %dma_wait3A_82 : memref<1x128x16xf32, #tpu.memory_space<hbm>> -> memref<128x16xf32, #tpu.memory_space<hbm>>
        tpu.wait_dma2 semaphore(%run_scoped3A_51 : memref<!tpu.dma_semaphore, #tpu.memory_space<semaphore_mem>>) src(%dma_wait3A_83 : memref<128x16xf32, #tpu.memory_space<hbm>>) dst(%dma_wait3A_79 : memref<128x16xf32, #tpu.memory_space<vmem>>)
        tpu.yield
      }) : () -> ()
      %dma_start3A = arith.constant 0 : i32
      %dma_start3A_21 = arith.constant 0 : i32
      %dma_start3A_22 = arith.constant 0 : i32
      %dma_start3A_23 = arith.constant 0 : i32
      %dma_start3A_24 = tpu.memref_slice %arg11[%dma_start3A_21, %dma_start3A_22, %dma_start3A_23] : memref<1x128x128xf32, #tpu.memory_space<vmem>> -> memref<1x128x128xf32, #tpu.memory_space<vmem>>
      %dma_start3A_25 = tpu.memref_squeeze %dma_start3A_24 : memref<1x128x128xf32, #tpu.memory_space<vmem>> -> memref<128x128xf32, #tpu.memory_space<vmem>>
      %dma_start3A_26 = arith.constant 0 : i32
      %dma_start3A_27 = tpu.memref_slice %arg8[%dma_start3A, %dma_start3A_26] : memref<1x128xi32, #tpu.memory_space<vmem>> -> memref<1x128xi32, #tpu.memory_space<vmem>>
      %dma_start3A_28 = tpu.memref_squeeze %dma_start3A_27 : memref<1x128xi32, #tpu.memory_space<vmem>> -> memref<128xi32, #tpu.memory_space<vmem>>
      %dma_start3A_29 = arith.constant 0 : i32
      %dma_start3A_30 = arith.constant 0 : i32
      %dma_start3A_31 = tpu.memref_slice %arg2[%dma_start3A_29, %dma_start3A_30] : memref<10240x128xf32, #tpu.memory_space<hbm>> -> memref<10240x128xf32, #tpu.memory_space<hbm>>
      tpu.enqueue_indirect_dma source(%dma_start3A_31 : memref<10240x128xf32, #tpu.memory_space<hbm>>) target(%dma_start3A_25 : memref<128x128xf32, #tpu.memory_space<vmem>>) offsets(%dma_start3A_28 : memref<128xi32, #tpu.memory_space<vmem>>) semaphore(%arg13 : memref<!tpu.dma_semaphore, #tpu.memory_space<semaphore_mem>>)
      %dma_wait3A = arith.constant 0 : i32
      %dma_wait3A_32 = arith.constant 0 : i32
      %dma_wait3A_33 = arith.constant 0 : i32
      %dma_wait3A_34 = arith.constant 0 : i32
      %dma_wait3A_35 = tpu.memref_slice %arg11[%dma_wait3A_32, %dma_wait3A_33, %dma_wait3A_34] : memref<1x128x128xf32, #tpu.memory_space<vmem>> -> memref<1x128x128xf32, #tpu.memory_space<vmem>>
      %dma_wait3A_36 = tpu.memref_squeeze %dma_wait3A_35 : memref<1x128x128xf32, #tpu.memory_space<vmem>> -> memref<128x128xf32, #tpu.memory_space<vmem>>
      %dma_wait3A_37 = arith.constant 0 : i32
      %dma_wait3A_38 = tpu.memref_slice %arg8[%dma_wait3A, %dma_wait3A_37] : memref<1x128xi32, #tpu.memory_space<vmem>> -> memref<1x128xi32, #tpu.memory_space<vmem>>
      %dma_wait3A_39 = tpu.memref_squeeze %dma_wait3A_38 : memref<1x128xi32, #tpu.memory_space<vmem>> -> memref<128xi32, #tpu.memory_space<vmem>>
      %dma_wait3A_40 = arith.constant 0 : i32
      %dma_wait3A_41 = arith.constant 0 : i32
      %dma_wait3A_42 = tpu.memref_slice %arg2[%dma_wait3A_40, %dma_wait3A_41] : memref<10240x128xf32, #tpu.memory_space<hbm>> -> memref<10240x128xf32, #tpu.memory_space<hbm>>
      tpu.wait_indirect_dma semaphore(%arg13 : memref<!tpu.dma_semaphore, #tpu.memory_space<semaphore_mem>>) src(%dma_wait3A_42 : memref<10240x128xf32, #tpu.memory_space<hbm>>) dst(%dma_wait3A_36 : memref<128x128xf32, #tpu.memory_space<vmem>>)
      %scan3A_43 = arith.constant 0 : i32
      %scan3A_44 = arith.constant 0 : i32
      %scan3A_45 = arith.constant 128 : i32
      %scan3A_46 = arith.addi %scan3A_44, %scan3A_45 : i32
      %scan3A_47 = arith.constant 1 : i32
      scf.for %scan3A_51 = %scan3A_44 to %scan3A_46 step %scan3A_47  : i32 {
        %get3A = arith.constant 0 : i32
        %get3A_52 = arith.index_cast %get3A : i32 to index
        %get3A_53 = arith.index_cast %scan3A_51 : i32 to index
        %get3A_54 = arith.constant 0 : index
        %get3A_55 = tpu.vector_load %arg10[%get3A_52, %get3A_53, %get3A_54] {strides = array<i32>} : memref<1x128x16xf32, #tpu.memory_space<vmem>>, vector<1x1x16xf32>,
        %get3A_56 = vector.shape_cast %get3A_55 : vector<1x1x16xf32> to vector<16xf32>
        %get3A_57 = arith.constant 0 : i32
        %get3A_58 = arith.index_cast %get3A_57 : i32 to index
        %get3A_59 = arith.index_cast %scan3A_51 : i32 to index
        %get3A_60 = arith.constant 0 : index
        %get3A_61 = tpu.vector_load %arg11[%get3A_58, %get3A_59, %get3A_60] {strides = array<i32>} : memref<1x128x128xf32, #tpu.memory_space<vmem>>, vector<1x1x16xf32>,
        %get3A_62 = vector.shape_cast %get3A_61 : vector<1x1x16xf32> to vector<16xf32>
        %mul3A_63 = arith.mulf %get3A_62, %get3A_56 : vector<16xf32>
        %swap3A = arith.constant 0 : i32
        %swap3A_64 = arith.index_cast %swap3A : i32 to index
        %swap3A_65 = arith.index_cast %scan3A_51 : i32 to index
        %swap3A_66 = arith.constant 0 : index
        %swap3A_67 = tpu.vector_load %arg11[%swap3A_64, %swap3A_65, %swap3A_66] {strides = array<i32>} : memref<1x128x128xf32, #tpu.memory_space<vmem>>, vector<1x1x16xf32>,
        %swap3A_68 = vector.shape_cast %swap3A_67 : vector<1x1x16xf32> to vector<16xf32>
        %swap3A_69 = vector.shape_cast %mul3A_63 : vector<16xf32> to vector<1x1x16xf32>
        tpu.vector_store %arg11[%swap3A_64, %swap3A_65, %swap3A_66], %swap3A_69 {strides = array<i32>} : memref<1x128x128xf32, #tpu.memory_space<vmem>>, vector<1x1x16xf32>,
        %get3A_70 = arith.constant 0 : i32
        %get3A_71 = arith.index_cast %get3A_70 : i32 to index
        %get3A_72 = arith.index_cast %scan3A_51 : i32 to index
        %get3A_73 = arith.constant 16 : index
        %get3A_74 = tpu.vector_load %arg11[%get3A_71, %get3A_72, %get3A_73] {strides = array<i32>} : memref<1x128x128xf32, #tpu.memory_space<vmem>>, vector<1x1x16xf32>,
        %get3A_75 = vector.shape_cast %get3A_74 : vector<1x1x16xf32> to vector<16xf32>
        %mul3A_76 = arith.mulf %get3A_75, %get3A_56 : vector<16xf32>
        %swap3A_77 = arith.constant 0 : i32
        %swap3A_78 = arith.index_cast %swap3A_77 : i32 to index
        %swap3A_79 = arith.index_cast %scan3A_51 : i32 to index
        %swap3A_80 = arith.constant 16 : index
        %swap3A_81 = tpu.vector_load %arg11[%swap3A_78, %swap3A_79, %swap3A_80] {strides = array<i32>} : memref<1x128x128xf32, #tpu.memory_space<vmem>>, vector<1x1x16xf32>,
        %swap3A_82 = vector.shape_cast %swap3A_81 : vector<1x1x16xf32> to vector<16xf32>
        %swap3A_83 = vector.shape_cast %mul3A_76 : vector<16xf32> to vector<1x1x16xf32>
        tpu.vector_store %arg11[%swap3A_78, %swap3A_79, %swap3A_80], %swap3A_83 {strides = array<i32>} : memref<1x128x128xf32, #tpu.memory_space<vmem>>, vector<1x1x16xf32>,
        %get3A_84 = arith.constant 0 : i32
        %get3A_85 = arith.index_cast %get3A_84 : i32 to index
        %get3A_86 = arith.index_cast %scan3A_51 : i32 to index
        %get3A_87 = arith.constant 32 : index
        %get3A_88 = tpu.vector_load %arg11[%get3A_85, %get3A_86, %get3A_87] {strides = array<i32>} : memref<1x128x128xf32, #tpu.memory_space<vmem>>, vector<1x1x16xf32>,
        %get3A_89 = vector.shape_cast %get3A_88 : vector<1x1x16xf32> to vector<16xf32>
        %mul3A_90 = arith.mulf %get3A_89, %get3A_56 : vector<16xf32>
        %swap3A_91 = arith.constant 0 : i32
        %swap3A_92 = arith.index_cast %swap3A_91 : i32 to index
        %swap3A_93 = arith.index_cast %scan3A_51 : i32 to index
        %swap3A_94 = arith.constant 32 : index
        %swap3A_95 = tpu.vector_load %arg11[%swap3A_92, %swap3A_93, %swap3A_94] {strides = array<i32>} : memref<1x128x128xf32, #tpu.memory_space<vmem>>, vector<1x1x16xf32>,
        %swap3A_96 = vector.shape_cast %swap3A_95 : vector<1x1x16xf32> to vector<16xf32>
        %swap3A_97 = vector.shape_cast %mul3A_90 : vector<16xf32> to vector<1x1x16xf32>
        tpu.vector_store %arg11[%swap3A_92, %swap3A_93, %swap3A_94], %swap3A_97 {strides = array<i32>} : memref<1x128x128xf32, #tpu.memory_space<vmem>>, vector<1x1x16xf32>,
        %get3A_98 = arith.constant 0 : i32
        %get3A_99 = arith.index_cast %get3A_98 : i32 to index
        %get3A_100 = arith.index_cast %scan3A_51 : i32 to index
        %get3A_101 = arith.constant 48 : index
        %get3A_102 = tpu.vector_load %arg11[%get3A_99, %get3A_100, %get3A_101] {strides = array<i32>} : memref<1x128x128xf32, #tpu.memory_space<vmem>>, vector<1x1x16xf32>,
        %get3A_103 = vector.shape_cast %get3A_102 : vector<1x1x16xf32> to vector<16xf32>
        %mul3A_104 = arith.mulf %get3A_103, %get3A_56 : vector<16xf32>
        %swap3A_105 = arith.constant 0 : i32
        %swap3A_106 = arith.index_cast %swap3A_105 : i32 to index
        %swap3A_107 = arith.index_cast %scan3A_51 : i32 to index
        %swap3A_108 = arith.constant 48 : index
        %swap3A_109 = tpu.vector_load %arg11[%swap3A_106, %swap3A_107, %swap3A_108] {strides = array<i32>} : memref<1x128x128xf32, #tpu.memory_space<vmem>>, vector<1x1x16xf32>,
        %swap3A_110 = vector.shape_cast %swap3A_109 : vector<1x1x16xf32> to vector<16xf32>
        %swap3A_111 = vector.shape_cast %mul3A_104 : vector<16xf32> to vector<1x1x16xf32>
        tpu.vector_store %arg11[%swap3A_106, %swap3A_107, %swap3A_108], %swap3A_111 {strides = array<i32>} : memref<1x128x128xf32, #tpu.memory_space<vmem>>, vector<1x1x16xf32>,
        %get3A_112 = arith.constant 0 : i32
        %get3A_113 = arith.index_cast %get3A_112 : i32 to index
        %get3A_114 = arith.index_cast %scan3A_51 : i32 to index
        %get3A_115 = arith.constant 64 : index
        %get3A_116 = tpu.vector_load %arg11[%get3A_113, %get3A_114, %get3A_115] {strides = array<i32>} : memref<1x128x128xf32, #tpu.memory_space<vmem>>, vector<1x1x16xf32>,
        %get3A_117 = vector.shape_cast %get3A_116 : vector<1x1x16xf32> to vector<16xf32>
        %mul3A_118 = arith.mulf %get3A_117, %get3A_56 : vector<16xf32>
        %swap3A_119 = arith.constant 0 : i32
        %swap3A_120 = arith.index_cast %swap3A_119 : i32 to index
        %swap3A_121 = arith.index_cast %scan3A_51 : i32 to index
        %swap3A_122 = arith.constant 64 : index
        %swap3A_123 = tpu.vector_load %arg11[%swap3A_120, %swap3A_121, %swap3A_122] {strides = array<i32>} : memref<1x128x128xf32, #tpu.memory_space<vmem>>, vector<1x1x16xf32>,
        %swap3A_124 = vector.shape_cast %swap3A_123 : vector<1x1x16xf32> to vector<16xf32>
        %swap3A_125 = vector.shape_cast %mul3A_118 : vector<16xf32> to vector<1x1x16xf32>
        tpu.vector_store %arg11[%swap3A_120, %swap3A_121, %swap3A_122], %swap3A_125 {strides = array<i32>} : memref<1x128x128xf32, #tpu.memory_space<vmem>>, vector<1x1x16xf32>,
        %get3A_126 = arith.constant 0 : i32
        %get3A_127 = arith.index_cast %get3A_126 : i32 to index
        %get3A_128 = arith.index_cast %scan3A_51 : i32 to index
        %get3A_129 = arith.constant 80 : index
        %get3A_130 = tpu.vector_load %arg11[%get3A_127, %get3A_128, %get3A_129] {strides = array<i32>} : memref<1x128x128xf32, #tpu.memory_space<vmem>>, vector<1x1x16xf32>,
        %get3A_131 = vector.shape_cast %get3A_130 : vector<1x1x16xf32> to vector<16xf32>
        %mul3A_132 = arith.mulf %get3A_131, %get3A_56 : vector<16xf32>
        %swap3A_133 = arith.constant 0 : i32
        %swap3A_134 = arith.index_cast %swap3A_133 : i32 to index
        %swap3A_135 = arith.index_cast %scan3A_51 : i32 to index
        %swap3A_136 = arith.constant 80 : index
        %swap3A_137 = tpu.vector_load %arg11[%swap3A_134, %swap3A_135, %swap3A_136] {strides = array<i32>} : memref<1x128x128xf32, #tpu.memory_space<vmem>>, vector<1x1x16xf32>,
        %swap3A_138 = vector.shape_cast %swap3A_137 : vector<1x1x16xf32> to vector<16xf32>
        %swap3A_139 = vector.shape_cast %mul3A_132 : vector<16xf32> to vector<1x1x16xf32>
        tpu.vector_store %arg11[%swap3A_134, %swap3A_135, %swap3A_136], %swap3A_139 {strides = array<i32>} : memref<1x128x128xf32, #tpu.memory_space<vmem>>, vector<1x1x16xf32>,
        %get3A_140 = arith.constant 0 : i32
        %get3A_141 = arith.index_cast %get3A_140 : i32 to index
        %get3A_142 = arith.index_cast %scan3A_51 : i32 to index
        %get3A_143 = arith.constant 96 : index
        %get3A_144 = tpu.vector_load %arg11[%get3A_141, %get3A_142, %get3A_143] {strides = array<i32>} : memref<1x128x128xf32, #tpu.memory_space<vmem>>, vector<1x1x16xf32>,
        %get3A_145 = vector.shape_cast %get3A_144 : vector<1x1x16xf32> to vector<16xf32>
        %mul3A_146 = arith.mulf %get3A_145, %get3A_56 : vector<16xf32>
        %swap3A_147 = arith.constant 0 : i32
        %swap3A_148 = arith.index_cast %swap3A_147 : i32 to index
        %swap3A_149 = arith.index_cast %scan3A_51 : i32 to index
        %swap3A_150 = arith.constant 96 : index
        %swap3A_151 = tpu.vector_load %arg11[%swap3A_148, %swap3A_149, %swap3A_150] {strides = array<i32>} : memref<1x128x128xf32, #tpu.memory_space<vmem>>, vector<1x1x16xf32>,
        %swap3A_152 = vector.shape_cast %swap3A_151 : vector<1x1x16xf32> to vector<16xf32>
        %swap3A_153 = vector.shape_cast %mul3A_146 : vector<16xf32> to vector<1x1x16xf32>
        tpu.vector_store %arg11[%swap3A_148, %swap3A_149, %swap3A_150], %swap3A_153 {strides = array<i32>} : memref<1x128x128xf32, #tpu.memory_space<vmem>>, vector<1x1x16xf32>,
        %get3A_154 = arith.constant 0 : i32
        %get3A_155 = arith.index_cast %get3A_154 : i32 to index
        %get3A_156 = arith.index_cast %scan3A_51 : i32 to index
        %get3A_157 = arith.constant 112 : index
        %get3A_158 = tpu.vector_load %arg11[%get3A_155, %get3A_156, %get3A_157] {strides = array<i32>} : memref<1x128x128xf32, #tpu.memory_space<vmem>>, vector<1x1x16xf32>,
        %get3A_159 = vector.shape_cast %get3A_158 : vector<1x1x16xf32> to vector<16xf32>
        %mul3A_160 = arith.mulf %get3A_159, %get3A_56 : vector<16xf32>
        %swap3A_161 = arith.constant 0 : i32
        %swap3A_162 = arith.index_cast %swap3A_161 : i32 to index
        %swap3A_163 = arith.index_cast %scan3A_51 : i32 to index
        %swap3A_164 = arith.constant 112 : index
        %swap3A_165 = tpu.vector_load %arg11[%swap3A_162, %swap3A_163, %swap3A_164] {strides = array<i32>} : memref<1x128x128xf32, #tpu.memory_space<vmem>>, vector<1x1x16xf32>,
        %swap3A_166 = vector.shape_cast %swap3A_165 : vector<1x1x16xf32> to vector<16xf32>
        %swap3A_167 = vector.shape_cast %mul3A_160 : vector<16xf32> to vector<1x1x16xf32>
        tpu.vector_store %arg11[%swap3A_162, %swap3A_163, %swap3A_164], %swap3A_167 {strides = array<i32>} : memref<1x128x128xf32, #tpu.memory_space<vmem>>, vector<1x1x16xf32>,
      }
      %scan3A_48 = arith.constant 128 : i32
      %run_scoped3A_49 = arith.constant 0 : i32
      %run_scoped3A_50 = arith.constant 0 : i32
      "tpu.region"() ({
        %run_scoped3A_51 = tpu.sem_alloc : memref<!tpu.dma_semaphore, #tpu.memory_space<semaphore_mem>>
        %dma_start3A_52 = arith.constant 0 : i32
        %dma_start3A_53 = arith.constant 0 : i32
        %dma_start3A_54 = tpu.memref_slice %arg11[%run_scoped3A_49, %dma_start3A_52, %dma_start3A_53] : memref<1x128x128xf32, #tpu.memory_space<vmem>> -> memref<1x128x128xf32, #tpu.memory_space<vmem>>
        %dma_start3A_55 = tpu.memref_squeeze %dma_start3A_54 : memref<1x128x128xf32, #tpu.memory_space<vmem>> -> memref<128x128xf32, #tpu.memory_space<vmem>>
        %dma_start3A_56 = arith.constant 0 : i32
        %dma_start3A_57 = tpu.memref_slice %arg9[%run_scoped3A_50, %dma_start3A_56] : memref<1x128xi32, #tpu.memory_space<vmem>> -> memref<1x128xi32, #tpu.memory_space<vmem>>
        %dma_start3A_58 = tpu.memref_squeeze %dma_start3A_57 : memref<1x128xi32, #tpu.memory_space<vmem>> -> memref<128xi32, #tpu.memory_space<vmem>>
        %dma_start3A_59 = arith.constant 0 : i32
        %dma_start3A_60 = arith.constant 0 : i32
        %dma_start3A_61 = tpu.memref_slice %arg12[%dma_start3A_59, %dma_start3A_60] : memref<10240x128xf32, #tpu.memory_space<vmem_shared>> -> memref<10240x128xf32, #tpu.memory_space<vmem_shared>>
        tpu.enqueue_indirect_dma source(%dma_start3A_55 : memref<128x128xf32, #tpu.memory_space<vmem>>) target(%dma_start3A_61 : memref<10240x128xf32, #tpu.memory_space<vmem_shared>>) offsets(%dma_start3A_58 : memref<128xi32, #tpu.memory_space<vmem>>) semaphore(%run_scoped3A_51 : memref<!tpu.dma_semaphore, #tpu.memory_space<semaphore_mem>>) {add = true}
        %dma_wait3A_62 = arith.constant 0 : i32
        %dma_wait3A_63 = arith.constant 0 : i32
        %dma_wait3A_64 = tpu.memref_slice %arg11[%run_scoped3A_49, %dma_wait3A_62, %dma_wait3A_63] : memref<1x128x128xf32, #tpu.memory_space<vmem>> -> memref<1x128x128xf32, #tpu.memory_space<vmem>>
        %dma_wait3A_65 = tpu.memref_squeeze %dma_wait3A_64 : memref<1x128x128xf32, #tpu.memory_space<vmem>> -> memref<128x128xf32, #tpu.memory_space<vmem>>
        %dma_wait3A_66 = arith.constant 0 : i32
        %dma_wait3A_67 = tpu.memref_slice %arg9[%run_scoped3A_50, %dma_wait3A_66] : memref<1x128xi32, #tpu.memory_space<vmem>> -> memref<1x128xi32, #tpu.memory_space<vmem>>
        %dma_wait3A_68 = tpu.memref_squeeze %dma_wait3A_67 : memref<1x128xi32, #tpu.memory_space<vmem>> -> memref<128xi32, #tpu.memory_space<vmem>>
        %dma_wait3A_69 = arith.constant 0 : i32
        %dma_wait3A_70 = arith.constant 0 : i32
        %dma_wait3A_71 = tpu.memref_slice %arg12[%dma_wait3A_69, %dma_wait3A_70] : memref<10240x128xf32, #tpu.memory_space<vmem_shared>> -> memref<10240x128xf32, #tpu.memory_space<vmem_shared>>
        tpu.wait_indirect_dma semaphore(%run_scoped3A_51 : memref<!tpu.dma_semaphore, #tpu.memory_space<semaphore_mem>>) src(%dma_wait3A_65 : memref<128x128xf32, #tpu.memory_space<vmem>>) dst(%dma_wait3A_71 : memref<10240x128xf32, #tpu.memory_space<vmem_shared>>)
        tpu.yield
      }) : () -> ()
    }
    %scan3A_11 = arith.constant 79 : i32
    %barrier3A_12 = arith.constant 0 : index
    tpu.barrier barrier_id(%barrier3A_12)
    %mul3A_13 = arith.constant 640 : i32
    %mul3A_14 = arith.muli %arg1, %mul3A_13 : i32
    %mul3A_15 = arith.constant 640 : i32
    %mul3A_16 = arith.muli %arg1, %mul3A_15 : i32
    "tpu.region"() ({
      %run_scoped3A = tpu.sem_alloc : memref<!tpu.dma_semaphore, #tpu.memory_space<semaphore_mem>>
      %dma_start3A = arith.constant 0 : i32
      %dma_start3A_17 = tpu.memref_slice %arg7[%arg0, %mul3A_16, %dma_start3A] : memref<2x10240x128xf32, #tpu.memory_space<hbm>> -> memref<1x640x128xf32, #tpu.memory_space<hbm>>
      %dma_start3A_18 = tpu.memref_squeeze %dma_start3A_17 : memref<1x640x128xf32, #tpu.memory_space<hbm>> -> memref<640x128xf32, #tpu.memory_space<hbm>>
      %dma_start3A_19 = arith.constant 0 : i32
      %dma_start3A_20 = tpu.memref_slice %arg12[%mul3A_14, %dma_start3A_19] : memref<10240x128xf32, #tpu.memory_space<vmem_shared>> -> memref<640x128xf32, #tpu.memory_space<vmem_shared>>
      tpu.enqueue_dma source(%dma_start3A_20 : memref<640x128xf32, #tpu.memory_space<vmem_shared>>) target(%dma_start3A_18 : memref<640x128xf32, #tpu.memory_space<hbm>>) target_semaphore(%run_scoped3A : memref<!tpu.dma_semaphore, #tpu.memory_space<semaphore_mem>>)
      %dma_wait3A = arith.constant 0 : i32
      %dma_wait3A_21 = tpu.memref_slice %arg7[%arg0, %mul3A_16, %dma_wait3A] : memref<2x10240x128xf32, #tpu.memory_space<hbm>> -> memref<1x640x128xf32, #tpu.memory_space<hbm>>
      %dma_wait3A_22 = tpu.memref_squeeze %dma_wait3A_21 : memref<1x640x128xf32, #tpu.memory_space<hbm>> -> memref<640x128xf32, #tpu.memory_space<hbm>>
      %dma_wait3A_23 = arith.constant 0 : i32
      %dma_wait3A_24 = tpu.memref_slice %arg12[%mul3A_14, %dma_wait3A_23] : memref<10240x128xf32, #tpu.memory_space<vmem_shared>> -> memref<640x128xf32, #tpu.memory_space<vmem_shared>>
      tpu.wait_dma2 semaphore(%run_scoped3A : memref<!tpu.dma_semaphore, #tpu.memory_space<semaphore_mem>>) src(%dma_wait3A_24 : memref<640x128xf32, #tpu.memory_space<vmem_shared>>) dst(%dma_wait3A_22 : memref<640x128xf32, #tpu.memory_space<hbm>>)
      tpu.yield
    }) : () -> ()
    return
  }
}

#map = affine_map<(d0, d1) -> (0, 0)>
#map1 = affine_map<(d0, d1) -> (0, 0, 0)>
module attributes {stable_mosaic.version = 14 : i64} {
  func.func @body(%arg0: i32, %arg1: i32, %arg2: memref<10240x128xf32, #tpu.memory_space<hbm>>, %arg3: memref<2528x128xi32, #tpu.memory_space<hbm>>, %arg4: memref<2528x128xi32, #tpu.memory_space<hbm>>, %arg5: memref<2528x128x16xf32, #tpu.memory_space<hbm>>, %arg6: memref<10240x128xf32, #tpu.memory_space<hbm>>, %arg7: memref<2x10240x128xf32, #tpu.memory_space<hbm>>, %arg8: memref<1x128xi32, #tpu.memory_space<vmem>>, %arg9: memref<1x128xi32, #tpu.memory_space<vmem>>, %arg10: memref<1x128x16xf32, #tpu.memory_space<vmem>>, %arg11: memref<1x128x128xf32, #tpu.memory_space<vmem>>, %arg12: memref<10240x128xf32, #tpu.memory_space<vmem_shared>>, %arg13: memref<!tpu.dma_semaphore, #tpu.memory_space<semaphore_mem>>) attributes {dimension_semantics = [#tpu.dimension_semantics<core_parallel>, #tpu.dimension_semantics<subcore_parallel>], iteration_bounds = array<i64: 2, 16>, scalar_prefetch = 0 : i64, scratch_operands = 6 : i64, tpu.core_type = #tpu.core_type<sc_vector_subcore>, window_params = [{transform_indices = #map}, {transform_indices = #map}, {transform_indices = #map}, {transform_indices = #map1}, {transform_indices = #map}, {transform_indices = #map1}]} {
    %mul3A = arith.constant 2 : i32
    %mul3A_0 = arith.muli %arg1, %mul3A : i32
    %add3A = arith.addi %mul3A_0, %arg0 : i32
    %mul3A_1 = arith.constant 640 : i32
    %mul3A_2 = arith.muli %arg1, %mul3A_1 : i32
    %mul3A_3 = arith.constant 640 : i32
    %mul3A_4 = arith.muli %arg1, %mul3A_3 : i32
    "tpu.region"() ({
      %run_scoped3A = tpu.sem_alloc : memref<!tpu.dma_semaphore, #tpu.memory_space<semaphore_mem>>
      %dma_start3A = arith.constant 0 : i32
      %dma_start3A_17 = tpu.memref_slice %arg12[%mul3A_4, %dma_start3A] : memref<10240x128xf32, #tpu.memory_space<vmem_shared>> -> memref<640x128xf32, #tpu.memory_space<vmem_shared>>
      %dma_start3A_18 = arith.constant 0 : i32
      %dma_start3A_19 = tpu.memref_slice %arg6[%mul3A_2, %dma_start3A_18] : memref<10240x128xf32, #tpu.memory_space<hbm>> -> memref<640x128xf32, #tpu.memory_space<hbm>>
      tpu.enqueue_dma source(%dma_start3A_19 : memref<640x128xf32, #tpu.memory_space<hbm>>) target(%dma_start3A_17 : memref<640x128xf32, #tpu.memory_space<vmem_shared>>) target_semaphore(%run_scoped3A : memref<!tpu.dma_semaphore, #tpu.memory_space<semaphore_mem>>)
      %dma_wait3A = arith.constant 0 : i32
      %dma_wait3A_20 = tpu.memref_slice %arg12[%mul3A_4, %dma_wait3A] : memref<10240x128xf32, #tpu.memory_space<vmem_shared>> -> memref<640x128xf32, #tpu.memory_space<vmem_shared>>
      %dma_wait3A_21 = arith.constant 0 : i32
      %dma_wait3A_22 = tpu.memref_slice %arg6[%mul3A_2, %dma_wait3A_21] : memref<10240x128xf32, #tpu.memory_space<hbm>> -> memref<640x128xf32, #tpu.memory_space<hbm>>
      tpu.wait_dma2 semaphore(%run_scoped3A : memref<!tpu.dma_semaphore, #tpu.memory_space<semaphore_mem>>) src(%dma_wait3A_22 : memref<640x128xf32, #tpu.memory_space<hbm>>) dst(%dma_wait3A_20 : memref<640x128xf32, #tpu.memory_space<vmem_shared>>)
      tpu.yield
    }) : () -> ()
    %barrier3A = arith.constant 0 : index
    tpu.barrier barrier_id(%barrier3A)
    %mul3A_5 = arith.constant 79 : i32
    %mul3A_6 = arith.muli %add3A, %mul3A_5 : i32
    %scan3A = arith.constant 0 : i32
    %scan3A_7 = arith.constant 0 : i32
    %scan3A_8 = arith.constant 79 : i32
    %scan3A_9 = arith.addi %scan3A_7, %scan3A_8 : i32
    %scan3A_10 = arith.constant 1 : i32
    scf.for %scan3A_17 = %scan3A_7 to %scan3A_9 step %scan3A_10  : i32 {
      %add3A_18 = arith.addi %mul3A_6, %scan3A_17 : i32
      %run_scoped3A = arith.constant 0 : i32
      "tpu.region"() ({
        %run_scoped3A_51 = tpu.sem_alloc : memref<!tpu.dma_semaphore, #tpu.memory_space<semaphore_mem>>
        %dma_start3A_52 = arith.constant 0 : i32
        %dma_start3A_53 = tpu.memref_slice %arg8[%run_scoped3A, %dma_start3A_52] : memref<1x128xi32, #tpu.memory_space<vmem>> -> memref<1x128xi32, #tpu.memory_space<vmem>>
        %dma_start3A_54 = tpu.memref_squeeze %dma_start3A_53 : memref<1x128xi32, #tpu.memory_space<vmem>> -> memref<128xi32, #tpu.memory_space<vmem>>
        %dma_start3A_55 = arith.constant 0 : i32
        %dma_start3A_56 = tpu.memref_slice %arg3[%add3A_18, %dma_start3A_55] : memref<2528x128xi32, #tpu.memory_space<hbm>> -> memref<1x128xi32, #tpu.memory_space<hbm>>
        %dma_start3A_57 = tpu.memref_squeeze %dma_start3A_56 : memref<1x128xi32, #tpu.memory_space<hbm>> -> memref<128xi32, #tpu.memory_space<hbm>>
        %dma_start3A_58 = arith.constant 0 : i32
        %dma_start3A_59 = tpu.memref_slice %arg8[%run_scoped3A, %dma_start3A_58] : memref<1x128xi32, #tpu.memory_space<vmem>> -> memref<1x128xi32, #tpu.memory_space<vmem>>
        %dma_start3A_60 = tpu.memref_squeeze %dma_start3A_59 : memref<1x128xi32, #tpu.memory_space<vmem>> -> memref<128xi32, #tpu.memory_space<vmem>>
        %dma_start3A_61 = arith.constant 0 : i32
        %dma_start3A_62 = tpu.memref_slice %arg3[%add3A_18, %dma_start3A_61] : memref<2528x128xi32, #tpu.memory_space<hbm>> -> memref<1x128xi32, #tpu.memory_space<hbm>>
        %dma_start3A_63 = tpu.memref_squeeze %dma_start3A_62 : memref<1x128xi32, #tpu.memory_space<hbm>> -> memref<128xi32, #tpu.memory_space<hbm>>
        tpu.enqueue_dma source(%dma_start3A_63 : memref<128xi32, #tpu.memory_space<hbm>>) target(%dma_start3A_60 : memref<128xi32, #tpu.memory_space<vmem>>) target_semaphore(%run_scoped3A_51 : memref<!tpu.dma_semaphore, #tpu.memory_space<semaphore_mem>>)
        %dma_wait3A_64 = arith.constant 0 : i32
        %dma_wait3A_65 = tpu.memref_slice %arg8[%run_scoped3A, %dma_wait3A_64] : memref<1x128xi32, #tpu.memory_space<vmem>> -> memref<1x128xi32, #tpu.memory_space<vmem>>
        %dma_wait3A_66 = tpu.memref_squeeze %dma_wait3A_65 : memref<1x128xi32, #tpu.memory_space<vmem>> -> memref<128xi32, #tpu.memory_space<vmem>>
        %dma_wait3A_67 = arith.constant 0 : i32
        %dma_wait3A_68 = tpu.memref_slice %arg3[%add3A_18, %dma_wait3A_67] : memref<2528x128xi32, #tpu.memory_space<hbm>> -> memref<1x128xi32, #tpu.memory_space<hbm>>
        %dma_wait3A_69 = tpu.memref_squeeze %dma_wait3A_68 : memref<1x128xi32, #tpu.memory_space<hbm>> -> memref<128xi32, #tpu.memory_space<hbm>>
        %dma_wait3A_70 = arith.constant 0 : i32
        %dma_wait3A_71 = tpu.memref_slice %arg8[%run_scoped3A, %dma_wait3A_70] : memref<1x128xi32, #tpu.memory_space<vmem>> -> memref<1x128xi32, #tpu.memory_space<vmem>>
        %dma_wait3A_72 = tpu.memref_squeeze %dma_wait3A_71 : memref<1x128xi32, #tpu.memory_space<vmem>> -> memref<128xi32, #tpu.memory_space<vmem>>
        %dma_wait3A_73 = arith.constant 0 : i32
        %dma_wait3A_74 = tpu.memref_slice %arg3[%add3A_18, %dma_wait3A_73] : memref<2528x128xi32, #tpu.memory_space<hbm>> -> memref<1x128xi32, #tpu.memory_space<hbm>>
        %dma_wait3A_75 = tpu.memref_squeeze %dma_wait3A_74 : memref<1x128xi32, #tpu.memory_space<hbm>> -> memref<128xi32, #tpu.memory_space<hbm>>
        tpu.wait_dma2 semaphore(%run_scoped3A_51 : memref<!tpu.dma_semaphore, #tpu.memory_space<semaphore_mem>>) src(%dma_wait3A_75 : memref<128xi32, #tpu.memory_space<hbm>>) dst(%dma_wait3A_72 : memref<128xi32, #tpu.memory_space<vmem>>)
        tpu.yield
      }) : () -> ()
      %run_scoped3A_19 = arith.constant 0 : i32
      "tpu.region"() ({
        %run_scoped3A_51 = tpu.sem_alloc : memref<!tpu.dma_semaphore, #tpu.memory_space<semaphore_mem>>
        %dma_start3A_52 = arith.constant 0 : i32
        %dma_start3A_53 = tpu.memref_slice %arg9[%run_scoped3A_19, %dma_start3A_52] : memref<1x128xi32, #tpu.memory_space<vmem>> -> memref<1x128xi32, #tpu.memory_space<vmem>>
        %dma_start3A_54 = tpu.memref_squeeze %dma_start3A_53 : memref<1x128xi32, #tpu.memory_space<vmem>> -> memref<128xi32, #tpu.memory_space<vmem>>
        %dma_start3A_55 = arith.constant 0 : i32
        %dma_start3A_56 = tpu.memref_slice %arg4[%add3A_18, %dma_start3A_55] : memref<2528x128xi32, #tpu.memory_space<hbm>> -> memref<1x128xi32, #tpu.memory_space<hbm>>
        %dma_start3A_57 = tpu.memref_squeeze %dma_start3A_56 : memref<1x128xi32, #tpu.memory_space<hbm>> -> memref<128xi32, #tpu.memory_space<hbm>>
        %dma_start3A_58 = arith.constant 0 : i32
        %dma_start3A_59 = tpu.memref_slice %arg9[%run_scoped3A_19, %dma_start3A_58] : memref<1x128xi32, #tpu.memory_space<vmem>> -> memref<1x128xi32, #tpu.memory_space<vmem>>
        %dma_start3A_60 = tpu.memref_squeeze %dma_start3A_59 : memref<1x128xi32, #tpu.memory_space<vmem>> -> memref<128xi32, #tpu.memory_space<vmem>>
        %dma_start3A_61 = arith.constant 0 : i32
        %dma_start3A_62 = tpu.memref_slice %arg4[%add3A_18, %dma_start3A_61] : memref<2528x128xi32, #tpu.memory_space<hbm>> -> memref<1x128xi32, #tpu.memory_space<hbm>>
        %dma_start3A_63 = tpu.memref_squeeze %dma_start3A_62 : memref<1x128xi32, #tpu.memory_space<hbm>> -> memref<128xi32, #tpu.memory_space<hbm>>
        tpu.enqueue_dma source(%dma_start3A_63 : memref<128xi32, #tpu.memory_space<hbm>>) target(%dma_start3A_60 : memref<128xi32, #tpu.memory_space<vmem>>) target_semaphore(%run_scoped3A_51 : memref<!tpu.dma_semaphore, #tpu.memory_space<semaphore_mem>>)
        %dma_wait3A_64 = arith.constant 0 : i32
        %dma_wait3A_65 = tpu.memref_slice %arg9[%run_scoped3A_19, %dma_wait3A_64] : memref<1x128xi32, #tpu.memory_space<vmem>> -> memref<1x128xi32, #tpu.memory_space<vmem>>
        %dma_wait3A_66 = tpu.memref_squeeze %dma_wait3A_65 : memref<1x128xi32, #tpu.memory_space<vmem>> -> memref<128xi32, #tpu.memory_space<vmem>>
        %dma_wait3A_67 = arith.constant 0 : i32
        %dma_wait3A_68 = tpu.memref_slice %arg4[%add3A_18, %dma_wait3A_67] : memref<2528x128xi32, #tpu.memory_space<hbm>> -> memref<1x128xi32, #tpu.memory_space<hbm>>
        %dma_wait3A_69 = tpu.memref_squeeze %dma_wait3A_68 : memref<1x128xi32, #tpu.memory_space<hbm>> -> memref<128xi32, #tpu.memory_space<hbm>>
        %dma_wait3A_70 = arith.constant 0 : i32
        %dma_wait3A_71 = tpu.memref_slice %arg9[%run_scoped3A_19, %dma_wait3A_70] : memref<1x128xi32, #tpu.memory_space<vmem>> -> memref<1x128xi32, #tpu.memory_space<vmem>>
        %dma_wait3A_72 = tpu.memref_squeeze %dma_wait3A_71 : memref<1x128xi32, #tpu.memory_space<vmem>> -> memref<128xi32, #tpu.memory_space<vmem>>
        %dma_wait3A_73 = arith.constant 0 : i32
        %dma_wait3A_74 = tpu.memref_slice %arg4[%add3A_18, %dma_wait3A_73] : memref<2528x128xi32, #tpu.memory_space<hbm>> -> memref<1x128xi32, #tpu.memory_space<hbm>>
        %dma_wait3A_75 = tpu.memref_squeeze %dma_wait3A_74 : memref<1x128xi32, #tpu.memory_space<hbm>> -> memref<128xi32, #tpu.memory_space<hbm>>
        tpu.wait_dma2 semaphore(%run_scoped3A_51 : memref<!tpu.dma_semaphore, #tpu.memory_space<semaphore_mem>>) src(%dma_wait3A_75 : memref<128xi32, #tpu.memory_space<hbm>>) dst(%dma_wait3A_72 : memref<128xi32, #tpu.memory_space<vmem>>)
        tpu.yield
      }) : () -> ()
      %run_scoped3A_20 = arith.constant 0 : i32
      "tpu.region"() ({
        %run_scoped3A_51 = tpu.sem_alloc : memref<!tpu.dma_semaphore, #tpu.memory_space<semaphore_mem>>
        %dma_start3A_52 = arith.constant 0 : i32
        %dma_start3A_53 = arith.constant 0 : i32
        %dma_start3A_54 = tpu.memref_slice %arg10[%run_scoped3A_20, %dma_start3A_52, %dma_start3A_53] : memref<1x128x16xf32, #tpu.memory_space<vmem>> -> memref<1x128x16xf32, #tpu.memory_space<vmem>>
        %dma_start3A_55 = tpu.memref_squeeze %dma_start3A_54 : memref<1x128x16xf32, #tpu.memory_space<vmem>> -> memref<128x16xf32, #tpu.memory_space<vmem>>
        %dma_start3A_56 = arith.constant 0 : i32
        %dma_start3A_57 = arith.constant 0 : i32
        %dma_start3A_58 = tpu.memref_slice %arg5[%add3A_18, %dma_start3A_56, %dma_start3A_57] : memref<2528x128x16xf32, #tpu.memory_space<hbm>> -> memref<1x128x16xf32, #tpu.memory_space<hbm>>
        %dma_start3A_59 = tpu.memref_squeeze %dma_start3A_58 : memref<1x128x16xf32, #tpu.memory_space<hbm>> -> memref<128x16xf32, #tpu.memory_space<hbm>>
        %dma_start3A_60 = arith.constant 0 : i32
        %dma_start3A_61 = arith.constant 0 : i32
        %dma_start3A_62 = tpu.memref_slice %arg10[%run_scoped3A_20, %dma_start3A_60, %dma_start3A_61] : memref<1x128x16xf32, #tpu.memory_space<vmem>> -> memref<1x128x16xf32, #tpu.memory_space<vmem>>
        %dma_start3A_63 = tpu.memref_squeeze %dma_start3A_62 : memref<1x128x16xf32, #tpu.memory_space<vmem>> -> memref<128x16xf32, #tpu.memory_space<vmem>>
        %dma_start3A_64 = arith.constant 0 : i32
        %dma_start3A_65 = arith.constant 0 : i32
        %dma_start3A_66 = tpu.memref_slice %arg5[%add3A_18, %dma_start3A_64, %dma_start3A_65] : memref<2528x128x16xf32, #tpu.memory_space<hbm>> -> memref<1x128x16xf32, #tpu.memory_space<hbm>>
        %dma_start3A_67 = tpu.memref_squeeze %dma_start3A_66 : memref<1x128x16xf32, #tpu.memory_space<hbm>> -> memref<128x16xf32, #tpu.memory_space<hbm>>
        tpu.enqueue_dma source(%dma_start3A_67 : memref<128x16xf32, #tpu.memory_space<hbm>>) target(%dma_start3A_63 : memref<128x16xf32, #tpu.memory_space<vmem>>) target_semaphore(%run_scoped3A_51 : memref<!tpu.dma_semaphore, #tpu.memory_space<semaphore_mem>>)
        %dma_wait3A_68 = arith.constant 0 : i32
        %dma_wait3A_69 = arith.constant 0 : i32
        %dma_wait3A_70 = tpu.memref_slice %arg10[%run_scoped3A_20, %dma_wait3A_68, %dma_wait3A_69] : memref<1x128x16xf32, #tpu.memory_space<vmem>> -> memref<1x128x16xf32, #tpu.memory_space<vmem>>
        %dma_wait3A_71 = tpu.memref_squeeze %dma_wait3A_70 : memref<1x128x16xf32, #tpu.memory_space<vmem>> -> memref<128x16xf32, #tpu.memory_space<vmem>>
        %dma_wait3A_72 = arith.constant 0 : i32
        %dma_wait3A_73 = arith.constant 0 : i32
        %dma_wait3A_74 = tpu.memref_slice %arg5[%add3A_18, %dma_wait3A_72, %dma_wait3A_73] : memref<2528x128x16xf32, #tpu.memory_space<hbm>> -> memref<1x128x16xf32, #tpu.memory_space<hbm>>
        %dma_wait3A_75 = tpu.memref_squeeze %dma_wait3A_74 : memref<1x128x16xf32, #tpu.memory_space<hbm>> -> memref<128x16xf32, #tpu.memory_space<hbm>>
        %dma_wait3A_76 = arith.constant 0 : i32
        %dma_wait3A_77 = arith.constant 0 : i32
        %dma_wait3A_78 = tpu.memref_slice %arg10[%run_scoped3A_20, %dma_wait3A_76, %dma_wait3A_77] : memref<1x128x16xf32, #tpu.memory_space<vmem>> -> memref<1x128x16xf32, #tpu.memory_space<vmem>>
        %dma_wait3A_79 = tpu.memref_squeeze %dma_wait3A_78 : memref<1x128x16xf32, #tpu.memory_space<vmem>> -> memref<128x16xf32, #tpu.memory_space<vmem>>
        %dma_wait3A_80 = arith.constant 0 : i32
        %dma_wait3A_81 = arith.constant 0 : i32
        %dma_wait3A_82 = tpu.memref_slice %arg5[%add3A_18, %dma_wait3A_80, %dma_wait3A_81] : memref<2528x128x16xf32, #tpu.memory_space<hbm>> -> memref<1x128x16xf32, #tpu.memory_space<hbm>>
        %dma_wait3A_83 = tpu.memref_squeeze %dma_wait3A_82 : memref<1x128x16xf32, #tpu.memory_space<hbm>> -> memref<128x16xf32, #tpu.memory_space<hbm>>
        tpu.wait_dma2 semaphore(%run_scoped3A_51 : memref<!tpu.dma_semaphore, #tpu.memory_space<semaphore_mem>>) src(%dma_wait3A_83 : memref<128x16xf32, #tpu.memory_space<hbm>>) dst(%dma_wait3A_79 : memref<128x16xf32, #tpu.memory_space<vmem>>)
        tpu.yield
      }) : () -> ()
      %dma_start3A = arith.constant 0 : i32
      %dma_start3A_21 = arith.constant 0 : i32
      %dma_start3A_22 = arith.constant 0 : i32
      %dma_start3A_23 = arith.constant 0 : i32
      %dma_start3A_24 = tpu.memref_slice %arg11[%dma_start3A_21, %dma_start3A_22, %dma_start3A_23] : memref<1x128x128xf32, #tpu.memory_space<vmem>> -> memref<1x128x128xf32, #tpu.memory_space<vmem>>
      %dma_start3A_25 = tpu.memref_squeeze %dma_start3A_24 : memref<1x128x128xf32, #tpu.memory_space<vmem>> -> memref<128x128xf32, #tpu.memory_space<vmem>>
      %dma_start3A_26 = arith.constant 0 : i32
      %dma_start3A_27 = tpu.memref_slice %arg8[%dma_start3A, %dma_start3A_26] : memref<1x128xi32, #tpu.memory_space<vmem>> -> memref<1x128xi32, #tpu.memory_space<vmem>>
      %dma_start3A_28 = tpu.memref_squeeze %dma_start3A_27 : memref<1x128xi32, #tpu.memory_space<vmem>> -> memref<128xi32, #tpu.memory_space<vmem>>
      %dma_start3A_29 = arith.constant 0 : i32
      %dma_start3A_30 = arith.constant 0 : i32
      %dma_start3A_31 = tpu.memref_slice %arg2[%dma_start3A_29, %dma_start3A_30] : memref<10240x128xf32, #tpu.memory_space<hbm>> -> memref<10240x128xf32, #tpu.memory_space<hbm>>
      tpu.enqueue_indirect_dma source(%dma_start3A_31 : memref<10240x128xf32, #tpu.memory_space<hbm>>) target(%dma_start3A_25 : memref<128x128xf32, #tpu.memory_space<vmem>>) offsets(%dma_start3A_28 : memref<128xi32, #tpu.memory_space<vmem>>) semaphore(%arg13 : memref<!tpu.dma_semaphore, #tpu.memory_space<semaphore_mem>>)
      %dma_wait3A = arith.constant 0 : i32
      %dma_wait3A_32 = arith.constant 0 : i32
      %dma_wait3A_33 = arith.constant 0 : i32
      %dma_wait3A_34 = arith.constant 0 : i32
      %dma_wait3A_35 = tpu.memref_slice %arg11[%dma_wait3A_32, %dma_wait3A_33, %dma_wait3A_34] : memref<1x128x128xf32, #tpu.memory_space<vmem>> -> memref<1x128x128xf32, #tpu.memory_space<vmem>>
      %dma_wait3A_36 = tpu.memref_squeeze %dma_wait3A_35 : memref<1x128x128xf32, #tpu.memory_space<vmem>> -> memref<128x128xf32, #tpu.memory_space<vmem>>
      %dma_wait3A_37 = arith.constant 0 : i32
      %dma_wait3A_38 = tpu.memref_slice %arg8[%dma_wait3A, %dma_wait3A_37] : memref<1x128xi32, #tpu.memory_space<vmem>> -> memref<1x128xi32, #tpu.memory_space<vmem>>
      %dma_wait3A_39 = tpu.memref_squeeze %dma_wait3A_38 : memref<1x128xi32, #tpu.memory_space<vmem>> -> memref<128xi32, #tpu.memory_space<vmem>>
      %dma_wait3A_40 = arith.constant 0 : i32
      %dma_wait3A_41 = arith.constant 0 : i32
      %dma_wait3A_42 = tpu.memref_slice %arg2[%dma_wait3A_40, %dma_wait3A_41] : memref<10240x128xf32, #tpu.memory_space<hbm>> -> memref<10240x128xf32, #tpu.memory_space<hbm>>
      tpu.wait_indirect_dma semaphore(%arg13 : memref<!tpu.dma_semaphore, #tpu.memory_space<semaphore_mem>>) src(%dma_wait3A_42 : memref<10240x128xf32, #tpu.memory_space<hbm>>) dst(%dma_wait3A_36 : memref<128x128xf32, #tpu.memory_space<vmem>>)
      %scan3A_43 = arith.constant 0 : i32
      %scan3A_44 = arith.constant 0 : i32
      %scan3A_45 = arith.constant 128 : i32
      %scan3A_46 = arith.addi %scan3A_44, %scan3A_45 : i32
      %scan3A_47 = arith.constant 1 : i32
      scf.for %scan3A_51 = %scan3A_44 to %scan3A_46 step %scan3A_47  : i32 {
        %get3A = arith.constant 0 : i32
        %get3A_52 = arith.index_cast %get3A : i32 to index
        %get3A_53 = arith.index_cast %scan3A_51 : i32 to index
        %get3A_54 = arith.constant 0 : index
        %get3A_55 = tpu.vector_load %arg10[%get3A_52, %get3A_53, %get3A_54] {strides = array<i32>} : memref<1x128x16xf32, #tpu.memory_space<vmem>>, vector<1x1x16xf32>,
        %get3A_56 = vector.shape_cast %get3A_55 : vector<1x1x16xf32> to vector<16xf32>
        %get3A_57 = arith.constant 0 : i32
        %get3A_58 = arith.index_cast %get3A_57 : i32 to index
        %get3A_59 = arith.index_cast %scan3A_51 : i32 to index
        %get3A_60 = arith.constant 0 : index
        %get3A_61 = tpu.vector_load %arg11[%get3A_58, %get3A_59, %get3A_60] {strides = array<i32>} : memref<1x128x128xf32, #tpu.memory_space<vmem>>, vector<1x1x16xf32>,
        %get3A_62 = vector.shape_cast %get3A_61 : vector<1x1x16xf32> to vector<16xf32>
        %mul3A_63 = arith.mulf %get3A_62, %get3A_56 : vector<16xf32>
        %swap3A = arith.constant 0 : i32
        %swap3A_64 = arith.index_cast %swap3A : i32 to index
        %swap3A_65 = arith.index_cast %scan3A_51 : i32 to index
        %swap3A_66 = arith.constant 0 : index
        %swap3A_67 = tpu.vector_load %arg11[%swap3A_64, %swap3A_65, %swap3A_66] {strides = array<i32>} : memref<1x128x128xf32, #tpu.memory_space<vmem>>, vector<1x1x16xf32>,
        %swap3A_68 = vector.shape_cast %swap3A_67 : vector<1x1x16xf32> to vector<16xf32>
        %swap3A_69 = vector.shape_cast %mul3A_63 : vector<16xf32> to vector<1x1x16xf32>
        tpu.vector_store %arg11[%swap3A_64, %swap3A_65, %swap3A_66], %swap3A_69 {strides = array<i32>} : memref<1x128x128xf32, #tpu.memory_space<vmem>>, vector<1x1x16xf32>,
        %get3A_70 = arith.constant 0 : i32
        %get3A_71 = arith.index_cast %get3A_70 : i32 to index
        %get3A_72 = arith.index_cast %scan3A_51 : i32 to index
        %get3A_73 = arith.constant 16 : index
        %get3A_74 = tpu.vector_load %arg11[%get3A_71, %get3A_72, %get3A_73] {strides = array<i32>} : memref<1x128x128xf32, #tpu.memory_space<vmem>>, vector<1x1x16xf32>,
        %get3A_75 = vector.shape_cast %get3A_74 : vector<1x1x16xf32> to vector<16xf32>
        %mul3A_76 = arith.mulf %get3A_75, %get3A_56 : vector<16xf32>
        %swap3A_77 = arith.constant 0 : i32
        %swap3A_78 = arith.index_cast %swap3A_77 : i32 to index
        %swap3A_79 = arith.index_cast %scan3A_51 : i32 to index
        %swap3A_80 = arith.constant 16 : index
        %swap3A_81 = tpu.vector_load %arg11[%swap3A_78, %swap3A_79, %swap3A_80] {strides = array<i32>} : memref<1x128x128xf32, #tpu.memory_space<vmem>>, vector<1x1x16xf32>,
        %swap3A_82 = vector.shape_cast %swap3A_81 : vector<1x1x16xf32> to vector<16xf32>
        %swap3A_83 = vector.shape_cast %mul3A_76 : vector<16xf32> to vector<1x1x16xf32>
        tpu.vector_store %arg11[%swap3A_78, %swap3A_79, %swap3A_80], %swap3A_83 {strides = array<i32>} : memref<1x128x128xf32, #tpu.memory_space<vmem>>, vector<1x1x16xf32>,
        %get3A_84 = arith.constant 0 : i32
        %get3A_85 = arith.index_cast %get3A_84 : i32 to index
        %get3A_86 = arith.index_cast %scan3A_51 : i32 to index
        %get3A_87 = arith.constant 32 : index
        %get3A_88 = tpu.vector_load %arg11[%get3A_85, %get3A_86, %get3A_87] {strides = array<i32>} : memref<1x128x128xf32, #tpu.memory_space<vmem>>, vector<1x1x16xf32>,
        %get3A_89 = vector.shape_cast %get3A_88 : vector<1x1x16xf32> to vector<16xf32>
        %mul3A_90 = arith.mulf %get3A_89, %get3A_56 : vector<16xf32>
        %swap3A_91 = arith.constant 0 : i32
        %swap3A_92 = arith.index_cast %swap3A_91 : i32 to index
        %swap3A_93 = arith.index_cast %scan3A_51 : i32 to index
        %swap3A_94 = arith.constant 32 : index
        %swap3A_95 = tpu.vector_load %arg11[%swap3A_92, %swap3A_93, %swap3A_94] {strides = array<i32>} : memref<1x128x128xf32, #tpu.memory_space<vmem>>, vector<1x1x16xf32>,
        %swap3A_96 = vector.shape_cast %swap3A_95 : vector<1x1x16xf32> to vector<16xf32>
        %swap3A_97 = vector.shape_cast %mul3A_90 : vector<16xf32> to vector<1x1x16xf32>
        tpu.vector_store %arg11[%swap3A_92, %swap3A_93, %swap3A_94], %swap3A_97 {strides = array<i32>} : memref<1x128x128xf32, #tpu.memory_space<vmem>>, vector<1x1x16xf32>,
        %get3A_98 = arith.constant 0 : i32
        %get3A_99 = arith.index_cast %get3A_98 : i32 to index
        %get3A_100 = arith.index_cast %scan3A_51 : i32 to index
        %get3A_101 = arith.constant 48 : index
        %get3A_102 = tpu.vector_load %arg11[%get3A_99, %get3A_100, %get3A_101] {strides = array<i32>} : memref<1x128x128xf32, #tpu.memory_space<vmem>>, vector<1x1x16xf32>,
        %get3A_103 = vector.shape_cast %get3A_102 : vector<1x1x16xf32> to vector<16xf32>
        %mul3A_104 = arith.mulf %get3A_103, %get3A_56 : vector<16xf32>
        %swap3A_105 = arith.constant 0 : i32
        %swap3A_106 = arith.index_cast %swap3A_105 : i32 to index
        %swap3A_107 = arith.index_cast %scan3A_51 : i32 to index
        %swap3A_108 = arith.constant 48 : index
        %swap3A_109 = tpu.vector_load %arg11[%swap3A_106, %swap3A_107, %swap3A_108] {strides = array<i32>} : memref<1x128x128xf32, #tpu.memory_space<vmem>>, vector<1x1x16xf32>,
        %swap3A_110 = vector.shape_cast %swap3A_109 : vector<1x1x16xf32> to vector<16xf32>
        %swap3A_111 = vector.shape_cast %mul3A_104 : vector<16xf32> to vector<1x1x16xf32>
        tpu.vector_store %arg11[%swap3A_106, %swap3A_107, %swap3A_108], %swap3A_111 {strides = array<i32>} : memref<1x128x128xf32, #tpu.memory_space<vmem>>, vector<1x1x16xf32>,
        %get3A_112 = arith.constant 0 : i32
        %get3A_113 = arith.index_cast %get3A_112 : i32 to index
        %get3A_114 = arith.index_cast %scan3A_51 : i32 to index
        %get3A_115 = arith.constant 64 : index
        %get3A_116 = tpu.vector_load %arg11[%get3A_113, %get3A_114, %get3A_115] {strides = array<i32>} : memref<1x128x128xf32, #tpu.memory_space<vmem>>, vector<1x1x16xf32>,
        %get3A_117 = vector.shape_cast %get3A_116 : vector<1x1x16xf32> to vector<16xf32>
        %mul3A_118 = arith.mulf %get3A_117, %get3A_56 : vector<16xf32>
        %swap3A_119 = arith.constant 0 : i32
        %swap3A_120 = arith.index_cast %swap3A_119 : i32 to index
        %swap3A_121 = arith.index_cast %scan3A_51 : i32 to index
        %swap3A_122 = arith.constant 64 : index
        %swap3A_123 = tpu.vector_load %arg11[%swap3A_120, %swap3A_121, %swap3A_122] {strides = array<i32>} : memref<1x128x128xf32, #tpu.memory_space<vmem>>, vector<1x1x16xf32>,
        %swap3A_124 = vector.shape_cast %swap3A_123 : vector<1x1x16xf32> to vector<16xf32>
        %swap3A_125 = vector.shape_cast %mul3A_118 : vector<16xf32> to vector<1x1x16xf32>
        tpu.vector_store %arg11[%swap3A_120, %swap3A_121, %swap3A_122], %swap3A_125 {strides = array<i32>} : memref<1x128x128xf32, #tpu.memory_space<vmem>>, vector<1x1x16xf32>,
        %get3A_126 = arith.constant 0 : i32
        %get3A_127 = arith.index_cast %get3A_126 : i32 to index
        %get3A_128 = arith.index_cast %scan3A_51 : i32 to index
        %get3A_129 = arith.constant 80 : index
        %get3A_130 = tpu.vector_load %arg11[%get3A_127, %get3A_128, %get3A_129] {strides = array<i32>} : memref<1x128x128xf32, #tpu.memory_space<vmem>>, vector<1x1x16xf32>,
        %get3A_131 = vector.shape_cast %get3A_130 : vector<1x1x16xf32> to vector<16xf32>
        %mul3A_132 = arith.mulf %get3A_131, %get3A_56 : vector<16xf32>
        %swap3A_133 = arith.constant 0 : i32
        %swap3A_134 = arith.index_cast %swap3A_133 : i32 to index
        %swap3A_135 = arith.index_cast %scan3A_51 : i32 to index
        %swap3A_136 = arith.constant 80 : index
        %swap3A_137 = tpu.vector_load %arg11[%swap3A_134, %swap3A_135, %swap3A_136] {strides = array<i32>} : memref<1x128x128xf32, #tpu.memory_space<vmem>>, vector<1x1x16xf32>,
        %swap3A_138 = vector.shape_cast %swap3A_137 : vector<1x1x16xf32> to vector<16xf32>
        %swap3A_139 = vector.shape_cast %mul3A_132 : vector<16xf32> to vector<1x1x16xf32>
        tpu.vector_store %arg11[%swap3A_134, %swap3A_135, %swap3A_136], %swap3A_139 {strides = array<i32>} : memref<1x128x128xf32, #tpu.memory_space<vmem>>, vector<1x1x16xf32>,
        %get3A_140 = arith.constant 0 : i32
        %get3A_141 = arith.index_cast %get3A_140 : i32 to index
        %get3A_142 = arith.index_cast %scan3A_51 : i32 to index
        %get3A_143 = arith.constant 96 : index
        %get3A_144 = tpu.vector_load %arg11[%get3A_141, %get3A_142, %get3A_143] {strides = array<i32>} : memref<1x128x128xf32, #tpu.memory_space<vmem>>, vector<1x1x16xf32>,
        %get3A_145 = vector.shape_cast %get3A_144 : vector<1x1x16xf32> to vector<16xf32>
        %mul3A_146 = arith.mulf %get3A_145, %get3A_56 : vector<16xf32>
        %swap3A_147 = arith.constant 0 : i32
        %swap3A_148 = arith.index_cast %swap3A_147 : i32 to index
        %swap3A_149 = arith.index_cast %scan3A_51 : i32 to index
        %swap3A_150 = arith.constant 96 : index
        %swap3A_151 = tpu.vector_load %arg11[%swap3A_148, %swap3A_149, %swap3A_150] {strides = array<i32>} : memref<1x128x128xf32, #tpu.memory_space<vmem>>, vector<1x1x16xf32>,
        %swap3A_152 = vector.shape_cast %swap3A_151 : vector<1x1x16xf32> to vector<16xf32>
        %swap3A_153 = vector.shape_cast %mul3A_146 : vector<16xf32> to vector<1x1x16xf32>
        tpu.vector_store %arg11[%swap3A_148, %swap3A_149, %swap3A_150], %swap3A_153 {strides = array<i32>} : memref<1x128x128xf32, #tpu.memory_space<vmem>>, vector<1x1x16xf32>,
        %get3A_154 = arith.constant 0 : i32
        %get3A_155 = arith.index_cast %get3A_154 : i32 to index
        %get3A_156 = arith.index_cast %scan3A_51 : i32 to index
        %get3A_157 = arith.constant 112 : index
        %get3A_158 = tpu.vector_load %arg11[%get3A_155, %get3A_156, %get3A_157] {strides = array<i32>} : memref<1x128x128xf32, #tpu.memory_space<vmem>>, vector<1x1x16xf32>,
        %get3A_159 = vector.shape_cast %get3A_158 : vector<1x1x16xf32> to vector<16xf32>
        %mul3A_160 = arith.mulf %get3A_159, %get3A_56 : vector<16xf32>
        %swap3A_161 = arith.constant 0 : i32
        %swap3A_162 = arith.index_cast %swap3A_161 : i32 to index
        %swap3A_163 = arith.index_cast %scan3A_51 : i32 to index
        %swap3A_164 = arith.constant 112 : index
        %swap3A_165 = tpu.vector_load %arg11[%swap3A_162, %swap3A_163, %swap3A_164] {strides = array<i32>} : memref<1x128x128xf32, #tpu.memory_space<vmem>>, vector<1x1x16xf32>,
        %swap3A_166 = vector.shape_cast %swap3A_165 : vector<1x1x16xf32> to vector<16xf32>
        %swap3A_167 = vector.shape_cast %mul3A_160 : vector<16xf32> to vector<1x1x16xf32>
        tpu.vector_store %arg11[%swap3A_162, %swap3A_163, %swap3A_164], %swap3A_167 {strides = array<i32>} : memref<1x128x128xf32, #tpu.memory_space<vmem>>, vector<1x1x16xf32>,
      }
      %scan3A_48 = arith.constant 128 : i32
      %run_scoped3A_49 = arith.constant 0 : i32
      %run_scoped3A_50 = arith.constant 0 : i32
      "tpu.region"() ({
        %run_scoped3A_51 = tpu.sem_alloc : memref<!tpu.dma_semaphore, #tpu.memory_space<semaphore_mem>>
        %dma_start3A_52 = arith.constant 0 : i32
        %dma_start3A_53 = arith.constant 0 : i32
        %dma_start3A_54 = tpu.memref_slice %arg11[%run_scoped3A_49, %dma_start3A_52, %dma_start3A_53] : memref<1x128x128xf32, #tpu.memory_space<vmem>> -> memref<1x128x128xf32, #tpu.memory_space<vmem>>
        %dma_start3A_55 = tpu.memref_squeeze %dma_start3A_54 : memref<1x128x128xf32, #tpu.memory_space<vmem>> -> memref<128x128xf32, #tpu.memory_space<vmem>>
        %dma_start3A_56 = arith.constant 0 : i32
        %dma_start3A_57 = tpu.memref_slice %arg9[%run_scoped3A_50, %dma_start3A_56] : memref<1x128xi32, #tpu.memory_space<vmem>> -> memref<1x128xi32, #tpu.memory_space<vmem>>
        %dma_start3A_58 = tpu.memref_squeeze %dma_start3A_57 : memref<1x128xi32, #tpu.memory_space<vmem>> -> memref<128xi32, #tpu.memory_space<vmem>>
        %dma_start3A_59 = arith.constant 0 : i32
        %dma_start3A_60 = arith.constant 0 : i32
        %dma_start3A_61 = tpu.memref_slice %arg12[%dma_start3A_59, %dma_start3A_60] : memref<10240x128xf32, #tpu.memory_space<vmem_shared>> -> memref<10240x128xf32, #tpu.memory_space<vmem_shared>>
        tpu.enqueue_indirect_dma source(%dma_start3A_55 : memref<128x128xf32, #tpu.memory_space<vmem>>) target(%dma_start3A_61 : memref<10240x128xf32, #tpu.memory_space<vmem_shared>>) offsets(%dma_start3A_58 : memref<128xi32, #tpu.memory_space<vmem>>) semaphore(%run_scoped3A_51 : memref<!tpu.dma_semaphore, #tpu.memory_space<semaphore_mem>>) {add = true}
        %dma_wait3A_62 = arith.constant 0 : i32
        %dma_wait3A_63 = arith.constant 0 : i32
        %dma_wait3A_64 = tpu.memref_slice %arg11[%run_scoped3A_49, %dma_wait3A_62, %dma_wait3A_63] : memref<1x128x128xf32, #tpu.memory_space<vmem>> -> memref<1x128x128xf32, #tpu.memory_space<vmem>>
        %dma_wait3A_65 = tpu.memref_squeeze %dma_wait3A_64 : memref<1x128x128xf32, #tpu.memory_space<vmem>> -> memref<128x128xf32, #tpu.memory_space<vmem>>
        %dma_wait3A_66 = arith.constant 0 : i32
        %dma_wait3A_67 = tpu.memref_slice %arg9[%run_scoped3A_50, %dma_wait3A_66] : memref<1x128xi32, #tpu.memory_space<vmem>> -> memref<1x128xi32, #tpu.memory_space<vmem>>
        %dma_wait3A_68 = tpu.memref_squeeze %dma_wait3A_67 : memref<1x128xi32, #tpu.memory_space<vmem>> -> memref<128xi32, #tpu.memory_space<vmem>>
        %dma_wait3A_69 = arith.constant 0 : i32
        %dma_wait3A_70 = arith.constant 0 : i32
        %dma_wait3A_71 = tpu.memref_slice %arg12[%dma_wait3A_69, %dma_wait3A_70] : memref<10240x128xf32, #tpu.memory_space<vmem_shared>> -> memref<10240x128xf32, #tpu.memory_space<vmem_shared>>
        tpu.wait_indirect_dma semaphore(%run_scoped3A_51 : memref<!tpu.dma_semaphore, #tpu.memory_space<semaphore_mem>>) src(%dma_wait3A_65 : memref<128x128xf32, #tpu.memory_space<vmem>>) dst(%dma_wait3A_71 : memref<10240x128xf32, #tpu.memory_space<vmem_shared>>)
        tpu.yield
      }) : () -> ()
    }
    %scan3A_11 = arith.constant 79 : i32
    %barrier3A_12 = arith.constant 0 : index
    tpu.barrier barrier_id(%barrier3A_12)
    %mul3A_13 = arith.constant 640 : i32
    %mul3A_14 = arith.muli %arg1, %mul3A_13 : i32
    %mul3A_15 = arith.constant 640 : i32
    %mul3A_16 = arith.muli %arg1, %mul3A_15 : i32
    "tpu.region"() ({
      %run_scoped3A = tpu.sem_alloc : memref<!tpu.dma_semaphore, #tpu.memory_space<semaphore_mem>>
      %dma_start3A = arith.constant 0 : i32
      %dma_start3A_17 = tpu.memref_slice %arg7[%arg0, %mul3A_16, %dma_start3A] : memref<2x10240x128xf32, #tpu.memory_space<hbm>> -> memref<1x640x128xf32, #tpu.memory_space<hbm>>
      %dma_start3A_18 = tpu.memref_squeeze %dma_start3A_17 : memref<1x640x128xf32, #tpu.memory_space<hbm>> -> memref<640x128xf32, #tpu.memory_space<hbm>>
      %dma_start3A_19 = arith.constant 0 : i32
      %dma_start3A_20 = tpu.memref_slice %arg12[%mul3A_14, %dma_start3A_19] : memref<10240x128xf32, #tpu.memory_space<vmem_shared>> -> memref<640x128xf32, #tpu.memory_space<vmem_shared>>
      tpu.enqueue_dma source(%dma_start3A_20 : memref<640x128xf32, #tpu.memory_space<vmem_shared>>) target(%dma_start3A_18 : memref<640x128xf32, #tpu.memory_space<hbm>>) target_semaphore(%run_scoped3A : memref<!tpu.dma_semaphore, #tpu.memory_space<semaphore_mem>>)
      %dma_wait3A = arith.constant 0 : i32
      %dma_wait3A_21 = tpu.memref_slice %arg7[%arg0, %mul3A_16, %dma_wait3A] : memref<2x10240x128xf32, #tpu.memory_space<hbm>> -> memref<1x640x128xf32, #tpu.memory_space<hbm>>
      %dma_wait3A_22 = tpu.memref_squeeze %dma_wait3A_21 : memref<1x640x128xf32, #tpu.memory_space<hbm>> -> memref<640x128xf32, #tpu.memory_space<hbm>>
      %dma_wait3A_23 = arith.constant 0 : i32
      %dma_wait3A_24 = tpu.memref_slice %arg12[%mul3A_14, %dma_wait3A_23] : memref<10240x128xf32, #tpu.memory_space<vmem_shared>> -> memref<640x128xf32, #tpu.memory_space<vmem_shared>>
      tpu.wait_dma2 semaphore(%run_scoped3A : memref<!tpu.dma_semaphore, #tpu.memory_space<semaphore_mem>>) src(%dma_wait3A_24 : memref<640x128xf32, #tpu.memory_space<vmem_shared>>) dst(%dma_wait3A_22 : memref<640x128xf32, #tpu.memory_space<hbm>>)
      tpu.yield
    }) : () -> ()
    return
  }
}

module attributes {stable_mosaic.version = 14 : i64} {
  func.func @body(%arg0: i32, %arg1: memref<1x1x1024xi32, #tpu.memory_space<vmem>>, %arg2: memref<1024x128xf32, #tpu.memory_space<vmem>>, %arg3: memref<1024x64xf32, #tpu.memory_space<vmem>>, %arg4: memref<1024x128xf32, #tpu.memory_space<vmem>>, %arg5: memref<64xi32, #tpu.memory_space<smem>>, %arg6: memref<64x1024xf32, #tpu.memory_space<vmem>>, %arg7: memref<1024x128xf32, #tpu.memory_space<vmem>>, %arg8: memref<64x128xf32, #tpu.memory_space<vmem>>, %arg9: memref<64x128xf32, #tpu.memory_space<vmem>>, %arg10: memref<64x64xf32, #tpu.memory_space<vmem>>, %arg11: memref<64x128xf32, #tpu.memory_space<vmem>>) attributes {dimension_semantics = [#tpu.dimension_semantics<arbitrary>], iteration_bounds = array<i64: 10>, scalar_prefetch = 0 : i64, scratch_operands = 2 : i64, tpu.core_type = #tpu.core_type<tc>, window_params = [{transform_indices = @transform_0, window_bounds = array<i64: 1, 1, 1024>}, {transform_indices = @transform_1, window_bounds = array<i64: 1024, 128>}, {pipeline_mode = #tpu.pipeline_mode<synchronous>, transform_indices = @transform_2, window_bounds = array<i64: 1024, 64>}, {pipeline_mode = #tpu.pipeline_mode<synchronous>, transform_indices = @transform_3, window_bounds = array<i64: 1024, 128>}, {transform_indices = @transform_4, window_bounds = array<i64: 64>}, {transform_indices = @transform_5, window_bounds = array<i64: 64, 1024>}, {transform_indices = @transform_6, window_bounds = array<i64: 1024, 128>}, {pipeline_mode = #tpu.pipeline_mode<synchronous>, transform_indices = @transform_7, window_bounds = array<i64: 64, 128>}, {pipeline_mode = #tpu.pipeline_mode<synchronous>, transform_indices = @transform_8, window_bounds = array<i64: 64, 128>}]} {
    %eq3A = arith.constant 0 : i32
    %eq3A_0 = arith.cmpi eq, %arg0, %eq3A : i32
    %convert_element_type3A = arith.extui %eq3A_0 : i1 to i32
    %cond3A = arith.constant 0 : i32
    %cond3A_1 = arith.cmpi ne, %convert_element_type3A, %cond3A : i32
    scf.if %cond3A_1 {
      %scan3A = arith.constant 0 : i32
      %scan3A_30 = arith.constant 64 : i32
      %scan3A_31 = arith.addi %scan3A, %scan3A_30 : i32
      %scan3A_32 = arith.constant 1 : i32
      scf.for %scan3A_58 = %scan3A to %scan3A_31 step %scan3A_32  : i32 {
        %get3A_59 = arith.index_cast %scan3A_58 : i32 to index
        %get3A_60 = memref.load %arg5[%get3A_59] : memref<64xi32, #tpu.memory_space<smem>>
        %get3A_61 = arith.index_cast %get3A_60 : i32 to index
        %get3A_62 = arith.constant 0 : index
        %get3A_63 = vector.load %arg3[%get3A_61, %get3A_62] : memref<1024x64xf32, #tpu.memory_space<vmem>>, vector<1x64xf32>
        %swap3A_64 = arith.index_cast %scan3A_58 : i32 to index
        %swap3A_65 = arith.constant 0 : index
        %swap3A_66 = vector.load %arg10[%swap3A_64, %swap3A_65] : memref<64x64xf32, #tpu.memory_space<vmem>>, vector<1x64xf32>
        tpu.vector_store %arg10[%swap3A_64, %swap3A_65], %get3A_63 {strides = array<i32>} : memref<64x64xf32, #tpu.memory_space<vmem>>, vector<1x64xf32>,
      }
      %scan3A_33 = arith.constant 64 : i32
      %get3A_34 = arith.constant 0 : index
      %get3A_35 = arith.constant 0 : index
      %get3A_36 = vector.load %arg10[%get3A_34, %get3A_35] : memref<64x64xf32, #tpu.memory_space<vmem>>, vector<64x64xf32>
      %get3A_37 = arith.constant 0 : index
      %get3A_38 = arith.constant 0 : index
      %get3A_39 = vector.load %arg3[%get3A_37, %get3A_38] : memref<1024x64xf32, #tpu.memory_space<vmem>>, vector<1024x64xf32>
      %dot_general3A_40 = arith.constant dense<0.000000e+00> : vector<64x1024xf32>
      %dot_general3A_41 = tpu.matmul %get3A_36, %get3A_39, %dot_general3A_40 {dimension_numbers = #tpu.dot_dimension_numbers<[1], [1], [0], [0], [0, 0, 1, 0], [], []>, transpose_lhs_hint = false} : vector<64x64xf32>, vector<1024x64xf32>, vector<64x1024xf32> -> vector<64x1024xf32>
      %get3A_42 = arith.constant 0 : index
      %get3A_43 = arith.constant 0 : index
      %get3A_44 = vector.load %arg4[%get3A_42, %get3A_43] : memref<1024x128xf32, #tpu.memory_space<vmem>>, vector<1024x128xf32>
      %dot_general3A_45 = arith.constant dense<0.000000e+00> : vector<64x128xf32>
      %dot_general3A_46 = tpu.matmul %dot_general3A_41, %get3A_44, %dot_general3A_45 {dimension_numbers = #tpu.dot_dimension_numbers<[1], [0], [0], [1], [0, 0, 1, 1], [], []>, transpose_lhs_hint = false} : vector<64x1024xf32>, vector<1024x128xf32>, vector<64x128xf32> -> vector<64x128xf32>
      %swap3A_47 = arith.constant 0 : index
      %swap3A_48 = arith.constant 0 : index
      %swap3A_49 = vector.load %arg11[%swap3A_47, %swap3A_48] : memref<64x128xf32, #tpu.memory_space<vmem>>, vector<64x128xf32>
      tpu.vector_store %arg11[%swap3A_47, %swap3A_48], %dot_general3A_46 {strides = array<i32>} : memref<64x128xf32, #tpu.memory_space<vmem>>, vector<64x128xf32>,
      %swap3A_50 = arith.constant 0 : index
      %swap3A_51 = arith.constant 0 : index
      %swap3A_52 = vector.load %arg9[%swap3A_50, %swap3A_51] : memref<64x128xf32, #tpu.memory_space<vmem>>, vector<64x128xf32>
      tpu.vector_store %arg9[%swap3A_50, %swap3A_51], %dot_general3A_46 {strides = array<i32>} : memref<64x128xf32, #tpu.memory_space<vmem>>, vector<64x128xf32>,
      %broadcast_in_dim3A_53 = arith.constant 0.000000e+00 : f32
      %broadcast_in_dim3A_54 = vector.broadcast %broadcast_in_dim3A_53 : f32 to vector<64x128xf32>
      %swap3A_55 = arith.constant 0 : index
      %swap3A_56 = arith.constant 0 : index
      %swap3A_57 = vector.load %arg8[%swap3A_55, %swap3A_56] : memref<64x128xf32, #tpu.memory_space<vmem>>, vector<64x128xf32>
      tpu.vector_store %arg8[%swap3A_55, %swap3A_56], %broadcast_in_dim3A_54 {strides = array<i32>} : memref<64x128xf32, #tpu.memory_space<vmem>>, vector<64x128xf32>,
    } else {
    }
    %get3A = arith.constant 0 : index
    %get3A_2 = arith.constant 0 : index
    %get3A_3 = arith.constant 0 : index
    %get3A_4 = vector.load %arg1[%get3A, %get3A_2, %get3A_3] : memref<1x1x1024xi32, #tpu.memory_space<vmem>>, vector<1x1x1024xi32>
    %get3A_5 = vector.shape_cast %get3A_4 : vector<1x1x1024xi32> to vector<1024xi32>
    %iota3A = tpu.iota {dimensions = array<i32: 0>} : vector<64x1024xi32>
    %broadcast_in_dim3A = vector.shape_cast %get3A_5 : vector<1024xi32> to vector<1x1024xi32>
    %eq3A_6 = vector.broadcast %broadcast_in_dim3A : vector<1x1024xi32> to vector<64x1024xi32>
    %eq3A_7 = arith.cmpi eq, %iota3A, %eq3A_6 : vector<64x1024xi32>
    %convert_element_type3A_8 = arith.extui %eq3A_7 : vector<64x1024xi1> to vector<64x1024xi32>
    %convert_element_type3A_9 = arith.sitofp %convert_element_type3A_8 : vector<64x1024xi32> to vector<64x1024xf32>
    %swap3A = arith.constant 0 : index
    %swap3A_10 = arith.constant 0 : index
    %swap3A_11 = vector.load %arg6[%swap3A, %swap3A_10] : memref<64x1024xf32, #tpu.memory_space<vmem>>, vector<64x1024xf32>
    tpu.vector_store %arg6[%swap3A, %swap3A_10], %convert_element_type3A_9 {strides = array<i32>} : memref<64x1024xf32, #tpu.memory_space<vmem>>, vector<64x1024xf32>,
    %get3A_12 = arith.constant 0 : index
    %get3A_13 = arith.constant 0 : index
    %get3A_14 = vector.load %arg11[%get3A_12, %get3A_13] : memref<64x128xf32, #tpu.memory_space<vmem>>, vector<64x128xf32>
    %dot_general3A = arith.constant dense<0.000000e+00> : vector<1024x128xf32>
    %dot_general3A_15 = tpu.matmul %convert_element_type3A_9, %get3A_14, %dot_general3A {dimension_numbers = #tpu.dot_dimension_numbers<[0], [0], [1], [1], [0, 1, 1, 1], [], []>, transpose_lhs_hint = false} : vector<64x1024xf32>, vector<64x128xf32>, vector<1024x128xf32> -> vector<1024x128xf32>
    %swap3A_16 = arith.constant 0 : index
    %swap3A_17 = arith.constant 0 : index
    %swap3A_18 = vector.load %arg7[%swap3A_16, %swap3A_17] : memref<1024x128xf32, #tpu.memory_space<vmem>>, vector<1024x128xf32>
    tpu.vector_store %arg7[%swap3A_16, %swap3A_17], %dot_general3A_15 {strides = array<i32>} : memref<1024x128xf32, #tpu.memory_space<vmem>>, vector<1024x128xf32>,
    %get3A_19 = arith.constant 0 : index
    %get3A_20 = arith.constant 0 : index
    %get3A_21 = vector.load %arg8[%get3A_19, %get3A_20] : memref<64x128xf32, #tpu.memory_space<vmem>>, vector<64x128xf32>
    %get3A_22 = arith.constant 0 : index
    %get3A_23 = arith.constant 0 : index
    %get3A_24 = vector.load %arg2[%get3A_22, %get3A_23] : memref<1024x128xf32, #tpu.memory_space<vmem>>, vector<1024x128xf32>
    %dot_general3A_25 = arith.constant dense<0.000000e+00> : vector<64x128xf32>
    %dot_general3A_26 = tpu.matmul %convert_element_type3A_9, %get3A_24, %dot_general3A_25 {dimension_numbers = #tpu.dot_dimension_numbers<[1], [0], [0], [1], [0, 0, 1, 1], [], []>, transpose_lhs_hint = false} : vector<64x1024xf32>, vector<1024x128xf32>, vector<64x128xf32> -> vector<64x128xf32>
    %add3A = arith.addf %get3A_21, %dot_general3A_26 : vector<64x128xf32>
    %swap3A_27 = arith.constant 0 : index
    %swap3A_28 = arith.constant 0 : index
    %swap3A_29 = vector.load %arg8[%swap3A_27, %swap3A_28] : memref<64x128xf32, #tpu.memory_space<vmem>>, vector<64x128xf32>
    tpu.vector_store %arg8[%swap3A_27, %swap3A_28], %add3A {strides = array<i32>} : memref<64x128xf32, #tpu.memory_space<vmem>>, vector<64x128xf32>,
    return
  }
  func.func @transform_0(%arg0: i32) -> (i32, i32, i32) {
    %c0_i32 = arith.constant 0 : i32
    %c0_i32_0 = arith.constant 0 : i32
    %c0_i32_1 = arith.constant 0 : i32
    return %arg0, %c0_i32, %c0_i32_0 : i32, i32, i32
  }
  func.func @transform_1(%arg0: i32) -> (i32, i32) {
    %c0_i32 = arith.constant 0 : i32
    %c0_i32_0 = arith.constant 0 : i32
    return %arg0, %c0_i32 : i32, i32
  }
  func.func @transform_2(%arg0: i32) -> (i32, i32) {
    %c0_i32 = arith.constant 0 : i32
    %c0_i32_0 = arith.constant 0 : i32
    %c0_i32_1 = arith.constant 0 : i32
    return %c0_i32, %c0_i32_0 : i32, i32
  }
  func.func @transform_3(%arg0: i32) -> (i32, i32) {
    %c0_i32 = arith.constant 0 : i32
    %c0_i32_0 = arith.constant 0 : i32
    %c0_i32_1 = arith.constant 0 : i32
    return %c0_i32, %c0_i32_0 : i32, i32
  }
  func.func @transform_4(%arg0: i32) -> i32 {
    %c0_i32 = arith.constant 0 : i32
    %c0_i32_0 = arith.constant 0 : i32
    return %c0_i32 : i32
  }
  func.func @transform_5(%arg0: i32) -> (i32, i32) {
    %c0_i32 = arith.constant 0 : i32
    %c0_i32_0 = arith.constant 0 : i32
    return %c0_i32, %arg0 : i32, i32
  }
  func.func @transform_6(%arg0: i32) -> (i32, i32) {
    %c0_i32 = arith.constant 0 : i32
    %c0_i32_0 = arith.constant 0 : i32
    return %arg0, %c0_i32 : i32, i32
  }
  func.func @transform_7(%arg0: i32) -> (i32, i32) {
    %c0_i32 = arith.constant 0 : i32
    %c0_i32_0 = arith.constant 0 : i32
    %c0_i32_1 = arith.constant 0 : i32
    return %c0_i32, %c0_i32_0 : i32, i32
  }
  func.func @transform_8(%arg0: i32) -> (i32, i32) {
    %c0_i32 = arith.constant 0 : i32
    %c0_i32_0 = arith.constant 0 : i32
    %c0_i32_1 = arith.constant 0 : i32
    return %c0_i32, %c0_i32_0 : i32, i32
  }
}

module attributes {stable_mosaic.version = 14 : i64} {
  func.func @body(%arg0: i32, %arg1: memref<1x1024x128xf32, #tpu.memory_space<vmem>>, %arg2: memref<1x1024x128xf32, #tpu.memory_space<vmem>>, %arg3: memref<1024x128xf32, #tpu.memory_space<vmem>>, %arg4: memref<64x1024xf32, #tpu.memory_space<vmem>>, %arg5: memref<128x128xf32, #tpu.memory_space<vmem>>, %arg6: memref<1x128xf32, #tpu.memory_space<vmem>>, %arg7: memref<1x128xf32, #tpu.memory_space<vmem>>, %arg8: memref<1x128xf32, #tpu.memory_space<vmem>>, %arg9: memref<128x128xf32, #tpu.memory_space<vmem>>, %arg10: memref<1x128xf32, #tpu.memory_space<vmem>>, %arg11: memref<1x128xf32, #tpu.memory_space<vmem>>, %arg12: memref<1x128xf32, #tpu.memory_space<vmem>>, %arg13: memref<1024x128xf32, #tpu.memory_space<vmem>>, %arg14: memref<64x128xf32, #tpu.memory_space<vmem>>) attributes {dimension_semantics = [#tpu.dimension_semantics<arbitrary>], iteration_bounds = array<i64: 10>, scalar_prefetch = 0 : i64, scratch_operands = 0 : i64, tpu.core_type = #tpu.core_type<tc>, window_params = [{transform_indices = @transform_0, window_bounds = array<i64: 1, 1024, 128>}, {transform_indices = @transform_1, window_bounds = array<i64: 1, 1024, 128>}, {transform_indices = @transform_2, window_bounds = array<i64: 1024, 128>}, {transform_indices = @transform_3, window_bounds = array<i64: 64, 1024>}, {pipeline_mode = #tpu.pipeline_mode<synchronous>, transform_indices = @transform_4, window_bounds = array<i64: 128, 128>}, {pipeline_mode = #tpu.pipeline_mode<synchronous>, transform_indices = @transform_5, window_bounds = array<i64: 1, 128>}, {pipeline_mode = #tpu.pipeline_mode<synchronous>, transform_indices = @transform_6, window_bounds = array<i64: 1, 128>}, {pipeline_mode = #tpu.pipeline_mode<synchronous>, transform_indices = @transform_7, window_bounds = array<i64: 1, 128>}, {pipeline_mode = #tpu.pipeline_mode<synchronous>, transform_indices = @transform_8, window_bounds = array<i64: 128, 128>}, {pipeline_mode = #tpu.pipeline_mode<synchronous>, transform_indices = @transform_9, window_bounds = array<i64: 1, 128>}, {pipeline_mode = #tpu.pipeline_mode<synchronous>, transform_indices = @transform_10, window_bounds = array<i64: 1, 128>}, {pipeline_mode = #tpu.pipeline_mode<synchronous>, transform_indices = @transform_11, window_bounds = array<i64: 1, 128>}, {transform_indices = @transform_12, window_bounds = array<i64: 1024, 128>}, {pipeline_mode = #tpu.pipeline_mode<synchronous>, transform_indices = @transform_13, window_bounds = array<i64: 64, 128>}]} {
    %get3A = arith.constant 0 : index
    %get3A_0 = arith.constant 0 : index
    %get3A_1 = arith.constant 0 : index
    %get3A_2 = vector.load %arg1[%get3A, %get3A_0, %get3A_1] : memref<1x1024x128xf32, #tpu.memory_space<vmem>>, vector<1x1024x128xf32>
    %get3A_3 = vector.shape_cast %get3A_2 : vector<1x1024x128xf32> to vector<1024x128xf32>
    %get3A_4 = arith.constant 0 : index
    %get3A_5 = arith.constant 0 : index
    %get3A_6 = arith.constant 0 : index
    %get3A_7 = vector.load %arg2[%get3A_4, %get3A_5, %get3A_6] : memref<1x1024x128xf32, #tpu.memory_space<vmem>>, vector<1x1024x128xf32>
    %get3A_8 = vector.shape_cast %get3A_7 : vector<1x1024x128xf32> to vector<1024x128xf32>
    %add3A = arith.addf %get3A_3, %get3A_8 : vector<1024x128xf32>
    %get3A_9 = arith.constant 0 : index
    %get3A_10 = arith.constant 0 : index
    %get3A_11 = vector.load %arg3[%get3A_9, %get3A_10] : memref<1024x128xf32, #tpu.memory_space<vmem>>, vector<1024x128xf32>
    %add3A_12 = arith.addf %add3A, %get3A_11 : vector<1024x128xf32>
    %get3A_13 = arith.constant 0 : index
    %get3A_14 = arith.constant 0 : index
    %get3A_15 = vector.load %arg5[%get3A_13, %get3A_14] : memref<128x128xf32, #tpu.memory_space<vmem>>, vector<128x128xf32>
    %dot_general3A = arith.constant dense<0.000000e+00> : vector<1024x128xf32>
    %dot_general3A_16 = tpu.matmul %add3A_12, %get3A_15, %dot_general3A {dimension_numbers = #tpu.dot_dimension_numbers<[1], [1], [0], [0], [0, 0, 1, 0], [], []>, transpose_lhs_hint = false} : vector<1024x128xf32>, vector<128x128xf32>, vector<1024x128xf32> -> vector<1024x128xf32>
    %get3A_17 = arith.constant 0 : index
    %get3A_18 = arith.constant 0 : index
    %get3A_19 = vector.load %arg6[%get3A_17, %get3A_18] : memref<1x128xf32, #tpu.memory_space<vmem>>, vector<1x128xf32>
    %add3A_20 = vector.broadcast %get3A_19 : vector<1x128xf32> to vector<1024x128xf32>
    %add3A_21 = arith.addf %dot_general3A_16, %add3A_20 : vector<1024x128xf32>
    %get3A_22 = arith.constant 0 : index
    %get3A_23 = arith.constant 0 : index
    %get3A_24 = vector.load %arg7[%get3A_22, %get3A_23] : memref<1x128xf32, #tpu.memory_space<vmem>>, vector<1x128xf32>
    %mul3A = vector.broadcast %get3A_24 : vector<1x128xf32> to vector<1024x128xf32>
    %mul3A_25 = arith.mulf %add3A_21, %mul3A : vector<1024x128xf32>
    %get3A_26 = arith.constant 0 : index
    %get3A_27 = arith.constant 0 : index
    %get3A_28 = vector.load %arg8[%get3A_26, %get3A_27] : memref<1x128xf32, #tpu.memory_space<vmem>>, vector<1x128xf32>
    %add3A_29 = vector.broadcast %get3A_28 : vector<1x128xf32> to vector<1024x128xf32>
    %add3A_30 = arith.addf %mul3A_25, %add3A_29 : vector<1024x128xf32>
    %max3A = arith.constant 0.000000e+00 : f32
    %max3A_31 = vector.broadcast %max3A : f32 to vector<1024x128xf32>
    %max3A_32 = arith.maximumf %add3A_30, %max3A_31 : vector<1024x128xf32>
    %get3A_33 = arith.constant 0 : index
    %get3A_34 = arith.constant 0 : index
    %get3A_35 = vector.load %arg9[%get3A_33, %get3A_34] : memref<128x128xf32, #tpu.memory_space<vmem>>, vector<128x128xf32>
    %dot_general3A_36 = arith.constant dense<0.000000e+00> : vector<1024x128xf32>
    %dot_general3A_37 = tpu.matmul %max3A_32, %get3A_35, %dot_general3A_36 {dimension_numbers = #tpu.dot_dimension_numbers<[1], [1], [0], [0], [0, 0, 1, 0], [], []>, transpose_lhs_hint = false} : vector<1024x128xf32>, vector<128x128xf32>, vector<1024x128xf32> -> vector<1024x128xf32>
    %get3A_38 = arith.constant 0 : index
    %get3A_39 = arith.constant 0 : index
    %get3A_40 = vector.load %arg10[%get3A_38, %get3A_39] : memref<1x128xf32, #tpu.memory_space<vmem>>, vector<1x128xf32>
    %add3A_41 = vector.broadcast %get3A_40 : vector<1x128xf32> to vector<1024x128xf32>
    %add3A_42 = arith.addf %dot_general3A_37, %add3A_41 : vector<1024x128xf32>
    %get3A_43 = arith.constant 0 : index
    %get3A_44 = arith.constant 0 : index
    %get3A_45 = vector.load %arg11[%get3A_43, %get3A_44] : memref<1x128xf32, #tpu.memory_space<vmem>>, vector<1x128xf32>
    %mul3A_46 = vector.broadcast %get3A_45 : vector<1x128xf32> to vector<1024x128xf32>
    %mul3A_47 = arith.mulf %add3A_42, %mul3A_46 : vector<1024x128xf32>
    %get3A_48 = arith.constant 0 : index
    %get3A_49 = arith.constant 0 : index
    %get3A_50 = vector.load %arg12[%get3A_48, %get3A_49] : memref<1x128xf32, #tpu.memory_space<vmem>>, vector<1x128xf32>
    %add3A_51 = vector.broadcast %get3A_50 : vector<1x128xf32> to vector<1024x128xf32>
    %add3A_52 = arith.addf %mul3A_47, %add3A_51 : vector<1024x128xf32>
    %max3A_53 = arith.constant 0.000000e+00 : f32
    %max3A_54 = vector.broadcast %max3A_53 : f32 to vector<1024x128xf32>
    %max3A_55 = arith.maximumf %add3A_52, %max3A_54 : vector<1024x128xf32>
    %swap3A = arith.constant 0 : index
    %swap3A_56 = arith.constant 0 : index
    %swap3A_57 = vector.load %arg13[%swap3A, %swap3A_56] : memref<1024x128xf32, #tpu.memory_space<vmem>>, vector<1024x128xf32>
    tpu.vector_store %arg13[%swap3A, %swap3A_56], %max3A_55 {strides = array<i32>} : memref<1024x128xf32, #tpu.memory_space<vmem>>, vector<1024x128xf32>,
    %eq3A = arith.constant 0 : i32
    %eq3A_58 = arith.cmpi eq, %arg0, %eq3A : i32
    %convert_element_type3A = arith.extui %eq3A_58 : i1 to i32
    %cond3A = arith.constant 0 : i32
    %cond3A_59 = arith.cmpi ne, %convert_element_type3A, %cond3A : i32
    scf.if %cond3A_59 {
      %broadcast_in_dim3A = arith.constant 0.000000e+00 : f32
      %broadcast_in_dim3A_72 = vector.broadcast %broadcast_in_dim3A : f32 to vector<64x128xf32>
      %swap3A_73 = arith.constant 0 : index
      %swap3A_74 = arith.constant 0 : index
      %swap3A_75 = vector.load %arg14[%swap3A_73, %swap3A_74] : memref<64x128xf32, #tpu.memory_space<vmem>>, vector<64x128xf32>
      tpu.vector_store %arg14[%swap3A_73, %swap3A_74], %broadcast_in_dim3A_72 {strides = array<i32>} : memref<64x128xf32, #tpu.memory_space<vmem>>, vector<64x128xf32>,
    } else {
    }
    %get3A_60 = arith.constant 0 : index
    %get3A_61 = arith.constant 0 : index
    %get3A_62 = vector.load %arg14[%get3A_60, %get3A_61] : memref<64x128xf32, #tpu.memory_space<vmem>>, vector<64x128xf32>
    %get3A_63 = arith.constant 0 : index
    %get3A_64 = arith.constant 0 : index
    %get3A_65 = vector.load %arg4[%get3A_63, %get3A_64] : memref<64x1024xf32, #tpu.memory_space<vmem>>, vector<64x1024xf32>
    %dot_general3A_66 = arith.constant dense<0.000000e+00> : vector<64x128xf32>
    %dot_general3A_67 = tpu.matmul %get3A_65, %max3A_55, %dot_general3A_66 {dimension_numbers = #tpu.dot_dimension_numbers<[1], [0], [0], [1], [0, 0, 1, 1], [], []>, transpose_lhs_hint = false} : vector<64x1024xf32>, vector<1024x128xf32>, vector<64x128xf32> -> vector<64x128xf32>
    %add3A_68 = arith.addf %get3A_62, %dot_general3A_67 : vector<64x128xf32>
    %swap3A_69 = arith.constant 0 : index
    %swap3A_70 = arith.constant 0 : index
    %swap3A_71 = vector.load %arg14[%swap3A_69, %swap3A_70] : memref<64x128xf32, #tpu.memory_space<vmem>>, vector<64x128xf32>
    tpu.vector_store %arg14[%swap3A_69, %swap3A_70], %add3A_68 {strides = array<i32>} : memref<64x128xf32, #tpu.memory_space<vmem>>, vector<64x128xf32>,
    return
  }
  func.func @transform_0(%arg0: i32) -> (i32, i32, i32) {
    %c0_i32 = arith.constant 0 : i32
    %c0_i32_0 = arith.constant 0 : i32
    %c0_i32_1 = arith.constant 0 : i32
    return %c0_i32, %arg0, %c0_i32_0 : i32, i32, i32
  }
  func.func @transform_1(%arg0: i32) -> (i32, i32, i32) {
    %c1_i32 = arith.constant 1 : i32
    %c0_i32 = arith.constant 0 : i32
    %c0_i32_0 = arith.constant 0 : i32
    return %c1_i32, %arg0, %c0_i32 : i32, i32, i32
  }
  func.func @transform_2(%arg0: i32) -> (i32, i32) {
    %c0_i32 = arith.constant 0 : i32
    %c0_i32_0 = arith.constant 0 : i32
    return %arg0, %c0_i32 : i32, i32
  }
  func.func @transform_3(%arg0: i32) -> (i32, i32) {
    %c0_i32 = arith.constant 0 : i32
    %c0_i32_0 = arith.constant 0 : i32
    return %c0_i32, %arg0 : i32, i32
  }
  func.func @transform_4(%arg0: i32) -> (i32, i32) {
    %c0_i32 = arith.constant 0 : i32
    %c0_i32_0 = arith.constant 0 : i32
    %c0_i32_1 = arith.constant 0 : i32
    return %c0_i32, %c0_i32_0 : i32, i32
  }
  func.func @transform_5(%arg0: i32) -> (i32, i32) {
    %c0_i32 = arith.constant 0 : i32
    %c0_i32_0 = arith.constant 0 : i32
    %c0_i32_1 = arith.constant 0 : i32
    return %c0_i32, %c0_i32_0 : i32, i32
  }
  func.func @transform_6(%arg0: i32) -> (i32, i32) {
    %c0_i32 = arith.constant 0 : i32
    %c0_i32_0 = arith.constant 0 : i32
    %c0_i32_1 = arith.constant 0 : i32
    return %c0_i32, %c0_i32_0 : i32, i32
  }
  func.func @transform_7(%arg0: i32) -> (i32, i32) {
    %c0_i32 = arith.constant 0 : i32
    %c0_i32_0 = arith.constant 0 : i32
    %c0_i32_1 = arith.constant 0 : i32
    return %c0_i32, %c0_i32_0 : i32, i32
  }
  func.func @transform_8(%arg0: i32) -> (i32, i32) {
    %c0_i32 = arith.constant 0 : i32
    %c0_i32_0 = arith.constant 0 : i32
    %c0_i32_1 = arith.constant 0 : i32
    return %c0_i32, %c0_i32_0 : i32, i32
  }
  func.func @transform_9(%arg0: i32) -> (i32, i32) {
    %c0_i32 = arith.constant 0 : i32
    %c0_i32_0 = arith.constant 0 : i32
    %c0_i32_1 = arith.constant 0 : i32
    return %c0_i32, %c0_i32_0 : i32, i32
  }
  func.func @transform_10(%arg0: i32) -> (i32, i32) {
    %c0_i32 = arith.constant 0 : i32
    %c0_i32_0 = arith.constant 0 : i32
    %c0_i32_1 = arith.constant 0 : i32
    return %c0_i32, %c0_i32_0 : i32, i32
  }
  func.func @transform_11(%arg0: i32) -> (i32, i32) {
    %c0_i32 = arith.constant 0 : i32
    %c0_i32_0 = arith.constant 0 : i32
    %c0_i32_1 = arith.constant 0 : i32
    return %c0_i32, %c0_i32_0 : i32, i32
  }
  func.func @transform_12(%arg0: i32) -> (i32, i32) {
    %c0_i32 = arith.constant 0 : i32
    %c0_i32_0 = arith.constant 0 : i32
    return %arg0, %c0_i32 : i32, i32
  }
  func.func @transform_13(%arg0: i32) -> (i32, i32) {
    %c0_i32 = arith.constant 0 : i32
    %c0_i32_0 = arith.constant 0 : i32
    %c0_i32_1 = arith.constant 0 : i32
    return %c0_i32, %c0_i32_0 : i32, i32
  }
}

module attributes {stable_mosaic.version = 14 : i64} {
  func.func @body(%arg0: i32, %arg1: memref<1x1024x128xf32, #tpu.memory_space<vmem>>, %arg2: memref<1x1024x128xf32, #tpu.memory_space<vmem>>, %arg3: memref<1024x128xf32, #tpu.memory_space<vmem>>, %arg4: memref<64x1024xf32, #tpu.memory_space<vmem>>, %arg5: memref<128x128xf32, #tpu.memory_space<vmem>>, %arg6: memref<1x128xf32, #tpu.memory_space<vmem>>, %arg7: memref<1x128xf32, #tpu.memory_space<vmem>>, %arg8: memref<1x128xf32, #tpu.memory_space<vmem>>, %arg9: memref<128x128xf32, #tpu.memory_space<vmem>>, %arg10: memref<1x128xf32, #tpu.memory_space<vmem>>, %arg11: memref<1x128xf32, #tpu.memory_space<vmem>>, %arg12: memref<1x128xf32, #tpu.memory_space<vmem>>, %arg13: memref<1024x128xf32, #tpu.memory_space<vmem>>, %arg14: memref<64x128xf32, #tpu.memory_space<vmem>>) attributes {dimension_semantics = [#tpu.dimension_semantics<arbitrary>], iteration_bounds = array<i64: 10>, scalar_prefetch = 0 : i64, scratch_operands = 0 : i64, tpu.core_type = #tpu.core_type<tc>, window_params = [{transform_indices = @transform_0, window_bounds = array<i64: 1, 1024, 128>}, {transform_indices = @transform_1, window_bounds = array<i64: 1, 1024, 128>}, {transform_indices = @transform_2, window_bounds = array<i64: 1024, 128>}, {transform_indices = @transform_3, window_bounds = array<i64: 64, 1024>}, {pipeline_mode = #tpu.pipeline_mode<synchronous>, transform_indices = @transform_4, window_bounds = array<i64: 128, 128>}, {pipeline_mode = #tpu.pipeline_mode<synchronous>, transform_indices = @transform_5, window_bounds = array<i64: 1, 128>}, {pipeline_mode = #tpu.pipeline_mode<synchronous>, transform_indices = @transform_6, window_bounds = array<i64: 1, 128>}, {pipeline_mode = #tpu.pipeline_mode<synchronous>, transform_indices = @transform_7, window_bounds = array<i64: 1, 128>}, {pipeline_mode = #tpu.pipeline_mode<synchronous>, transform_indices = @transform_8, window_bounds = array<i64: 128, 128>}, {pipeline_mode = #tpu.pipeline_mode<synchronous>, transform_indices = @transform_9, window_bounds = array<i64: 1, 128>}, {pipeline_mode = #tpu.pipeline_mode<synchronous>, transform_indices = @transform_10, window_bounds = array<i64: 1, 128>}, {pipeline_mode = #tpu.pipeline_mode<synchronous>, transform_indices = @transform_11, window_bounds = array<i64: 1, 128>}, {transform_indices = @transform_12, window_bounds = array<i64: 1024, 128>}, {pipeline_mode = #tpu.pipeline_mode<synchronous>, transform_indices = @transform_13, window_bounds = array<i64: 64, 128>}]} {
    %get3A = arith.constant 0 : index
    %get3A_0 = arith.constant 0 : index
    %get3A_1 = arith.constant 0 : index
    %get3A_2 = vector.load %arg1[%get3A, %get3A_0, %get3A_1] : memref<1x1024x128xf32, #tpu.memory_space<vmem>>, vector<1x1024x128xf32>
    %get3A_3 = vector.shape_cast %get3A_2 : vector<1x1024x128xf32> to vector<1024x128xf32>
    %get3A_4 = arith.constant 0 : index
    %get3A_5 = arith.constant 0 : index
    %get3A_6 = arith.constant 0 : index
    %get3A_7 = vector.load %arg2[%get3A_4, %get3A_5, %get3A_6] : memref<1x1024x128xf32, #tpu.memory_space<vmem>>, vector<1x1024x128xf32>
    %get3A_8 = vector.shape_cast %get3A_7 : vector<1x1024x128xf32> to vector<1024x128xf32>
    %add3A = arith.addf %get3A_3, %get3A_8 : vector<1024x128xf32>
    %get3A_9 = arith.constant 0 : index
    %get3A_10 = arith.constant 0 : index
    %get3A_11 = vector.load %arg3[%get3A_9, %get3A_10] : memref<1024x128xf32, #tpu.memory_space<vmem>>, vector<1024x128xf32>
    %add3A_12 = arith.addf %add3A, %get3A_11 : vector<1024x128xf32>
    %get3A_13 = arith.constant 0 : index
    %get3A_14 = arith.constant 0 : index
    %get3A_15 = vector.load %arg5[%get3A_13, %get3A_14] : memref<128x128xf32, #tpu.memory_space<vmem>>, vector<128x128xf32>
    %dot_general3A = arith.constant dense<0.000000e+00> : vector<1024x128xf32>
    %dot_general3A_16 = tpu.matmul %add3A_12, %get3A_15, %dot_general3A {dimension_numbers = #tpu.dot_dimension_numbers<[1], [1], [0], [0], [0, 0, 1, 0], [], []>, transpose_lhs_hint = false} : vector<1024x128xf32>, vector<128x128xf32>, vector<1024x128xf32> -> vector<1024x128xf32>
    %get3A_17 = arith.constant 0 : index
    %get3A_18 = arith.constant 0 : index
    %get3A_19 = vector.load %arg6[%get3A_17, %get3A_18] : memref<1x128xf32, #tpu.memory_space<vmem>>, vector<1x128xf32>
    %add3A_20 = vector.broadcast %get3A_19 : vector<1x128xf32> to vector<1024x128xf32>
    %add3A_21 = arith.addf %dot_general3A_16, %add3A_20 : vector<1024x128xf32>
    %get3A_22 = arith.constant 0 : index
    %get3A_23 = arith.constant 0 : index
    %get3A_24 = vector.load %arg7[%get3A_22, %get3A_23] : memref<1x128xf32, #tpu.memory_space<vmem>>, vector<1x128xf32>
    %mul3A = vector.broadcast %get3A_24 : vector<1x128xf32> to vector<1024x128xf32>
    %mul3A_25 = arith.mulf %add3A_21, %mul3A : vector<1024x128xf32>
    %get3A_26 = arith.constant 0 : index
    %get3A_27 = arith.constant 0 : index
    %get3A_28 = vector.load %arg8[%get3A_26, %get3A_27] : memref<1x128xf32, #tpu.memory_space<vmem>>, vector<1x128xf32>
    %add3A_29 = vector.broadcast %get3A_28 : vector<1x128xf32> to vector<1024x128xf32>
    %add3A_30 = arith.addf %mul3A_25, %add3A_29 : vector<1024x128xf32>
    %max3A = arith.constant 0.000000e+00 : f32
    %max3A_31 = vector.broadcast %max3A : f32 to vector<1024x128xf32>
    %max3A_32 = arith.maximumf %add3A_30, %max3A_31 : vector<1024x128xf32>
    %get3A_33 = arith.constant 0 : index
    %get3A_34 = arith.constant 0 : index
    %get3A_35 = vector.load %arg9[%get3A_33, %get3A_34] : memref<128x128xf32, #tpu.memory_space<vmem>>, vector<128x128xf32>
    %dot_general3A_36 = arith.constant dense<0.000000e+00> : vector<1024x128xf32>
    %dot_general3A_37 = tpu.matmul %max3A_32, %get3A_35, %dot_general3A_36 {dimension_numbers = #tpu.dot_dimension_numbers<[1], [1], [0], [0], [0, 0, 1, 0], [], []>, transpose_lhs_hint = false} : vector<1024x128xf32>, vector<128x128xf32>, vector<1024x128xf32> -> vector<1024x128xf32>
    %get3A_38 = arith.constant 0 : index
    %get3A_39 = arith.constant 0 : index
    %get3A_40 = vector.load %arg10[%get3A_38, %get3A_39] : memref<1x128xf32, #tpu.memory_space<vmem>>, vector<1x128xf32>
    %add3A_41 = vector.broadcast %get3A_40 : vector<1x128xf32> to vector<1024x128xf32>
    %add3A_42 = arith.addf %dot_general3A_37, %add3A_41 : vector<1024x128xf32>
    %get3A_43 = arith.constant 0 : index
    %get3A_44 = arith.constant 0 : index
    %get3A_45 = vector.load %arg11[%get3A_43, %get3A_44] : memref<1x128xf32, #tpu.memory_space<vmem>>, vector<1x128xf32>
    %mul3A_46 = vector.broadcast %get3A_45 : vector<1x128xf32> to vector<1024x128xf32>
    %mul3A_47 = arith.mulf %add3A_42, %mul3A_46 : vector<1024x128xf32>
    %get3A_48 = arith.constant 0 : index
    %get3A_49 = arith.constant 0 : index
    %get3A_50 = vector.load %arg12[%get3A_48, %get3A_49] : memref<1x128xf32, #tpu.memory_space<vmem>>, vector<1x128xf32>
    %add3A_51 = vector.broadcast %get3A_50 : vector<1x128xf32> to vector<1024x128xf32>
    %add3A_52 = arith.addf %mul3A_47, %add3A_51 : vector<1024x128xf32>
    %max3A_53 = arith.constant 0.000000e+00 : f32
    %max3A_54 = vector.broadcast %max3A_53 : f32 to vector<1024x128xf32>
    %max3A_55 = arith.maximumf %add3A_52, %max3A_54 : vector<1024x128xf32>
    %swap3A = arith.constant 0 : index
    %swap3A_56 = arith.constant 0 : index
    %swap3A_57 = vector.load %arg13[%swap3A, %swap3A_56] : memref<1024x128xf32, #tpu.memory_space<vmem>>, vector<1024x128xf32>
    tpu.vector_store %arg13[%swap3A, %swap3A_56], %max3A_55 {strides = array<i32>} : memref<1024x128xf32, #tpu.memory_space<vmem>>, vector<1024x128xf32>,
    %eq3A = arith.constant 0 : i32
    %eq3A_58 = arith.cmpi eq, %arg0, %eq3A : i32
    %convert_element_type3A = arith.extui %eq3A_58 : i1 to i32
    %cond3A = arith.constant 0 : i32
    %cond3A_59 = arith.cmpi ne, %convert_element_type3A, %cond3A : i32
    scf.if %cond3A_59 {
      %broadcast_in_dim3A = arith.constant 0.000000e+00 : f32
      %broadcast_in_dim3A_72 = vector.broadcast %broadcast_in_dim3A : f32 to vector<64x128xf32>
      %swap3A_73 = arith.constant 0 : index
      %swap3A_74 = arith.constant 0 : index
      %swap3A_75 = vector.load %arg14[%swap3A_73, %swap3A_74] : memref<64x128xf32, #tpu.memory_space<vmem>>, vector<64x128xf32>
      tpu.vector_store %arg14[%swap3A_73, %swap3A_74], %broadcast_in_dim3A_72 {strides = array<i32>} : memref<64x128xf32, #tpu.memory_space<vmem>>, vector<64x128xf32>,
    } else {
    }
    %get3A_60 = arith.constant 0 : index
    %get3A_61 = arith.constant 0 : index
    %get3A_62 = vector.load %arg14[%get3A_60, %get3A_61] : memref<64x128xf32, #tpu.memory_space<vmem>>, vector<64x128xf32>
    %get3A_63 = arith.constant 0 : index
    %get3A_64 = arith.constant 0 : index
    %get3A_65 = vector.load %arg4[%get3A_63, %get3A_64] : memref<64x1024xf32, #tpu.memory_space<vmem>>, vector<64x1024xf32>
    %dot_general3A_66 = arith.constant dense<0.000000e+00> : vector<64x128xf32>
    %dot_general3A_67 = tpu.matmul %get3A_65, %max3A_55, %dot_general3A_66 {dimension_numbers = #tpu.dot_dimension_numbers<[1], [0], [0], [1], [0, 0, 1, 1], [], []>, transpose_lhs_hint = false} : vector<64x1024xf32>, vector<1024x128xf32>, vector<64x128xf32> -> vector<64x128xf32>
    %add3A_68 = arith.addf %get3A_62, %dot_general3A_67 : vector<64x128xf32>
    %swap3A_69 = arith.constant 0 : index
    %swap3A_70 = arith.constant 0 : index
    %swap3A_71 = vector.load %arg14[%swap3A_69, %swap3A_70] : memref<64x128xf32, #tpu.memory_space<vmem>>, vector<64x128xf32>
    tpu.vector_store %arg14[%swap3A_69, %swap3A_70], %add3A_68 {strides = array<i32>} : memref<64x128xf32, #tpu.memory_space<vmem>>, vector<64x128xf32>,
    return
  }
  func.func @transform_0(%arg0: i32) -> (i32, i32, i32) {
    %c0_i32 = arith.constant 0 : i32
    %c0_i32_0 = arith.constant 0 : i32
    %c0_i32_1 = arith.constant 0 : i32
    return %c0_i32, %arg0, %c0_i32_0 : i32, i32, i32
  }
  func.func @transform_1(%arg0: i32) -> (i32, i32, i32) {
    %c1_i32 = arith.constant 1 : i32
    %c0_i32 = arith.constant 0 : i32
    %c0_i32_0 = arith.constant 0 : i32
    return %c1_i32, %arg0, %c0_i32 : i32, i32, i32
  }
  func.func @transform_2(%arg0: i32) -> (i32, i32) {
    %c0_i32 = arith.constant 0 : i32
    %c0_i32_0 = arith.constant 0 : i32
    return %arg0, %c0_i32 : i32, i32
  }
  func.func @transform_3(%arg0: i32) -> (i32, i32) {
    %c0_i32 = arith.constant 0 : i32
    %c0_i32_0 = arith.constant 0 : i32
    return %c0_i32, %arg0 : i32, i32
  }
  func.func @transform_4(%arg0: i32) -> (i32, i32) {
    %c0_i32 = arith.constant 0 : i32
    %c0_i32_0 = arith.constant 0 : i32
    %c0_i32_1 = arith.constant 0 : i32
    return %c0_i32, %c0_i32_0 : i32, i32
  }
  func.func @transform_5(%arg0: i32) -> (i32, i32) {
    %c0_i32 = arith.constant 0 : i32
    %c0_i32_0 = arith.constant 0 : i32
    %c0_i32_1 = arith.constant 0 : i32
    return %c0_i32, %c0_i32_0 : i32, i32
  }
  func.func @transform_6(%arg0: i32) -> (i32, i32) {
    %c0_i32 = arith.constant 0 : i32
    %c0_i32_0 = arith.constant 0 : i32
    %c0_i32_1 = arith.constant 0 : i32
    return %c0_i32, %c0_i32_0 : i32, i32
  }
  func.func @transform_7(%arg0: i32) -> (i32, i32) {
    %c0_i32 = arith.constant 0 : i32
    %c0_i32_0 = arith.constant 0 : i32
    %c0_i32_1 = arith.constant 0 : i32
    return %c0_i32, %c0_i32_0 : i32, i32
  }
  func.func @transform_8(%arg0: i32) -> (i32, i32) {
    %c0_i32 = arith.constant 0 : i32
    %c0_i32_0 = arith.constant 0 : i32
    %c0_i32_1 = arith.constant 0 : i32
    return %c0_i32, %c0_i32_0 : i32, i32
  }
  func.func @transform_9(%arg0: i32) -> (i32, i32) {
    %c0_i32 = arith.constant 0 : i32
    %c0_i32_0 = arith.constant 0 : i32
    %c0_i32_1 = arith.constant 0 : i32
    return %c0_i32, %c0_i32_0 : i32, i32
  }
  func.func @transform_10(%arg0: i32) -> (i32, i32) {
    %c0_i32 = arith.constant 0 : i32
    %c0_i32_0 = arith.constant 0 : i32
    %c0_i32_1 = arith.constant 0 : i32
    return %c0_i32, %c0_i32_0 : i32, i32
  }
  func.func @transform_11(%arg0: i32) -> (i32, i32) {
    %c0_i32 = arith.constant 0 : i32
    %c0_i32_0 = arith.constant 0 : i32
    %c0_i32_1 = arith.constant 0 : i32
    return %c0_i32, %c0_i32_0 : i32, i32
  }
  func.func @transform_12(%arg0: i32) -> (i32, i32) {
    %c0_i32 = arith.constant 0 : i32
    %c0_i32_0 = arith.constant 0 : i32
    return %arg0, %c0_i32 : i32, i32
  }
  func.func @transform_13(%arg0: i32) -> (i32, i32) {
    %c0_i32 = arith.constant 0 : i32
    %c0_i32_0 = arith.constant 0 : i32
    %c0_i32_1 = arith.constant 0 : i32
    return %c0_i32, %c0_i32_0 : i32, i32
  }
}

module attributes {stable_mosaic.version = 14 : i64} {
  func.func @body(%arg0: i32, %arg1: memref<1x1024x128xf32, #tpu.memory_space<vmem>>, %arg2: memref<1x1024x128xf32, #tpu.memory_space<vmem>>, %arg3: memref<1024x128xf32, #tpu.memory_space<vmem>>, %arg4: memref<64x1024xf32, #tpu.memory_space<vmem>>, %arg5: memref<128x128xf32, #tpu.memory_space<vmem>>, %arg6: memref<1x128xf32, #tpu.memory_space<vmem>>, %arg7: memref<1x128xf32, #tpu.memory_space<vmem>>, %arg8: memref<1x128xf32, #tpu.memory_space<vmem>>, %arg9: memref<128x128xf32, #tpu.memory_space<vmem>>, %arg10: memref<1x128xf32, #tpu.memory_space<vmem>>, %arg11: memref<1x128xf32, #tpu.memory_space<vmem>>, %arg12: memref<1x128xf32, #tpu.memory_space<vmem>>, %arg13: memref<1024x128xf32, #tpu.memory_space<vmem>>, %arg14: memref<64x128xf32, #tpu.memory_space<vmem>>) attributes {dimension_semantics = [#tpu.dimension_semantics<arbitrary>], iteration_bounds = array<i64: 10>, scalar_prefetch = 0 : i64, scratch_operands = 0 : i64, tpu.core_type = #tpu.core_type<tc>, window_params = [{transform_indices = @transform_0, window_bounds = array<i64: 1, 1024, 128>}, {transform_indices = @transform_1, window_bounds = array<i64: 1, 1024, 128>}, {transform_indices = @transform_2, window_bounds = array<i64: 1024, 128>}, {transform_indices = @transform_3, window_bounds = array<i64: 64, 1024>}, {pipeline_mode = #tpu.pipeline_mode<synchronous>, transform_indices = @transform_4, window_bounds = array<i64: 128, 128>}, {pipeline_mode = #tpu.pipeline_mode<synchronous>, transform_indices = @transform_5, window_bounds = array<i64: 1, 128>}, {pipeline_mode = #tpu.pipeline_mode<synchronous>, transform_indices = @transform_6, window_bounds = array<i64: 1, 128>}, {pipeline_mode = #tpu.pipeline_mode<synchronous>, transform_indices = @transform_7, window_bounds = array<i64: 1, 128>}, {pipeline_mode = #tpu.pipeline_mode<synchronous>, transform_indices = @transform_8, window_bounds = array<i64: 128, 128>}, {pipeline_mode = #tpu.pipeline_mode<synchronous>, transform_indices = @transform_9, window_bounds = array<i64: 1, 128>}, {pipeline_mode = #tpu.pipeline_mode<synchronous>, transform_indices = @transform_10, window_bounds = array<i64: 1, 128>}, {pipeline_mode = #tpu.pipeline_mode<synchronous>, transform_indices = @transform_11, window_bounds = array<i64: 1, 128>}, {transform_indices = @transform_12, window_bounds = array<i64: 1024, 128>}, {pipeline_mode = #tpu.pipeline_mode<synchronous>, transform_indices = @transform_13, window_bounds = array<i64: 64, 128>}]} {
    %get3A = arith.constant 0 : index
    %get3A_0 = arith.constant 0 : index
    %get3A_1 = arith.constant 0 : index
    %get3A_2 = vector.load %arg1[%get3A, %get3A_0, %get3A_1] : memref<1x1024x128xf32, #tpu.memory_space<vmem>>, vector<1x1024x128xf32>
    %get3A_3 = vector.shape_cast %get3A_2 : vector<1x1024x128xf32> to vector<1024x128xf32>
    %get3A_4 = arith.constant 0 : index
    %get3A_5 = arith.constant 0 : index
    %get3A_6 = arith.constant 0 : index
    %get3A_7 = vector.load %arg2[%get3A_4, %get3A_5, %get3A_6] : memref<1x1024x128xf32, #tpu.memory_space<vmem>>, vector<1x1024x128xf32>
    %get3A_8 = vector.shape_cast %get3A_7 : vector<1x1024x128xf32> to vector<1024x128xf32>
    %add3A = arith.addf %get3A_3, %get3A_8 : vector<1024x128xf32>
    %get3A_9 = arith.constant 0 : index
    %get3A_10 = arith.constant 0 : index
    %get3A_11 = vector.load %arg3[%get3A_9, %get3A_10] : memref<1024x128xf32, #tpu.memory_space<vmem>>, vector<1024x128xf32>
    %add3A_12 = arith.addf %add3A, %get3A_11 : vector<1024x128xf32>
    %get3A_13 = arith.constant 0 : index
    %get3A_14 = arith.constant 0 : index
    %get3A_15 = vector.load %arg5[%get3A_13, %get3A_14] : memref<128x128xf32, #tpu.memory_space<vmem>>, vector<128x128xf32>
    %dot_general3A = arith.constant dense<0.000000e+00> : vector<1024x128xf32>
    %dot_general3A_16 = tpu.matmul %add3A_12, %get3A_15, %dot_general3A {dimension_numbers = #tpu.dot_dimension_numbers<[1], [1], [0], [0], [0, 0, 1, 0], [], []>, transpose_lhs_hint = false} : vector<1024x128xf32>, vector<128x128xf32>, vector<1024x128xf32> -> vector<1024x128xf32>
    %get3A_17 = arith.constant 0 : index
    %get3A_18 = arith.constant 0 : index
    %get3A_19 = vector.load %arg6[%get3A_17, %get3A_18] : memref<1x128xf32, #tpu.memory_space<vmem>>, vector<1x128xf32>
    %add3A_20 = vector.broadcast %get3A_19 : vector<1x128xf32> to vector<1024x128xf32>
    %add3A_21 = arith.addf %dot_general3A_16, %add3A_20 : vector<1024x128xf32>
    %get3A_22 = arith.constant 0 : index
    %get3A_23 = arith.constant 0 : index
    %get3A_24 = vector.load %arg7[%get3A_22, %get3A_23] : memref<1x128xf32, #tpu.memory_space<vmem>>, vector<1x128xf32>
    %mul3A = vector.broadcast %get3A_24 : vector<1x128xf32> to vector<1024x128xf32>
    %mul3A_25 = arith.mulf %add3A_21, %mul3A : vector<1024x128xf32>
    %get3A_26 = arith.constant 0 : index
    %get3A_27 = arith.constant 0 : index
    %get3A_28 = vector.load %arg8[%get3A_26, %get3A_27] : memref<1x128xf32, #tpu.memory_space<vmem>>, vector<1x128xf32>
    %add3A_29 = vector.broadcast %get3A_28 : vector<1x128xf32> to vector<1024x128xf32>
    %add3A_30 = arith.addf %mul3A_25, %add3A_29 : vector<1024x128xf32>
    %max3A = arith.constant 0.000000e+00 : f32
    %max3A_31 = vector.broadcast %max3A : f32 to vector<1024x128xf32>
    %max3A_32 = arith.maximumf %add3A_30, %max3A_31 : vector<1024x128xf32>
    %get3A_33 = arith.constant 0 : index
    %get3A_34 = arith.constant 0 : index
    %get3A_35 = vector.load %arg9[%get3A_33, %get3A_34] : memref<128x128xf32, #tpu.memory_space<vmem>>, vector<128x128xf32>
    %dot_general3A_36 = arith.constant dense<0.000000e+00> : vector<1024x128xf32>
    %dot_general3A_37 = tpu.matmul %max3A_32, %get3A_35, %dot_general3A_36 {dimension_numbers = #tpu.dot_dimension_numbers<[1], [1], [0], [0], [0, 0, 1, 0], [], []>, transpose_lhs_hint = false} : vector<1024x128xf32>, vector<128x128xf32>, vector<1024x128xf32> -> vector<1024x128xf32>
    %get3A_38 = arith.constant 0 : index
    %get3A_39 = arith.constant 0 : index
    %get3A_40 = vector.load %arg10[%get3A_38, %get3A_39] : memref<1x128xf32, #tpu.memory_space<vmem>>, vector<1x128xf32>
    %add3A_41 = vector.broadcast %get3A_40 : vector<1x128xf32> to vector<1024x128xf32>
    %add3A_42 = arith.addf %dot_general3A_37, %add3A_41 : vector<1024x128xf32>
    %get3A_43 = arith.constant 0 : index
    %get3A_44 = arith.constant 0 : index
    %get3A_45 = vector.load %arg11[%get3A_43, %get3A_44] : memref<1x128xf32, #tpu.memory_space<vmem>>, vector<1x128xf32>
    %mul3A_46 = vector.broadcast %get3A_45 : vector<1x128xf32> to vector<1024x128xf32>
    %mul3A_47 = arith.mulf %add3A_42, %mul3A_46 : vector<1024x128xf32>
    %get3A_48 = arith.constant 0 : index
    %get3A_49 = arith.constant 0 : index
    %get3A_50 = vector.load %arg12[%get3A_48, %get3A_49] : memref<1x128xf32, #tpu.memory_space<vmem>>, vector<1x128xf32>
    %add3A_51 = vector.broadcast %get3A_50 : vector<1x128xf32> to vector<1024x128xf32>
    %add3A_52 = arith.addf %mul3A_47, %add3A_51 : vector<1024x128xf32>
    %max3A_53 = arith.constant 0.000000e+00 : f32
    %max3A_54 = vector.broadcast %max3A_53 : f32 to vector<1024x128xf32>
    %max3A_55 = arith.maximumf %add3A_52, %max3A_54 : vector<1024x128xf32>
    %swap3A = arith.constant 0 : index
    %swap3A_56 = arith.constant 0 : index
    %swap3A_57 = vector.load %arg13[%swap3A, %swap3A_56] : memref<1024x128xf32, #tpu.memory_space<vmem>>, vector<1024x128xf32>
    tpu.vector_store %arg13[%swap3A, %swap3A_56], %max3A_55 {strides = array<i32>} : memref<1024x128xf32, #tpu.memory_space<vmem>>, vector<1024x128xf32>,
    %eq3A = arith.constant 0 : i32
    %eq3A_58 = arith.cmpi eq, %arg0, %eq3A : i32
    %convert_element_type3A = arith.extui %eq3A_58 : i1 to i32
    %cond3A = arith.constant 0 : i32
    %cond3A_59 = arith.cmpi ne, %convert_element_type3A, %cond3A : i32
    scf.if %cond3A_59 {
      %broadcast_in_dim3A = arith.constant 0.000000e+00 : f32
      %broadcast_in_dim3A_72 = vector.broadcast %broadcast_in_dim3A : f32 to vector<64x128xf32>
      %swap3A_73 = arith.constant 0 : index
      %swap3A_74 = arith.constant 0 : index
      %swap3A_75 = vector.load %arg14[%swap3A_73, %swap3A_74] : memref<64x128xf32, #tpu.memory_space<vmem>>, vector<64x128xf32>
      tpu.vector_store %arg14[%swap3A_73, %swap3A_74], %broadcast_in_dim3A_72 {strides = array<i32>} : memref<64x128xf32, #tpu.memory_space<vmem>>, vector<64x128xf32>,
    } else {
    }
    %get3A_60 = arith.constant 0 : index
    %get3A_61 = arith.constant 0 : index
    %get3A_62 = vector.load %arg14[%get3A_60, %get3A_61] : memref<64x128xf32, #tpu.memory_space<vmem>>, vector<64x128xf32>
    %get3A_63 = arith.constant 0 : index
    %get3A_64 = arith.constant 0 : index
    %get3A_65 = vector.load %arg4[%get3A_63, %get3A_64] : memref<64x1024xf32, #tpu.memory_space<vmem>>, vector<64x1024xf32>
    %dot_general3A_66 = arith.constant dense<0.000000e+00> : vector<64x128xf32>
    %dot_general3A_67 = tpu.matmul %get3A_65, %max3A_55, %dot_general3A_66 {dimension_numbers = #tpu.dot_dimension_numbers<[1], [0], [0], [1], [0, 0, 1, 1], [], []>, transpose_lhs_hint = false} : vector<64x1024xf32>, vector<1024x128xf32>, vector<64x128xf32> -> vector<64x128xf32>
    %add3A_68 = arith.addf %get3A_62, %dot_general3A_67 : vector<64x128xf32>
    %swap3A_69 = arith.constant 0 : index
    %swap3A_70 = arith.constant 0 : index
    %swap3A_71 = vector.load %arg14[%swap3A_69, %swap3A_70] : memref<64x128xf32, #tpu.memory_space<vmem>>, vector<64x128xf32>
    tpu.vector_store %arg14[%swap3A_69, %swap3A_70], %add3A_68 {strides = array<i32>} : memref<64x128xf32, #tpu.memory_space<vmem>>, vector<64x128xf32>,
    return
  }
  func.func @transform_0(%arg0: i32) -> (i32, i32, i32) {
    %c0_i32 = arith.constant 0 : i32
    %c0_i32_0 = arith.constant 0 : i32
    %c0_i32_1 = arith.constant 0 : i32
    return %c0_i32, %arg0, %c0_i32_0 : i32, i32, i32
  }
  func.func @transform_1(%arg0: i32) -> (i32, i32, i32) {
    %c1_i32 = arith.constant 1 : i32
    %c0_i32 = arith.constant 0 : i32
    %c0_i32_0 = arith.constant 0 : i32
    return %c1_i32, %arg0, %c0_i32 : i32, i32, i32
  }
  func.func @transform_2(%arg0: i32) -> (i32, i32) {
    %c0_i32 = arith.constant 0 : i32
    %c0_i32_0 = arith.constant 0 : i32
    return %arg0, %c0_i32 : i32, i32
  }
  func.func @transform_3(%arg0: i32) -> (i32, i32) {
    %c0_i32 = arith.constant 0 : i32
    %c0_i32_0 = arith.constant 0 : i32
    return %c0_i32, %arg0 : i32, i32
  }
  func.func @transform_4(%arg0: i32) -> (i32, i32) {
    %c0_i32 = arith.constant 0 : i32
    %c0_i32_0 = arith.constant 0 : i32
    %c0_i32_1 = arith.constant 0 : i32
    return %c0_i32, %c0_i32_0 : i32, i32
  }
  func.func @transform_5(%arg0: i32) -> (i32, i32) {
    %c0_i32 = arith.constant 0 : i32
    %c0_i32_0 = arith.constant 0 : i32
    %c0_i32_1 = arith.constant 0 : i32
    return %c0_i32, %c0_i32_0 : i32, i32
  }
  func.func @transform_6(%arg0: i32) -> (i32, i32) {
    %c0_i32 = arith.constant 0 : i32
    %c0_i32_0 = arith.constant 0 : i32
    %c0_i32_1 = arith.constant 0 : i32
    return %c0_i32, %c0_i32_0 : i32, i32
  }
  func.func @transform_7(%arg0: i32) -> (i32, i32) {
    %c0_i32 = arith.constant 0 : i32
    %c0_i32_0 = arith.constant 0 : i32
    %c0_i32_1 = arith.constant 0 : i32
    return %c0_i32, %c0_i32_0 : i32, i32
  }
  func.func @transform_8(%arg0: i32) -> (i32, i32) {
    %c0_i32 = arith.constant 0 : i32
    %c0_i32_0 = arith.constant 0 : i32
    %c0_i32_1 = arith.constant 0 : i32
    return %c0_i32, %c0_i32_0 : i32, i32
  }
  func.func @transform_9(%arg0: i32) -> (i32, i32) {
    %c0_i32 = arith.constant 0 : i32
    %c0_i32_0 = arith.constant 0 : i32
    %c0_i32_1 = arith.constant 0 : i32
    return %c0_i32, %c0_i32_0 : i32, i32
  }
  func.func @transform_10(%arg0: i32) -> (i32, i32) {
    %c0_i32 = arith.constant 0 : i32
    %c0_i32_0 = arith.constant 0 : i32
    %c0_i32_1 = arith.constant 0 : i32
    return %c0_i32, %c0_i32_0 : i32, i32
  }
  func.func @transform_11(%arg0: i32) -> (i32, i32) {
    %c0_i32 = arith.constant 0 : i32
    %c0_i32_0 = arith.constant 0 : i32
    %c0_i32_1 = arith.constant 0 : i32
    return %c0_i32, %c0_i32_0 : i32, i32
  }
  func.func @transform_12(%arg0: i32) -> (i32, i32) {
    %c0_i32 = arith.constant 0 : i32
    %c0_i32_0 = arith.constant 0 : i32
    return %arg0, %c0_i32 : i32, i32
  }
  func.func @transform_13(%arg0: i32) -> (i32, i32) {
    %c0_i32 = arith.constant 0 : i32
    %c0_i32_0 = arith.constant 0 : i32
    %c0_i32_1 = arith.constant 0 : i32
    return %c0_i32, %c0_i32_0 : i32, i32
  }
}

module attributes {stable_mosaic.version = 14 : i64} {
  func.func @body(%arg0: i32, %arg1: memref<1x1024x128xf32, #tpu.memory_space<vmem>>, %arg2: memref<1x1024x128xf32, #tpu.memory_space<vmem>>, %arg3: memref<1024x128xf32, #tpu.memory_space<vmem>>, %arg4: memref<64x1024xf32, #tpu.memory_space<vmem>>, %arg5: memref<128x128xf32, #tpu.memory_space<vmem>>, %arg6: memref<1x128xf32, #tpu.memory_space<vmem>>, %arg7: memref<1x128xf32, #tpu.memory_space<vmem>>, %arg8: memref<1x128xf32, #tpu.memory_space<vmem>>, %arg9: memref<128x128xf32, #tpu.memory_space<vmem>>, %arg10: memref<1x128xf32, #tpu.memory_space<vmem>>, %arg11: memref<1x128xf32, #tpu.memory_space<vmem>>, %arg12: memref<1x128xf32, #tpu.memory_space<vmem>>, %arg13: memref<1024x128xf32, #tpu.memory_space<vmem>>, %arg14: memref<64x128xf32, #tpu.memory_space<vmem>>) attributes {dimension_semantics = [#tpu.dimension_semantics<arbitrary>], iteration_bounds = array<i64: 10>, scalar_prefetch = 0 : i64, scratch_operands = 0 : i64, tpu.core_type = #tpu.core_type<tc>, window_params = [{transform_indices = @transform_0, window_bounds = array<i64: 1, 1024, 128>}, {transform_indices = @transform_1, window_bounds = array<i64: 1, 1024, 128>}, {transform_indices = @transform_2, window_bounds = array<i64: 1024, 128>}, {transform_indices = @transform_3, window_bounds = array<i64: 64, 1024>}, {pipeline_mode = #tpu.pipeline_mode<synchronous>, transform_indices = @transform_4, window_bounds = array<i64: 128, 128>}, {pipeline_mode = #tpu.pipeline_mode<synchronous>, transform_indices = @transform_5, window_bounds = array<i64: 1, 128>}, {pipeline_mode = #tpu.pipeline_mode<synchronous>, transform_indices = @transform_6, window_bounds = array<i64: 1, 128>}, {pipeline_mode = #tpu.pipeline_mode<synchronous>, transform_indices = @transform_7, window_bounds = array<i64: 1, 128>}, {pipeline_mode = #tpu.pipeline_mode<synchronous>, transform_indices = @transform_8, window_bounds = array<i64: 128, 128>}, {pipeline_mode = #tpu.pipeline_mode<synchronous>, transform_indices = @transform_9, window_bounds = array<i64: 1, 128>}, {pipeline_mode = #tpu.pipeline_mode<synchronous>, transform_indices = @transform_10, window_bounds = array<i64: 1, 128>}, {pipeline_mode = #tpu.pipeline_mode<synchronous>, transform_indices = @transform_11, window_bounds = array<i64: 1, 128>}, {transform_indices = @transform_12, window_bounds = array<i64: 1024, 128>}, {pipeline_mode = #tpu.pipeline_mode<synchronous>, transform_indices = @transform_13, window_bounds = array<i64: 64, 128>}]} {
    %get3A = arith.constant 0 : index
    %get3A_0 = arith.constant 0 : index
    %get3A_1 = arith.constant 0 : index
    %get3A_2 = vector.load %arg1[%get3A, %get3A_0, %get3A_1] : memref<1x1024x128xf32, #tpu.memory_space<vmem>>, vector<1x1024x128xf32>
    %get3A_3 = vector.shape_cast %get3A_2 : vector<1x1024x128xf32> to vector<1024x128xf32>
    %get3A_4 = arith.constant 0 : index
    %get3A_5 = arith.constant 0 : index
    %get3A_6 = arith.constant 0 : index
    %get3A_7 = vector.load %arg2[%get3A_4, %get3A_5, %get3A_6] : memref<1x1024x128xf32, #tpu.memory_space<vmem>>, vector<1x1024x128xf32>
    %get3A_8 = vector.shape_cast %get3A_7 : vector<1x1024x128xf32> to vector<1024x128xf32>
    %add3A = arith.addf %get3A_3, %get3A_8 : vector<1024x128xf32>
    %get3A_9 = arith.constant 0 : index
    %get3A_10 = arith.constant 0 : index
    %get3A_11 = vector.load %arg3[%get3A_9, %get3A_10] : memref<1024x128xf32, #tpu.memory_space<vmem>>, vector<1024x128xf32>
    %add3A_12 = arith.addf %add3A, %get3A_11 : vector<1024x128xf32>
    %get3A_13 = arith.constant 0 : index
    %get3A_14 = arith.constant 0 : index
    %get3A_15 = vector.load %arg5[%get3A_13, %get3A_14] : memref<128x128xf32, #tpu.memory_space<vmem>>, vector<128x128xf32>
    %dot_general3A = arith.constant dense<0.000000e+00> : vector<1024x128xf32>
    %dot_general3A_16 = tpu.matmul %add3A_12, %get3A_15, %dot_general3A {dimension_numbers = #tpu.dot_dimension_numbers<[1], [1], [0], [0], [0, 0, 1, 0], [], []>, transpose_lhs_hint = false} : vector<1024x128xf32>, vector<128x128xf32>, vector<1024x128xf32> -> vector<1024x128xf32>
    %get3A_17 = arith.constant 0 : index
    %get3A_18 = arith.constant 0 : index
    %get3A_19 = vector.load %arg6[%get3A_17, %get3A_18] : memref<1x128xf32, #tpu.memory_space<vmem>>, vector<1x128xf32>
    %add3A_20 = vector.broadcast %get3A_19 : vector<1x128xf32> to vector<1024x128xf32>
    %add3A_21 = arith.addf %dot_general3A_16, %add3A_20 : vector<1024x128xf32>
    %get3A_22 = arith.constant 0 : index
    %get3A_23 = arith.constant 0 : index
    %get3A_24 = vector.load %arg7[%get3A_22, %get3A_23] : memref<1x128xf32, #tpu.memory_space<vmem>>, vector<1x128xf32>
    %mul3A = vector.broadcast %get3A_24 : vector<1x128xf32> to vector<1024x128xf32>
    %mul3A_25 = arith.mulf %add3A_21, %mul3A : vector<1024x128xf32>
    %get3A_26 = arith.constant 0 : index
    %get3A_27 = arith.constant 0 : index
    %get3A_28 = vector.load %arg8[%get3A_26, %get3A_27] : memref<1x128xf32, #tpu.memory_space<vmem>>, vector<1x128xf32>
    %add3A_29 = vector.broadcast %get3A_28 : vector<1x128xf32> to vector<1024x128xf32>
    %add3A_30 = arith.addf %mul3A_25, %add3A_29 : vector<1024x128xf32>
    %max3A = arith.constant 0.000000e+00 : f32
    %max3A_31 = vector.broadcast %max3A : f32 to vector<1024x128xf32>
    %max3A_32 = arith.maximumf %add3A_30, %max3A_31 : vector<1024x128xf32>
    %get3A_33 = arith.constant 0 : index
    %get3A_34 = arith.constant 0 : index
    %get3A_35 = vector.load %arg9[%get3A_33, %get3A_34] : memref<128x128xf32, #tpu.memory_space<vmem>>, vector<128x128xf32>
    %dot_general3A_36 = arith.constant dense<0.000000e+00> : vector<1024x128xf32>
    %dot_general3A_37 = tpu.matmul %max3A_32, %get3A_35, %dot_general3A_36 {dimension_numbers = #tpu.dot_dimension_numbers<[1], [1], [0], [0], [0, 0, 1, 0], [], []>, transpose_lhs_hint = false} : vector<1024x128xf32>, vector<128x128xf32>, vector<1024x128xf32> -> vector<1024x128xf32>
    %get3A_38 = arith.constant 0 : index
    %get3A_39 = arith.constant 0 : index
    %get3A_40 = vector.load %arg10[%get3A_38, %get3A_39] : memref<1x128xf32, #tpu.memory_space<vmem>>, vector<1x128xf32>
    %add3A_41 = vector.broadcast %get3A_40 : vector<1x128xf32> to vector<1024x128xf32>
    %add3A_42 = arith.addf %dot_general3A_37, %add3A_41 : vector<1024x128xf32>
    %get3A_43 = arith.constant 0 : index
    %get3A_44 = arith.constant 0 : index
    %get3A_45 = vector.load %arg11[%get3A_43, %get3A_44] : memref<1x128xf32, #tpu.memory_space<vmem>>, vector<1x128xf32>
    %mul3A_46 = vector.broadcast %get3A_45 : vector<1x128xf32> to vector<1024x128xf32>
    %mul3A_47 = arith.mulf %add3A_42, %mul3A_46 : vector<1024x128xf32>
    %get3A_48 = arith.constant 0 : index
    %get3A_49 = arith.constant 0 : index
    %get3A_50 = vector.load %arg12[%get3A_48, %get3A_49] : memref<1x128xf32, #tpu.memory_space<vmem>>, vector<1x128xf32>
    %add3A_51 = vector.broadcast %get3A_50 : vector<1x128xf32> to vector<1024x128xf32>
    %add3A_52 = arith.addf %mul3A_47, %add3A_51 : vector<1024x128xf32>
    %max3A_53 = arith.constant 0.000000e+00 : f32
    %max3A_54 = vector.broadcast %max3A_53 : f32 to vector<1024x128xf32>
    %max3A_55 = arith.maximumf %add3A_52, %max3A_54 : vector<1024x128xf32>
    %swap3A = arith.constant 0 : index
    %swap3A_56 = arith.constant 0 : index
    %swap3A_57 = vector.load %arg13[%swap3A, %swap3A_56] : memref<1024x128xf32, #tpu.memory_space<vmem>>, vector<1024x128xf32>
    tpu.vector_store %arg13[%swap3A, %swap3A_56], %max3A_55 {strides = array<i32>} : memref<1024x128xf32, #tpu.memory_space<vmem>>, vector<1024x128xf32>,
    %eq3A = arith.constant 0 : i32
    %eq3A_58 = arith.cmpi eq, %arg0, %eq3A : i32
    %convert_element_type3A = arith.extui %eq3A_58 : i1 to i32
    %cond3A = arith.constant 0 : i32
    %cond3A_59 = arith.cmpi ne, %convert_element_type3A, %cond3A : i32
    scf.if %cond3A_59 {
      %broadcast_in_dim3A = arith.constant 0.000000e+00 : f32
      %broadcast_in_dim3A_72 = vector.broadcast %broadcast_in_dim3A : f32 to vector<64x128xf32>
      %swap3A_73 = arith.constant 0 : index
      %swap3A_74 = arith.constant 0 : index
      %swap3A_75 = vector.load %arg14[%swap3A_73, %swap3A_74] : memref<64x128xf32, #tpu.memory_space<vmem>>, vector<64x128xf32>
      tpu.vector_store %arg14[%swap3A_73, %swap3A_74], %broadcast_in_dim3A_72 {strides = array<i32>} : memref<64x128xf32, #tpu.memory_space<vmem>>, vector<64x128xf32>,
    } else {
    }
    %get3A_60 = arith.constant 0 : index
    %get3A_61 = arith.constant 0 : index
    %get3A_62 = vector.load %arg14[%get3A_60, %get3A_61] : memref<64x128xf32, #tpu.memory_space<vmem>>, vector<64x128xf32>
    %get3A_63 = arith.constant 0 : index
    %get3A_64 = arith.constant 0 : index
    %get3A_65 = vector.load %arg4[%get3A_63, %get3A_64] : memref<64x1024xf32, #tpu.memory_space<vmem>>, vector<64x1024xf32>
    %dot_general3A_66 = arith.constant dense<0.000000e+00> : vector<64x128xf32>
    %dot_general3A_67 = tpu.matmul %get3A_65, %max3A_55, %dot_general3A_66 {dimension_numbers = #tpu.dot_dimension_numbers<[1], [0], [0], [1], [0, 0, 1, 1], [], []>, transpose_lhs_hint = false} : vector<64x1024xf32>, vector<1024x128xf32>, vector<64x128xf32> -> vector<64x128xf32>
    %add3A_68 = arith.addf %get3A_62, %dot_general3A_67 : vector<64x128xf32>
    %swap3A_69 = arith.constant 0 : index
    %swap3A_70 = arith.constant 0 : index
    %swap3A_71 = vector.load %arg14[%swap3A_69, %swap3A_70] : memref<64x128xf32, #tpu.memory_space<vmem>>, vector<64x128xf32>
    tpu.vector_store %arg14[%swap3A_69, %swap3A_70], %add3A_68 {strides = array<i32>} : memref<64x128xf32, #tpu.memory_space<vmem>>, vector<64x128xf32>,
    return
  }
  func.func @transform_0(%arg0: i32) -> (i32, i32, i32) {
    %c0_i32 = arith.constant 0 : i32
    %c0_i32_0 = arith.constant 0 : i32
    %c0_i32_1 = arith.constant 0 : i32
    return %c0_i32, %arg0, %c0_i32_0 : i32, i32, i32
  }
  func.func @transform_1(%arg0: i32) -> (i32, i32, i32) {
    %c1_i32 = arith.constant 1 : i32
    %c0_i32 = arith.constant 0 : i32
    %c0_i32_0 = arith.constant 0 : i32
    return %c1_i32, %arg0, %c0_i32 : i32, i32, i32
  }
  func.func @transform_2(%arg0: i32) -> (i32, i32) {
    %c0_i32 = arith.constant 0 : i32
    %c0_i32_0 = arith.constant 0 : i32
    return %arg0, %c0_i32 : i32, i32
  }
  func.func @transform_3(%arg0: i32) -> (i32, i32) {
    %c0_i32 = arith.constant 0 : i32
    %c0_i32_0 = arith.constant 0 : i32
    return %c0_i32, %arg0 : i32, i32
  }
  func.func @transform_4(%arg0: i32) -> (i32, i32) {
    %c0_i32 = arith.constant 0 : i32
    %c0_i32_0 = arith.constant 0 : i32
    %c0_i32_1 = arith.constant 0 : i32
    return %c0_i32, %c0_i32_0 : i32, i32
  }
  func.func @transform_5(%arg0: i32) -> (i32, i32) {
    %c0_i32 = arith.constant 0 : i32
    %c0_i32_0 = arith.constant 0 : i32
    %c0_i32_1 = arith.constant 0 : i32
    return %c0_i32, %c0_i32_0 : i32, i32
  }
  func.func @transform_6(%arg0: i32) -> (i32, i32) {
    %c0_i32 = arith.constant 0 : i32
    %c0_i32_0 = arith.constant 0 : i32
    %c0_i32_1 = arith.constant 0 : i32
    return %c0_i32, %c0_i32_0 : i32, i32
  }
  func.func @transform_7(%arg0: i32) -> (i32, i32) {
    %c0_i32 = arith.constant 0 : i32
    %c0_i32_0 = arith.constant 0 : i32
    %c0_i32_1 = arith.constant 0 : i32
    return %c0_i32, %c0_i32_0 : i32, i32
  }
  func.func @transform_8(%arg0: i32) -> (i32, i32) {
    %c0_i32 = arith.constant 0 : i32
    %c0_i32_0 = arith.constant 0 : i32
    %c0_i32_1 = arith.constant 0 : i32
    return %c0_i32, %c0_i32_0 : i32, i32
  }
  func.func @transform_9(%arg0: i32) -> (i32, i32) {
    %c0_i32 = arith.constant 0 : i32
    %c0_i32_0 = arith.constant 0 : i32
    %c0_i32_1 = arith.constant 0 : i32
    return %c0_i32, %c0_i32_0 : i32, i32
  }
  func.func @transform_10(%arg0: i32) -> (i32, i32) {
    %c0_i32 = arith.constant 0 : i32
    %c0_i32_0 = arith.constant 0 : i32
    %c0_i32_1 = arith.constant 0 : i32
    return %c0_i32, %c0_i32_0 : i32, i32
  }
  func.func @transform_11(%arg0: i32) -> (i32, i32) {
    %c0_i32 = arith.constant 0 : i32
    %c0_i32_0 = arith.constant 0 : i32
    %c0_i32_1 = arith.constant 0 : i32
    return %c0_i32, %c0_i32_0 : i32, i32
  }
  func.func @transform_12(%arg0: i32) -> (i32, i32) {
    %c0_i32 = arith.constant 0 : i32
    %c0_i32_0 = arith.constant 0 : i32
    return %arg0, %c0_i32 : i32, i32
  }
  func.func @transform_13(%arg0: i32) -> (i32, i32) {
    %c0_i32 = arith.constant 0 : i32
    %c0_i32_0 = arith.constant 0 : i32
    %c0_i32_1 = arith.constant 0 : i32
    return %c0_i32, %c0_i32_0 : i32, i32
  }
}

module attributes {stable_mosaic.version = 14 : i64} {
  func.func @body(%arg0: memref<5x64x128xf32, #tpu.memory_space<vmem>>, %arg1: memref<5x128x128xf32, #tpu.memory_space<vmem>>, %arg2: memref<5x128xf32, #tpu.memory_space<vmem>>, %arg3: memref<64x128xf32, #tpu.memory_space<vmem>>) attributes {dimension_semantics = [], scalar_prefetch = 0 : i64, scratch_operands = 0 : i64, tpu.core_type = #tpu.core_type<tc>} {
    %broadcast_in_dim3A = arith.constant 0.000000e+00 : f32
    %broadcast_in_dim3A_0 = vector.broadcast %broadcast_in_dim3A : f32 to vector<64x128xf32>
    %get3A = arith.constant 0 : index
    %get3A_1 = arith.constant 0 : index
    %get3A_2 = arith.constant 0 : index
    %get3A_3 = vector.load %arg0[%get3A, %get3A_1, %get3A_2] : memref<5x64x128xf32, #tpu.memory_space<vmem>>, vector<1x64x128xf32>
    %get3A_4 = vector.shape_cast %get3A_3 : vector<1x64x128xf32> to vector<64x128xf32>
    %get3A_5 = arith.constant 0 : index
    %get3A_6 = arith.constant 0 : index
    %get3A_7 = arith.constant 0 : index
    %get3A_8 = vector.load %arg1[%get3A_5, %get3A_6, %get3A_7] : memref<5x128x128xf32, #tpu.memory_space<vmem>>, vector<1x128x128xf32>
    %get3A_9 = vector.shape_cast %get3A_8 : vector<1x128x128xf32> to vector<128x128xf32>
    %dot_general3A = arith.constant dense<0.000000e+00> : vector<64x128xf32>
    %dot_general3A_10 = tpu.matmul %get3A_4, %get3A_9, %dot_general3A {dimension_numbers = #tpu.dot_dimension_numbers<[1], [1], [0], [0], [0, 0, 1, 0], [], []>, transpose_lhs_hint = false} : vector<64x128xf32>, vector<128x128xf32>, vector<64x128xf32> -> vector<64x128xf32>
    %add3A = arith.addf %broadcast_in_dim3A_0, %dot_general3A_10 : vector<64x128xf32>
    %get3A_11 = arith.constant 1 : index
    %get3A_12 = arith.constant 0 : index
    %get3A_13 = arith.constant 0 : index
    %get3A_14 = vector.load %arg0[%get3A_11, %get3A_12, %get3A_13] : memref<5x64x128xf32, #tpu.memory_space<vmem>>, vector<1x64x128xf32>
    %get3A_15 = vector.shape_cast %get3A_14 : vector<1x64x128xf32> to vector<64x128xf32>
    %get3A_16 = arith.constant 1 : index
    %get3A_17 = arith.constant 0 : index
    %get3A_18 = arith.constant 0 : index
    %get3A_19 = vector.load %arg1[%get3A_16, %get3A_17, %get3A_18] : memref<5x128x128xf32, #tpu.memory_space<vmem>>, vector<1x128x128xf32>
    %get3A_20 = vector.shape_cast %get3A_19 : vector<1x128x128xf32> to vector<128x128xf32>
    %dot_general3A_21 = arith.constant dense<0.000000e+00> : vector<64x128xf32>
    %dot_general3A_22 = tpu.matmul %get3A_15, %get3A_20, %dot_general3A_21 {dimension_numbers = #tpu.dot_dimension_numbers<[1], [1], [0], [0], [0, 0, 1, 0], [], []>, transpose_lhs_hint = false} : vector<64x128xf32>, vector<128x128xf32>, vector<64x128xf32> -> vector<64x128xf32>
    %add3A_23 = arith.addf %add3A, %dot_general3A_22 : vector<64x128xf32>
    %get3A_24 = arith.constant 2 : index
    %get3A_25 = arith.constant 0 : index
    %get3A_26 = arith.constant 0 : index
    %get3A_27 = vector.load %arg0[%get3A_24, %get3A_25, %get3A_26] : memref<5x64x128xf32, #tpu.memory_space<vmem>>, vector<1x64x128xf32>
    %get3A_28 = vector.shape_cast %get3A_27 : vector<1x64x128xf32> to vector<64x128xf32>
    %get3A_29 = arith.constant 2 : index
    %get3A_30 = arith.constant 0 : index
    %get3A_31 = arith.constant 0 : index
    %get3A_32 = vector.load %arg1[%get3A_29, %get3A_30, %get3A_31] : memref<5x128x128xf32, #tpu.memory_space<vmem>>, vector<1x128x128xf32>
    %get3A_33 = vector.shape_cast %get3A_32 : vector<1x128x128xf32> to vector<128x128xf32>
    %dot_general3A_34 = arith.constant dense<0.000000e+00> : vector<64x128xf32>
    %dot_general3A_35 = tpu.matmul %get3A_28, %get3A_33, %dot_general3A_34 {dimension_numbers = #tpu.dot_dimension_numbers<[1], [1], [0], [0], [0, 0, 1, 0], [], []>, transpose_lhs_hint = false} : vector<64x128xf32>, vector<128x128xf32>, vector<64x128xf32> -> vector<64x128xf32>
    %add3A_36 = arith.addf %add3A_23, %dot_general3A_35 : vector<64x128xf32>
    %get3A_37 = arith.constant 3 : index
    %get3A_38 = arith.constant 0 : index
    %get3A_39 = arith.constant 0 : index
    %get3A_40 = vector.load %arg0[%get3A_37, %get3A_38, %get3A_39] : memref<5x64x128xf32, #tpu.memory_space<vmem>>, vector<1x64x128xf32>
    %get3A_41 = vector.shape_cast %get3A_40 : vector<1x64x128xf32> to vector<64x128xf32>
    %get3A_42 = arith.constant 3 : index
    %get3A_43 = arith.constant 0 : index
    %get3A_44 = arith.constant 0 : index
    %get3A_45 = vector.load %arg1[%get3A_42, %get3A_43, %get3A_44] : memref<5x128x128xf32, #tpu.memory_space<vmem>>, vector<1x128x128xf32>
    %get3A_46 = vector.shape_cast %get3A_45 : vector<1x128x128xf32> to vector<128x128xf32>
    %dot_general3A_47 = arith.constant dense<0.000000e+00> : vector<64x128xf32>
    %dot_general3A_48 = tpu.matmul %get3A_41, %get3A_46, %dot_general3A_47 {dimension_numbers = #tpu.dot_dimension_numbers<[1], [1], [0], [0], [0, 0, 1, 0], [], []>, transpose_lhs_hint = false} : vector<64x128xf32>, vector<128x128xf32>, vector<64x128xf32> -> vector<64x128xf32>
    %add3A_49 = arith.addf %add3A_36, %dot_general3A_48 : vector<64x128xf32>
    %get3A_50 = arith.constant 4 : index
    %get3A_51 = arith.constant 0 : index
    %get3A_52 = arith.constant 0 : index
    %get3A_53 = vector.load %arg0[%get3A_50, %get3A_51, %get3A_52] : memref<5x64x128xf32, #tpu.memory_space<vmem>>, vector<1x64x128xf32>
    %get3A_54 = vector.shape_cast %get3A_53 : vector<1x64x128xf32> to vector<64x128xf32>
    %get3A_55 = arith.constant 4 : index
    %get3A_56 = arith.constant 0 : index
    %get3A_57 = arith.constant 0 : index
    %get3A_58 = vector.load %arg1[%get3A_55, %get3A_56, %get3A_57] : memref<5x128x128xf32, #tpu.memory_space<vmem>>, vector<1x128x128xf32>
    %get3A_59 = vector.shape_cast %get3A_58 : vector<1x128x128xf32> to vector<128x128xf32>
    %dot_general3A_60 = arith.constant dense<0.000000e+00> : vector<64x128xf32>
    %dot_general3A_61 = tpu.matmul %get3A_54, %get3A_59, %dot_general3A_60 {dimension_numbers = #tpu.dot_dimension_numbers<[1], [1], [0], [0], [0, 0, 1, 0], [], []>, transpose_lhs_hint = false} : vector<64x128xf32>, vector<128x128xf32>, vector<64x128xf32> -> vector<64x128xf32>
    %add3A_62 = arith.addf %add3A_49, %dot_general3A_61 : vector<64x128xf32>
    %get3A_63 = arith.constant 0 : index
    %get3A_64 = arith.constant 0 : index
    %get3A_65 = vector.load %arg2[%get3A_63, %get3A_64] : memref<5x128xf32, #tpu.memory_space<vmem>>, vector<5x128xf32>
    %reduce_sum3A = arith.constant dense<0.000000e+00> : vector<128xf32>
    %reduce_sum3A_66 = vector.multi_reduction <add>, %get3A_65, %reduce_sum3A [0] : vector<5x128xf32> to vector<128xf32>
    %broadcast_in_dim3A_67 = vector.shape_cast %reduce_sum3A_66 : vector<128xf32> to vector<1x128xf32>
    %add3A_68 = vector.broadcast %broadcast_in_dim3A_67 : vector<1x128xf32> to vector<64x128xf32>
    %add3A_69 = arith.addf %add3A_62, %add3A_68 : vector<64x128xf32>
    %swap3A = arith.constant 0 : index
    %swap3A_70 = arith.constant 0 : index
    %swap3A_71 = vector.load %arg3[%swap3A, %swap3A_70] : memref<64x128xf32, #tpu.memory_space<vmem>>, vector<64x128xf32>
    tpu.vector_store %arg3[%swap3A, %swap3A_70], %add3A_69 {strides = array<i32>} : memref<64x128xf32, #tpu.memory_space<vmem>>, vector<64x128xf32>,
    return
  }
}

</mosaic_0001>

<sc_bundles>
// kernel: kernel.16.cloned.1.call-start
scs
__scs_entry_jumppad:
0x0: {  	(pc) =	sbr.rel $0x88, $3  }
0x1: {  	(tag) =	ssettag $0x0;
	lr =	simm.s32 $0x1  }
0x2: {  	[smem:$0x3F90] =	sst lr;
	_ =	strace $0xD0000000  }
0x3: {  	_ = 	snop  }
0x4: {  	_ = 	snop  }
0x5: {  	_ = 	snop  }
0x6: {  	_ = 	snop  }
0x7: {  	_ = 	snop  }
__scs_overlays_trampoline_lowered:
0x8: {  	[smem:$0x3F9F] =	sst s0  }
0x9: {  	[smem:$0x3FA0] =	sst s1  }
0xa: {  	[smem:$0x3FA1] =	sst s2  }
0xb: {  	[smem:$0x3FA2] =	sst s3  }
0xc: {  	[smem:$0x3FA3] =	sst s4  }
0xd: {  	[smem:$0x3FA4] =	sst s5  }
0xe: {  	[smem:$0x3FA5] =	sst s6  }
0xf: {  	[smem:$0x3FA6] =	sst s7  }
0x10: {  	[smem:$0x3FA7] =	sst s8  }
0x11: {  	[smem:$0x3FA8] =	sst s9;
	s0 =	simm.s32 @!p0 $0x0  }
0x12: {  	s1 =	sld [smem:$0x3F8E];
	s0 =	simm.s32 @p0 $0x1  }
0x13: {  	[smem:$0x3FA9] =	sst s0;
	s0 =	simm.s32 @!p1 $0x0  }
0x14: {  	s2 =	sld [smem:$0x3F8D];
	s0 =	simm.s32 @p1 $0x1  }
0x15: {  	[smem:$0x3FAA] =	sst s0;
	s0 =	simm.s32 @!p2 $0x0  }
0x16: {  	s3 =	sld [smem:$0x3FDB];
	s0 =	simm.s32 @p2 $0x1  }
0x17: {  	s4 =	simm.s32 $0x1BF5;
	[smem:$0x3FAC] =	sst s0  }
0x18: {  	s0 =	sld [smem:$0x3F8F];
	_ =	swait.ge [sflag:s4], $0x0  }
0x19: {  	s7 =	sld [smem:$0x3F90]  }
0x1a: {  	s8 =	sadd.s32 $0xFFFFE003, lr  }
0x1b: {  	s9 =	sadd.s32 $0xFFFFFEF7, lr;
	s5 =	simm.s32 $0xFFFFFFFF;
	p2 =	slt.u32 s8, $0xFFFFF086  }
0x1c: {  	p1 =	slt.u32 s9, $0xF7A;
	s5 =	simm.s32 @!p2 $0x0  }
0x1d: {  	s5 =	simm.s32 @p1 $0x1;
	p0 =	seq.s32 s7, s2  }
0x1e: {  	s7 =	smul.u32 @!p0 $0xF7A, s2;
	p2 =	seq.s32 @!p0 s5, $0x0  }
0x1f: {  	s9 =	smul.u32 $0xF7A, s1;
	s8 =	simm.s32 @!p0 $0x1BF5;
	p2 =	por !p2, p0  }
0x20: {  	[sflag:s8] =	ssyncset.s32 @!p0 $0xFFFFF086;
	s6 =	sadd.s32 @!p0 s3, s7;
	s7 =	simm.s32 @!p0 $0x108  }
0x21: {  	s3 =	sadd.s32 s3, s9;
	s6 =	sadd.s32 @!p0 $0x88, s6;
	s7 =	simm.s32 @p2 $0x1082  }
0x22: {  	[simem:s7], [sflag:s8] =	dma.local @!p0 [hbm:s6], $0xF7A  }
0x23: {  	s9 =	sor.u32 $0xD0000000, s2;
	s6 =	simm.s32 $0x108;
	_ =	swait.ge @!p0 [sflag:s8], $0x0  }
0x24: {  	s3 =	sadd.s32 $0x88, s3;
	s6 =	simm.s32 @!p1 $0x1082;
	[sflag:s4] =	ssyncset.s32 $0xFFFFF086  }
0x25: {  	[simem:s6], [sflag:s4] =	dma.local [hbm:s3], $0xF7A  }
0x26: {  	[smem:$0x3F90] =	sst s1;
	(tag) =	ssettag s2;
	_ =	strace s9  }
0x27: {  	s1 =	sld [smem:$0x3FA0]  }
0x28: {  	s2 =	sld [smem:$0x3FA1]  }
0x29: {  	s4 =	sld [smem:$0x3FA3]  }
0x2a: {  	p0 =	seq.s32 s5, $0x0;
	s5 =	sld [smem:$0x3FA4]  }
0x2b: {  	s6 =	sld [smem:$0x3FA5]  }
0x2c: {  	s7 =	sld [smem:$0x3FA6]  }
0x2d: {  	s3 =	simm.s32 $0x108;
	s8 =	sld [smem:$0x3FA7]  }
0x2e: {  	s3 =	simm.s32 @!p0 $0x1082;
	s9 =	sld [smem:$0x3FA8]  }
0x2f: {  	lr =	sadd.s32 s0, s3;
	s0 =	sld [smem:$0x3F9F]  }
0x30: {  	s3 =	sld [smem:$0x3FA2]  }
0x31: {  	[smem:$0x3FAB] =	sst s10  }
0x32: {  	s10 =	sld [smem:$0x3FA9];
	_ =	sdelay $0x3  }
0x33: {  	p0 =	seq.s32 s10, $0x1;
	s10 =	sld [smem:$0x3FAB];
	_ =	sdelay $0x3  }
0x34: {  	[smem:$0x3FAB] =	sst s10  }
0x35: {  	s10 =	sld [smem:$0x3FAA];
	_ =	sdelay $0x3  }
0x36: {  	p1 =	seq.s32 s10, $0x1;
	s10 =	sld [smem:$0x3FAB];
	_ =	sdelay $0x3  }
0x37: {  	[smem:$0x3FAB] =	sst s10  }
0x38: {  	s10 =	sld [smem:$0x3FAC]  }
0x39: {  	_ = 	snop;
	(pc) =	sbr.ind lr, $3  }
0x3a: {  	_ = 	snop  }
0x3b: {  	_ = 	snop  }
0x3c: {  	p2 =	seq.s32 s10, $0x1;
	s10 =	sld [smem:$0x3FAB]  }
0x3d: {  	_ =	shalt  }
0x3e: {  	_ =	shalt  }
0x3f: {  	_ =	shalt  }
0x40: {  	_ =	shalt  }
0x41: {  	_ =	shalt  }
0x42: {  	_ =	shalt  }
0x43: {  	_ =	shalt  }
0x44: {  	_ =	shalt  }
0x45: {  	_ =	shalt  }
0x46: {  	_ =	shalt  }
0x47: {  	_ =	shalt  }
0x48: {  	_ =	shalt  }
0x49: {  	_ =	shalt  }
0x4a: {  	_ =	shalt  }
0x4b: {  	_ =	shalt  }
0x4c: {  	_ =	shalt  }
0x4d: {  	_ =	shalt  }
0x4e: {  	_ =	shalt  }
0x4f: {  	_ =	shalt  }
0x50: {  	_ =	shalt  }
0x51: {  	_ =	shalt  }
0x52: {  	_ =	shalt  }
0x53: {  	_ =	shalt  }
0x54: {  	_ =	shalt  }
0x55: {  	_ =	shalt  }
0x56: {  	_ =	shalt  }
0x57: {  	_ =	shalt  }
0x58: {  	_ =	shalt  }
0x59: {  	_ =	shalt  }
0x5a: {  	_ =	shalt  }
0x5b: {  	_ =	shalt  }
0x5c: {  	_ =	shalt  }
0x5d: {  	_ =	shalt  }
0x5e: {  	_ =	shalt  }
0x5f: {  	_ =	shalt  }
0x60: {  	_ =	shalt  }
0x61: {  	_ =	shalt  }
0x62: {  	_ =	shalt  }
0x63: {  	_ =	shalt  }
0x64: {  	_ =	shalt  }
0x65: {  	_ =	shalt  }
0x66: {  	_ =	shalt  }
0x67: {  	_ =	shalt  }
0x68: {  	_ =	shalt  }
0x69: {  	_ =	shalt  }
0x6a: {  	_ =	shalt  }
0x6b: {  	_ =	shalt  }
0x6c: {  	_ =	shalt  }
0x6d: {  	_ =	shalt  }
0x6e: {  	_ =	shalt  }
0x6f: {  	_ =	shalt  }
0x70: {  	_ =	shalt  }
0x71: {  	_ =	shalt  }
0x72: {  	_ =	shalt  }
0x73: {  	_ =	shalt  }
0x74: {  	_ =	shalt  }
0x75: {  	_ =	shalt  }
0x76: {  	_ =	shalt  }
0x77: {  	_ =	shalt  }
0x78: {  	_ =	shalt  }
0x79: {  	_ =	shalt  }
0x7a: {  	_ =	shalt  }
0x7b: {  	_ =	shalt  }
0x7c: {  	_ =	shalt  }
0x7d: {  	_ =	shalt  }
0x7e: {  	_ =	shalt  }
0x7f: {  	_ =	shalt  }
0x80: {  	_ =	shalt  }
0x81: {  	_ =	shalt  }
0x82: {  	_ =	shalt  }
0x83: {  	_ =	shalt  }
0x84: {  	_ =	shalt  }
0x85: {  	_ =	shalt  }
0x86: {  	_ =	shalt  }
0x87: {  	_ =	shalt  }
.Lfunc_end0:
.L_simem_size_0:
called_computation_lowered:
.L_overlay_start_0:
0x88: {  	s2 =	sld [smem:$0x3FD9]  }
0x89: {  	s3 =	sld [smem:$0x3FFE];
	_ =	sdelay $0x1  }
0x8a: {  	s1 =	srdreg.scid  }
0x8b: {  	s0 =	sand.u32 $0x1, s1  }
0x8c: {  	s16 =	sshll.u32 s0, $0xA;
	s2 =	sadd.s32 s3, s2  }
0x8d: {  	s2 =	sadd.s32 s2, s16  }
0x8e: {  	[smem:$0x3FB7] =	sst s2  }
0x8f: {  	_ = 	snop  }
0x90: {  	(tm) =	ssettm $0x1  }
0x91: {  	s17 =	sld [smem:$0x3FFB];
	_ =	sdelay $0x3  }
0x92: {  	_ =	strace s17  }
0x93: {  	s2 =	sld [smem:$0x3FFC];
	_ =	sdelay $0x3  }
0x94: {  	_ =	strace s2  }
0x95: {  	s2 =	sld [smem:$0x3FFD];
	_ =	sdelay $0x3  }
0x96: {  	_ =	strace s2  }
0x97: {  	_ =	strace $0x8FFFFFFF  }
0x98: {  	s18 =	sld [smem:$0x3FDB];
	_ =	sdelay $0x1  }
0x99: {  	s19 =	simm.s32 $_scs_section_size  }
0x9a: {  	s4 =	simm.s32 $_size__tile_overlayer_lowered;
	s5 =	simm.s32 $_tile_overlayer_lowered  }
0x9b: {  	s22 =	simm.s32 $0x1BFF;
	s21 =	sshll.u32 s5, $0x1;
	s2 =	sadd.s32 s19, s18  }
0x9c: {  	s6 =	simm.s32 $0x0;
	s20 =	sshll.u32 s4, $0x1;
	s4 =	sadd.s32 s21, s2  }
0x9d: {  	[timem:s6], [sflag:s22] =	dma.local [hbm:s4], s20  }
0x9e: {  	_ =	swait.ge [sflag:s22], s20  }
0x9f: {  	s3 =	ssub.s32 $0x0, s20;
	[sflag:s22] =	ssyncset.done $0x0  }
0xa0: {  	[sflag:s22] =	ssyncadd.s32 s3;
	_ =	sdelay $0x1  }
0xa1: {  	s23 =	simm.s32 $0x1B8B  }
0xa2: {  	_ =	swait.ge [sflag:s23], $0x1  }
0xa3: {  	[sflag:s23] =	ssyncset.done $0x0  }
0xa4: {  	s25 =	simm.s32 $0x1B8E;
	s24 =	sld [smem:$0x3FFE];
	[sflag:s23] =	ssyncadd.s32 $0xFFFFFFFF  }
0xa5: {  	s26 =	simm.s32 $execute0_lowered;
	[smem:$0x3FD2] =	sst s25  }
0xa6: {  	s4 =	sshll.u32 s26, $0x1;
	_ =	strace $0x80000046;
	[dreg:$0x1] =	wrdreg $0xFFFFFFFF  }
0xa7: {  	s28 =	simm.s32 $_size_execute0_lowered;
	s2 =	sadd.s32 s2, s4;
	[dreg:$0x0] =	wrdreg $0x0  }
0xa8: {  	s4 =	sshll.u32 s28, $0x1;
	[dreg:$0x2] =	wrdreg s2  }
0xa9: {  	[dreg:$0x3] =	wrdreg s4  }
0xaa: {  	[dreg:$0x4] =	wrdreg $0xC0  }
0xab: {  	_ =	task [dreg:s6], $0x5FFFF  }
0xac: {  	[dreg:$0x1] =	wrdreg $0xFFFFFFFF  }
0xad: {  	[dreg:$0x0] =	wrdreg $0x60  }
0xae: {  	[dreg:$0x2] =	wrdreg s24  }
0xaf: {  	[dreg:$0x3] =	wrdreg $0x81000  }
0xb0: {  	[dreg:$0x4] =	wrdreg $0x9  }
0xb1: {  	_ =	task.clear_ibuf [dreg:s6], $0x5FFFF;
	_ =	strace $0x90000046  }
0xb2: {  	s29 =	simm.s32 $0x9;
	_ =	strace $0x80000048  }
0xb3: {  	_ =	swait.ge [sflag:s29], $0x1  }
0xb4: {  	[sflag:s29] =	ssyncadd.s32 $0xFFFFFFFF  }
0xb5: {  	_ =	strace $0x90000048  }
0xb6: {  	_ =	sfence  }
0xb7: {  	s30 =	sld [smem:$0x0];
	_ =	sdelay $0x2  }
0xb8: {  	s31 =	sshll.u32 s1, $0xD;
	s1 =	sshrl.u32 s1, $0x2  }
0xb9: {  	s3 =	sand.u32 $0x4000, s31;
	s1 =	sadd.s32 s1, s30  }
0xba: {  	s0 =	sor.u32 s3, s0;
	s1 =	sshll.u32 s1, $0x11  }
0xbb: {  	s0 =	sor.u32 s1, s0  }
0xbc: {  	s0 =	sadd.s32 $0x8F2B, s0  }
0xbd: {  	[sflag:s0] =	ssyncadd.remote.s32 $0x1  }
0xbe: {  	_ =	sfence.sel $0xFFFF  }
0xbf: {  	[dreg:$0x0] =	wrdreg $0xFFFFFFFF;
	(pc) =	sbr.abs _section_cstart, $3  }
0xc0: {  	[dreg:$0x1] =	wrdreg $0xFFFFFFFF  }
0xc1: {  	_ =	task.clear_ibuf [dreg:s6], $0x2FFFF;
	_ =	strace $0x9FFFFFFF  }
0xc2: {  	(tm) =	ssettm $0x7FFFFFFF  }
0xc3: {  	_ =	shalt  }
tec
execute0_lowered:
.L_overlay_start_1:
0x0: {  	(tag) =	ssettag $0x1  }
0x1: {  	s8 =	rddreg [dreg:$0x0]  }
0x2: {  	s2 =	rddreg [dreg:$0x1]  }
0x3: {  	s0 =	rddreg [dreg:$0x2];
	s3 =	simm.s32 $0x0;
	s1 =	stileid.u32  }
0x4: {  	s4 =	srdreg.scid;
	s16 =	simm.s32 $0x100;
	s17 =	simm.s32 $0x4100  }
0x5: {  	s18 =	simm.s32 $0x1;
	s23 =	simm.s32 $0x0;
	[smem:$0x7FF] =	sst s3  }
0x6: {  	s9 =	smul.u32 $0x14000, s1;
	s10 =	sand.u32 $0x1, s4;
	s4 =	sadd.s32 $0x8000, s8  }
0x7: {  	s5 =	sadd.s32 $0x39E00, s8;
	s6 =	sadd.s32 $0x30000, s8;
	s7 =	sadd.s32 $0x43C00, s8  }
0x8: {  	s13 =	smul.u32 $0x50000, s1;
	s30 =	sshll.u32 s1, $0x1;
	s31 =	sshll.u32 s1, $0x6  }
0x9: {  	_ =	strace $0x80000047;
	s11 =	smul.u32 $0x140000, s10;
	s28 =	ssub.s32 $0x2, s10  }
0xa: {  	s10 =	sor.u32 s10, s30;
	s12 =	sshrl.u32 s9, $0x3;
	s14 =	sshrl.u32 s28, $0x1  }
0xb: {  	s29 =	sshrl.u32 s13, $0x2;
	s10 =	smul.u32 $0x4F, s10;
	s9 =	sadd.s32 s9, s11  }
0xc: {  	s12 =	sadd.s32 s12, s8;
	s13 =	sadd.s32 s29, s2;
	s9 =	sshrl.u32 s9, $0x3  }
0xd: {  	s14 =	ssub.s32 s28, s14;
	s13 =	sshrl.u32 s13, $0x3;
	s15 =	sadd.s32 s9, s8  }
0xe: {  	s8 =	sadd.s32 $0x533C00, s12;
	s9 =	sor.u32 $0x1C02, s31;
	s12 =	smax.u32 s14, $0x1  }
0xf: {  	s14 =	simm.s32 $0x2;
	s11 =	sadd.s32 $0x55BC00, s15;
	s15 =	simm.s32 $0x80  }
.LBB2_1:
0x10: {  	[spmem:s13], [sflag:s9] =	dma.local [hbm:s8], $0x2800  }
0x11: {  	_ =	swait.ge [sflag:s14], $0x2800  }
0x12: {  	[sflag:s14] =	ssyncset.done $0x0  }
0x13: {  	[sflag:s14] =	ssyncadd.s32 $0xFFFFD800  }
0x14: {  	s19 =	simm.s32 $0x0;
	[bflag:$0x0] =	sbarrier.arrive $0xFFFF  }
.LBB2_2:
0x15: {  	s20 =	sadd.s32 s10, s19  }
0x16: {  	s21 =	sshll.u32 s20, $0x4  }
0x17: {  	s22 =	sadd.s32 s5, s21  }
0x18: {  	[tilespmem:s23], [sflag:$0x2] =	stream.linear.gather [hbm4b:s22+s23], $0x80, $0x38;
	[tilespmem:$0x1C100] =	vst v63  }
0x19: {  	_ =	swait.ge [sflag:s14], $0x80  }
0x1a: {  	[sflag:s14] =	ssyncset.done $0x0  }
0x1b: {  	s21 =	sadd.s32 s6, s21;
	[sflag:s14] =	ssyncadd.s32 $0xFFFFFF80  }
0x1c: {  	[tilespmem:s15], [sflag:$0x2] =	stream.linear.gather [hbm4b:s21+s23], $0x80, $0x38;
	[tilespmem:$0x1C100] =	vst v63  }
0x1d: {  	_ =	swait.ge [sflag:s14], $0x80  }
0x1e: {  	s20 =	sshll.u32 s20, $0xB;
	[sflag:s14] =	ssyncset.done $0x0  }
0x1f: {  	s20 =	sadd.s32 s7, s20;
	[sflag:s14] =	ssyncadd.s32 $0xFFFFFF80  }
0x20: {  	[tilespmem:s16], [sflag:$0x2] =	stream.linear.gather [hbm4b:s20+s23], $0x4000, $0x38;
	[tilespmem:$0x1C100] =	vst v63  }
0x21: {  	_ =	swait.ge [sflag:s14], $0x4000  }
0x22: {  	[sflag:s14] =	ssyncset.done $0x0  }
0x23: {  	[sflag:s14] =	ssyncadd.s32 $0xFFFFC000  }
0x24: {  	[tilespmem:s17], [sflag:$0x1] =	stream.indirect.gather [hbm4b:s4+s15], $0x80, s23, s15, $0xb8;
	[tilespmem:$0x1C100] =	vst v63  }
0x25: {  	_ =	swait.ge [sflag:s18], $0x4000  }
0x26: {  	[sflag:s18] =	ssyncset.done $0x0  }
0x27: {  	s20 =	simm.s32 $0x0;
	[sflag:s18] =	ssyncadd.s32 $0xFFFFC000  }
0x28: {  	v0 =	vld [tilespmem:s20+$0x100]  }
0x29: {  	v4 =	vld [tilespmem:s20+$0x4100]  }
0x2a: {  	v6 =	vld [tilespmem:s20+$0x4110]  }
0x2b: {  	v5 =	vld [tilespmem:s20+$0x4120]  }
0x2c: {  	v3 =	vld [tilespmem:s20+$0x4130]  }
0x2d: {  	v1 =	vld [tilespmem:s20+$0x4140]  }
0x2e: {  	v2 =	vld [tilespmem:s20+$0x4150];
	v7 =	vmul.f32 v4, v0  }
0x2f: {  	s21 =	simm.s32 $0x200;
	v6 =	vmul.f32 v6, v0;
	v4 =	vld [tilespmem:s20+$0x4160]  }
.LBB2_3:
0x30: {  	s22 =	sshra.s32 s21, $0x2;
	p0 =	sne.s32 s21, $0xFE00;
	[tilespmem:s20+$0x4100] =	vst v7;
	v5 =	vmul.f32 v5, v0;
	v7 =	vld [tilespmem:s20+$0x4170]  }
0x31: {  	v8 =	vld [tilespmem:s22+$0x100];
	[tilespmem:s20+$0x4110] =	vst v6;
	v3 =	vmul.f32 v3, v0  }
0x32: {  	v6 =	vld [tilespmem:s22+$0x4100];
	[tilespmem:s20+$0x4120] =	vst v5;
	v1 =	vmul.f32 v1, v0  }
0x33: {  	v9 =	vld [tilespmem:s22+$0x4110];
	[tilespmem:s20+$0x4130] =	vst v3;
	v2 =	vmul.f32 v2, v0  }
.Ltmp0:
0x34: {  	v5 =	vld [tilespmem:s22+$0x4120];
	[tilespmem:s20+$0x4140] =	vst v1;
	v4 =	vmul.f32 v4, v0;
	(pc) =	sbr.rel @p0 .LBB2_3-.Ltmp0, $4  }
0x35: {  	v3 =	vld [tilespmem:s22+$0x4130];
	[tilespmem:s20+$0x4150] =	vst v2;
	v10 =	vmul.f32 v7, v0  }
0x36: {  	v1 =	vld [tilespmem:s22+$0x4140];
	[tilespmem:s20+$0x4160] =	vst v4;
	v0 =	vmov v8  }
0x37: {  	v7 =	vmul.f32 v6, v0;
	v2 =	vld [tilespmem:s22+$0x4150];
	[tilespmem:s20+$0x4170] =	vst v10;
	s20 =	smov.u32 s22  }
0x38: {  	s21 =	sadd.s32 $0x200, s21;
	v6 =	vmul.f32 v9, v0;
	v4 =	vld [tilespmem:s20+$0x4160]  }
0x39: {  	[tilespmem:s20+$0x4100] =	vst v7;
	v5 =	vmul.f32 v5, v0;
	v61 =	vld [tilespmem:s20+$0x4170]  }
0x3a: {  	[tilespmem:s20+$0x4110] =	vst v6;
	v3 =	vmul.f32 v3, v0  }
0x3b: {  	[tilespmem:s20+$0x4120] =	vst v5;
	v1 =	vmul.f32 v1, v0  }
0x3c: {  	[tilespmem:s20+$0x4130] =	vst v3;
	v2 =	vmul.f32 v2, v0  }
0x3d: {  	[tilespmem:s20+$0x4140] =	vst v1;
	v62 =	vmul.f32 v4, v0  }
0x3e: {  	s19 =	sadd.s32 $0x1, s19;
	[tilespmem:s20+$0x4150] =	vst v2;
	v63 =	vmul.f32 v61, v0  }
0x3f: {  	p0 =	sne.s32 s19, $0x4F;
	[tilespmem:s20+$0x4160] =	vst v62  }
.Ltmp1:
0x40: {  	[tilespmem:s20+$0x4170] =	vst v63;
	(pc) =	sbr.rel @p0 .LBB2_2-.Ltmp1, $4  }
0x41: {  	[spmem:s2] =	stream.indirect.scatter.add.f32 [tilespmem:s17], [sflag:$0x2], $0x80, s15, s15, $0xb8;
	[tilespmem:$0x1C100] =	vst v63  }
0x42: {  	_ =	swait.ge [sflag:s14], $0x4000  }
0x43: {  	[sflag:s14] =	ssyncset.done $0x0  }
0x44: {  	[sflag:s14] =	ssyncadd.s32 $0xFFFFC000  }
0x45: {  	s3 =	sadd.s32 $0x1, s3  }
0x46: {  	p0 =	sne.s32 s3, s12  }
.Ltmp2:
0x47: {  	[bflag:$0x0] =	sbarrier.arrive $0xFFFF;
	(pc) =	sbr.rel @p0 .LBB2_1-.Ltmp2, $4  }
0x48: {  	[hbm:s11], [sflag:s9] =	dma.local [spmem:s13], $0x2800  }
0x49: {  	_ =	swait.ge [sflag:s14], $0x2800  }
0x4a: {  	[sflag:s14] =	ssyncset.done $0x0  }
0x4b: {  	[sflag:s14] =	ssyncadd.s32 $0xFFFFD800  }
0x4c: {  	_ =	sfence.sel $0x180000  }
0x4d: {  	[bflag:$0x0] =	sbarrier.arrive $0xFFFF  }
0x4e: {  	p0 =	sne.s32 s1, $0x0;
	_ =	strace $0x90000047  }
0x4f: {  	s0 =	sadd.s32 @!p0 $0x100000, s0;
	[bflag:$0x2] =	sbarrier.arrive $0xFFFF  }
0x50: {  	[sflag:s0] =	ssyncadd.tile.s32 @!p0 $0x1;
	_ =	shalt  }
.Lfunc_end2:
_tile_overlayer_lowered:
.L_overlay_start_2:
0x51: {  	(tag) =	ssettag $0x2  }
0x52: {  	s0 =	rddreg [dreg:$0x0];
	s2 =	stileid.u32  }
0x53: {  	s1 =	rddreg [dreg:$0x1];
	p0 =	sne.s32 s2, $0x0  }
0x54: {  	s3 =	rddreg [dreg:$0x2];
	[bflag:$0x3] =	sbarrier.arrive $0xFFFF;
	s2 =	simm.s32 @!p0 $0x1C02  }
0x55: {  	[timem:s3], [sflag:s2] =	dma.local @!p0 [hbm:s0], s1  }
0x56: {  	s0 =	simm.s32 @!p0 $0x2  }
0x57: {  	_ =	swait.ge @!p0 [sflag:s0], s1  }
0x58: {  	s1 =	ssub.s32 @!p0 $0x0, s1;
	[sflag:s0] =	ssyncset.done @!p0 $0x0  }
0x59: {  	[sflag:s0] =	ssyncadd.s32 @!p0 s1  }
0x5a: {  	[bflag:$0x3] =	sbarrier.arrive $0xFFFF  }
0x5b: {  	_ =	shalt  }

// kernel: kernel.19.cloned.1.call-start
scs
__scs_entry_jumppad:
0x0: {  	(pc) =	sbr.rel $0x88, $3  }
0x1: {  	(tag) =	ssettag $0x0;
	lr =	simm.s32 $0x1  }
0x2: {  	[smem:$0x3F90] =	sst lr;
	_ =	strace $0xD0000000  }
0x3: {  	_ = 	snop  }
0x4: {  	_ = 	snop  }
0x5: {  	_ = 	snop  }
0x6: {  	_ = 	snop  }
0x7: {  	_ = 	snop  }
__scs_overlays_trampoline_lowered:
0x8: {  	[smem:$0x3F9F] =	sst s0  }
0x9: {  	[smem:$0x3FA0] =	sst s1  }
0xa: {  	[smem:$0x3FA1] =	sst s2  }
0xb: {  	[smem:$0x3FA2] =	sst s3  }
0xc: {  	[smem:$0x3FA3] =	sst s4  }
0xd: {  	[smem:$0x3FA4] =	sst s5  }
0xe: {  	[smem:$0x3FA5] =	sst s6  }
0xf: {  	[smem:$0x3FA6] =	sst s7  }
0x10: {  	[smem:$0x3FA7] =	sst s8  }
0x11: {  	[smem:$0x3FA8] =	sst s9;
	s0 =	simm.s32 @!p0 $0x0  }
0x12: {  	s1 =	sld [smem:$0x3F8E];
	s0 =	simm.s32 @p0 $0x1  }
0x13: {  	[smem:$0x3FA9] =	sst s0;
	s0 =	simm.s32 @!p1 $0x0  }
0x14: {  	s2 =	sld [smem:$0x3F8D];
	s0 =	simm.s32 @p1 $0x1  }
0x15: {  	[smem:$0x3FAA] =	sst s0;
	s0 =	simm.s32 @!p2 $0x0  }
0x16: {  	s3 =	sld [smem:$0x3FDB];
	s0 =	simm.s32 @p2 $0x1  }
0x17: {  	s4 =	simm.s32 $0x1BF5;
	[smem:$0x3FAC] =	sst s0  }
0x18: {  	s0 =	sld [smem:$0x3F8F];
	_ =	swait.ge [sflag:s4], $0x0  }
0x19: {  	s7 =	sld [smem:$0x3F90]  }
0x1a: {  	s8 =	sadd.s32 $0xFFFFE003, lr  }
0x1b: {  	s9 =	sadd.s32 $0xFFFFFEF7, lr;
	s5 =	simm.s32 $0xFFFFFFFF;
	p2 =	slt.u32 s8, $0xFFFFF086  }
0x1c: {  	p1 =	slt.u32 s9, $0xF7A;
	s5 =	simm.s32 @!p2 $0x0  }
0x1d: {  	s5 =	simm.s32 @p1 $0x1;
	p0 =	seq.s32 s7, s2  }
0x1e: {  	s7 =	smul.u32 @!p0 $0xF7A, s2;
	p2 =	seq.s32 @!p0 s5, $0x0  }
0x1f: {  	s9 =	smul.u32 $0xF7A, s1;
	s8 =	simm.s32 @!p0 $0x1BF5;
	p2 =	por !p2, p0  }
0x20: {  	[sflag:s8] =	ssyncset.s32 @!p0 $0xFFFFF086;
	s6 =	sadd.s32 @!p0 s3, s7;
	s7 =	simm.s32 @!p0 $0x108  }
0x21: {  	s3 =	sadd.s32 s3, s9;
	s6 =	sadd.s32 @!p0 $0x88, s6;
	s7 =	simm.s32 @p2 $0x1082  }
0x22: {  	[simem:s7], [sflag:s8] =	dma.local @!p0 [hbm:s6], $0xF7A  }
0x23: {  	s9 =	sor.u32 $0xD0000000, s2;
	s6 =	simm.s32 $0x108;
	_ =	swait.ge @!p0 [sflag:s8], $0x0  }
0x24: {  	s3 =	sadd.s32 $0x88, s3;
	s6 =	simm.s32 @!p1 $0x1082;
	[sflag:s4] =	ssyncset.s32 $0xFFFFF086  }
0x25: {  	[simem:s6], [sflag:s4] =	dma.local [hbm:s3], $0xF7A  }
0x26: {  	[smem:$0x3F90] =	sst s1;
	(tag) =	ssettag s2;
	_ =	strace s9  }
0x27: {  	s1 =	sld [smem:$0x3FA0]  }
0x28: {  	s2 =	sld [smem:$0x3FA1]  }
0x29: {  	s4 =	sld [smem:$0x3FA3]  }
0x2a: {  	p0 =	seq.s32 s5, $0x0;
	s5 =	sld [smem:$0x3FA4]  }
0x2b: {  	s6 =	sld [smem:$0x3FA5]  }
0x2c: {  	s7 =	sld [smem:$0x3FA6]  }
0x2d: {  	s3 =	simm.s32 $0x108;
	s8 =	sld [smem:$0x3FA7]  }
0x2e: {  	s3 =	simm.s32 @!p0 $0x1082;
	s9 =	sld [smem:$0x3FA8]  }
0x2f: {  	lr =	sadd.s32 s0, s3;
	s0 =	sld [smem:$0x3F9F]  }
0x30: {  	s3 =	sld [smem:$0x3FA2]  }
0x31: {  	[smem:$0x3FAB] =	sst s10  }
0x32: {  	s10 =	sld [smem:$0x3FA9];
	_ =	sdelay $0x3  }
0x33: {  	p0 =	seq.s32 s10, $0x1;
	s10 =	sld [smem:$0x3FAB];
	_ =	sdelay $0x3  }
0x34: {  	[smem:$0x3FAB] =	sst s10  }
0x35: {  	s10 =	sld [smem:$0x3FAA];
	_ =	sdelay $0x3  }
0x36: {  	p1 =	seq.s32 s10, $0x1;
	s10 =	sld [smem:$0x3FAB];
	_ =	sdelay $0x3  }
0x37: {  	[smem:$0x3FAB] =	sst s10  }
0x38: {  	s10 =	sld [smem:$0x3FAC]  }
0x39: {  	_ = 	snop;
	(pc) =	sbr.ind lr, $3  }
0x3a: {  	_ = 	snop  }
0x3b: {  	_ = 	snop  }
0x3c: {  	p2 =	seq.s32 s10, $0x1;
	s10 =	sld [smem:$0x3FAB]  }
0x3d: {  	_ =	shalt  }
0x3e: {  	_ =	shalt  }
0x3f: {  	_ =	shalt  }
0x40: {  	_ =	shalt  }
0x41: {  	_ =	shalt  }
0x42: {  	_ =	shalt  }
0x43: {  	_ =	shalt  }
0x44: {  	_ =	shalt  }
0x45: {  	_ =	shalt  }
0x46: {  	_ =	shalt  }
0x47: {  	_ =	shalt  }
0x48: {  	_ =	shalt  }
0x49: {  	_ =	shalt  }
0x4a: {  	_ =	shalt  }
0x4b: {  	_ =	shalt  }
0x4c: {  	_ =	shalt  }
0x4d: {  	_ =	shalt  }
0x4e: {  	_ =	shalt  }
0x4f: {  	_ =	shalt  }
0x50: {  	_ =	shalt  }
0x51: {  	_ =	shalt  }
0x52: {  	_ =	shalt  }
0x53: {  	_ =	shalt  }
0x54: {  	_ =	shalt  }
0x55: {  	_ =	shalt  }
0x56: {  	_ =	shalt  }
0x57: {  	_ =	shalt  }
0x58: {  	_ =	shalt  }
0x59: {  	_ =	shalt  }
0x5a: {  	_ =	shalt  }
0x5b: {  	_ =	shalt  }
0x5c: {  	_ =	shalt  }
0x5d: {  	_ =	shalt  }
0x5e: {  	_ =	shalt  }
0x5f: {  	_ =	shalt  }
0x60: {  	_ =	shalt  }
0x61: {  	_ =	shalt  }
0x62: {  	_ =	shalt  }
0x63: {  	_ =	shalt  }
0x64: {  	_ =	shalt  }
0x65: {  	_ =	shalt  }
0x66: {  	_ =	shalt  }
0x67: {  	_ =	shalt  }
0x68: {  	_ =	shalt  }
0x69: {  	_ =	shalt  }
0x6a: {  	_ =	shalt  }
0x6b: {  	_ =	shalt  }
0x6c: {  	_ =	shalt  }
0x6d: {  	_ =	shalt  }
0x6e: {  	_ =	shalt  }
0x6f: {  	_ =	shalt  }
0x70: {  	_ =	shalt  }
0x71: {  	_ =	shalt  }
0x72: {  	_ =	shalt  }
0x73: {  	_ =	shalt  }
0x74: {  	_ =	shalt  }
0x75: {  	_ =	shalt  }
0x76: {  	_ =	shalt  }
0x77: {  	_ =	shalt  }
0x78: {  	_ =	shalt  }
0x79: {  	_ =	shalt  }
0x7a: {  	_ =	shalt  }
0x7b: {  	_ =	shalt  }
0x7c: {  	_ =	shalt  }
0x7d: {  	_ =	shalt  }
0x7e: {  	_ =	shalt  }
0x7f: {  	_ =	shalt  }
0x80: {  	_ =	shalt  }
0x81: {  	_ =	shalt  }
0x82: {  	_ =	shalt  }
0x83: {  	_ =	shalt  }
0x84: {  	_ =	shalt  }
0x85: {  	_ =	shalt  }
0x86: {  	_ =	shalt  }
0x87: {  	_ =	shalt  }
.Lfunc_end0:
.L_simem_size_0:
called_computation.1_lowered:
.L_overlay_start_0:
0x88: {  	s2 =	sld [smem:$0x3FD9]  }
0x89: {  	s3 =	sld [smem:$0x3FFE];
	_ =	sdelay $0x1  }
0x8a: {  	s1 =	srdreg.scid  }
0x8b: {  	s0 =	sand.u32 $0x1, s1  }
0x8c: {  	s16 =	sshll.u32 s0, $0xA;
	s2 =	sadd.s32 s3, s2  }
0x8d: {  	s2 =	sadd.s32 s2, s16  }
0x8e: {  	[smem:$0x3FB7] =	sst s2  }
0x8f: {  	_ = 	snop  }
0x90: {  	(tm) =	ssettm $0x1  }
0x91: {  	s17 =	sld [smem:$0x3FFB];
	_ =	sdelay $0x3  }
0x92: {  	_ =	strace s17  }
0x93: {  	s2 =	sld [smem:$0x3FFC];
	_ =	sdelay $0x3  }
0x94: {  	_ =	strace s2  }
0x95: {  	s2 =	sld [smem:$0x3FFD];
	_ =	sdelay $0x3  }
0x96: {  	_ =	strace s2  }
0x97: {  	_ =	strace $0x8FFFFFFF  }
0x98: {  	s18 =	sld [smem:$0x3FDB];
	_ =	sdelay $0x1  }
0x99: {  	s19 =	simm.s32 $_scs_section_size  }
0x9a: {  	s4 =	simm.s32 $_size__tile_overlayer_lowered;
	s5 =	simm.s32 $_tile_overlayer_lowered  }
0x9b: {  	s22 =	simm.s32 $0x1BFF;
	s21 =	sshll.u32 s5, $0x1;
	s2 =	sadd.s32 s19, s18  }
0x9c: {  	s6 =	simm.s32 $0x0;
	s20 =	sshll.u32 s4, $0x1;
	s4 =	sadd.s32 s21, s2  }
0x9d: {  	[timem:s6], [sflag:s22] =	dma.local [hbm:s4], s20  }
0x9e: {  	_ =	swait.ge [sflag:s22], s20  }
0x9f: {  	s3 =	ssub.s32 $0x0, s20;
	[sflag:s22] =	ssyncset.done $0x0  }
0xa0: {  	[sflag:s22] =	ssyncadd.s32 s3;
	_ =	sdelay $0x1  }
0xa1: {  	s23 =	simm.s32 $0x1B8B  }
0xa2: {  	_ =	swait.ge [sflag:s23], $0x1  }
0xa3: {  	[sflag:s23] =	ssyncset.done $0x0  }
0xa4: {  	s25 =	simm.s32 $0x1B8E;
	s24 =	sld [smem:$0x3FFE];
	[sflag:s23] =	ssyncadd.s32 $0xFFFFFFFF  }
0xa5: {  	s26 =	simm.s32 $execute0_lowered;
	[smem:$0x3FD2] =	sst s25  }
0xa6: {  	s4 =	sshll.u32 s26, $0x1;
	_ =	strace $0x80000049;
	[dreg:$0x1] =	wrdreg $0xFFFFFFFF  }
0xa7: {  	s28 =	simm.s32 $_size_execute0_lowered;
	s2 =	sadd.s32 s2, s4;
	[dreg:$0x0] =	wrdreg $0x0  }
0xa8: {  	s4 =	sshll.u32 s28, $0x1;
	[dreg:$0x2] =	wrdreg s2  }
0xa9: {  	[dreg:$0x3] =	wrdreg s4  }
0xaa: {  	[dreg:$0x4] =	wrdreg $0xC0  }
0xab: {  	_ =	task [dreg:s6], $0x5FFFF  }
0xac: {  	[dreg:$0x1] =	wrdreg $0xFFFFFFFF  }
0xad: {  	[dreg:$0x0] =	wrdreg $0x60  }
0xae: {  	[dreg:$0x2] =	wrdreg s24  }
0xaf: {  	[dreg:$0x3] =	wrdreg $0x81000  }
0xb0: {  	[dreg:$0x4] =	wrdreg $0x9  }
0xb1: {  	_ =	task.clear_ibuf [dreg:s6], $0x5FFFF;
	_ =	strace $0x90000049  }
0xb2: {  	s29 =	simm.s32 $0x9;
	_ =	strace $0x8000004B  }
0xb3: {  	_ =	swait.ge [sflag:s29], $0x1  }
0xb4: {  	[sflag:s29] =	ssyncadd.s32 $0xFFFFFFFF  }
0xb5: {  	_ =	strace $0x9000004B  }
0xb6: {  	_ =	sfence  }
0xb7: {  	s30 =	sld [smem:$0x0];
	_ =	sdelay $0x2  }
0xb8: {  	s31 =	sshll.u32 s1, $0xD;
	s1 =	sshrl.u32 s1, $0x2  }
0xb9: {  	s3 =	sand.u32 $0x4000, s31;
	s1 =	sadd.s32 s1, s30  }
0xba: {  	s0 =	sor.u32 s3, s0;
	s1 =	sshll.u32 s1, $0x11  }
0xbb: {  	s0 =	sor.u32 s1, s0  }
0xbc: {  	s0 =	sadd.s32 $0x8F2B, s0  }
0xbd: {  	[sflag:s0] =	ssyncadd.remote.s32 $0x1  }
0xbe: {  	_ =	sfence.sel $0xFFFF  }
0xbf: {  	[dreg:$0x0] =	wrdreg $0xFFFFFFFF;
	(pc) =	sbr.abs _section_cstart, $3  }
0xc0: {  	[dreg:$0x1] =	wrdreg $0xFFFFFFFF  }
0xc1: {  	_ =	task.clear_ibuf [dreg:s6], $0x2FFFF;
	_ =	strace $0x9FFFFFFF  }
0xc2: {  	(tm) =	ssettm $0x7FFFFFFF  }
0xc3: {  	_ =	shalt  }
tec
execute0_lowered:
.L_overlay_start_1:
0x0: {  	(tag) =	ssettag $0x1  }
0x1: {  	s8 =	rddreg [dreg:$0x0]  }
0x2: {  	s2 =	rddreg [dreg:$0x1]  }
0x3: {  	s0 =	rddreg [dreg:$0x2];
	s3 =	simm.s32 $0x0;
	s1 =	stileid.u32  }
0x4: {  	s4 =	srdreg.scid;
	s16 =	simm.s32 $0x100;
	s17 =	simm.s32 $0x4100  }
0x5: {  	s18 =	simm.s32 $0x1;
	s23 =	simm.s32 $0x0;
	[smem:$0x7FF] =	sst s3  }
0x6: {  	s9 =	smul.u32 $0x14000, s1;
	s10 =	sand.u32 $0x1, s4;
	s4 =	sadd.s32 $0x8000, s8  }
0x7: {  	s5 =	sadd.s32 $0x39E00, s8;
	s6 =	sadd.s32 $0x30000, s8;
	s7 =	sadd.s32 $0x43C00, s8  }
0x8: {  	s13 =	smul.u32 $0x50000, s1;
	s30 =	sshll.u32 s1, $0x1;
	s31 =	sshll.u32 s1, $0x6  }
0x9: {  	_ =	strace $0x8000004A;
	s11 =	smul.u32 $0x140000, s10;
	s28 =	ssub.s32 $0x2, s10  }
0xa: {  	s10 =	sor.u32 s10, s30;
	s12 =	sshrl.u32 s9, $0x3;
	s14 =	sshrl.u32 s28, $0x1  }
0xb: {  	s29 =	sshrl.u32 s13, $0x2;
	s10 =	smul.u32 $0x4F, s10;
	s9 =	sadd.s32 s9, s11  }
0xc: {  	s12 =	sadd.s32 s12, s8;
	s13 =	sadd.s32 s29, s2;
	s9 =	sshrl.u32 s9, $0x3  }
0xd: {  	s14 =	ssub.s32 s28, s14;
	s13 =	sshrl.u32 s13, $0x3;
	s15 =	sadd.s32 s9, s8  }
0xe: {  	s8 =	sadd.s32 $0x533C00, s12;
	s9 =	sor.u32 $0x1C02, s31;
	s12 =	smax.u32 s14, $0x1  }
0xf: {  	s14 =	simm.s32 $0x2;
	s11 =	sadd.s32 $0x5ECE00, s15;
	s15 =	simm.s32 $0x80  }
.LBB2_1:
0x10: {  	[spmem:s13], [sflag:s9] =	dma.local [hbm:s8], $0x2800  }
0x11: {  	_ =	swait.ge [sflag:s14], $0x2800  }
0x12: {  	[sflag:s14] =	ssyncset.done $0x0  }
0x13: {  	[sflag:s14] =	ssyncadd.s32 $0xFFFFD800  }
0x14: {  	s19 =	simm.s32 $0x0;
	[bflag:$0x0] =	sbarrier.arrive $0xFFFF  }
.LBB2_2:
0x15: {  	s20 =	sadd.s32 s10, s19  }
0x16: {  	s21 =	sshll.u32 s20, $0x4  }
0x17: {  	s22 =	sadd.s32 s5, s21  }
0x18: {  	[tilespmem:s23], [sflag:$0x2] =	stream.linear.gather [hbm4b:s22+s23], $0x80, $0x38;
	[tilespmem:$0x1C100] =	vst v63  }
0x19: {  	_ =	swait.ge [sflag:s14], $0x80  }
0x1a: {  	[sflag:s14] =	ssyncset.done $0x0  }
0x1b: {  	s21 =	sadd.s32 s6, s21;
	[sflag:s14] =	ssyncadd.s32 $0xFFFFFF80  }
0x1c: {  	[tilespmem:s15], [sflag:$0x2] =	stream.linear.gather [hbm4b:s21+s23], $0x80, $0x38;
	[tilespmem:$0x1C100] =	vst v63  }
0x1d: {  	_ =	swait.ge [sflag:s14], $0x80  }
0x1e: {  	s20 =	sshll.u32 s20, $0xB;
	[sflag:s14] =	ssyncset.done $0x0  }
0x1f: {  	s20 =	sadd.s32 s7, s20;
	[sflag:s14] =	ssyncadd.s32 $0xFFFFFF80  }
0x20: {  	[tilespmem:s16], [sflag:$0x2] =	stream.linear.gather [hbm4b:s20+s23], $0x4000, $0x38;
	[tilespmem:$0x1C100] =	vst v63  }
0x21: {  	_ =	swait.ge [sflag:s14], $0x4000  }
0x22: {  	[sflag:s14] =	ssyncset.done $0x0  }
0x23: {  	[sflag:s14] =	ssyncadd.s32 $0xFFFFC000  }
0x24: {  	[tilespmem:s17], [sflag:$0x1] =	stream.indirect.gather [hbm4b:s4+s15], $0x80, s23, s15, $0xb8;
	[tilespmem:$0x1C100] =	vst v63  }
0x25: {  	_ =	swait.ge [sflag:s18], $0x4000  }
0x26: {  	[sflag:s18] =	ssyncset.done $0x0  }
0x27: {  	s20 =	simm.s32 $0x0;
	[sflag:s18] =	ssyncadd.s32 $0xFFFFC000  }
0x28: {  	v0 =	vld [tilespmem:s20+$0x100]  }
0x29: {  	v4 =	vld [tilespmem:s20+$0x4100]  }
0x2a: {  	v6 =	vld [tilespmem:s20+$0x4110]  }
0x2b: {  	v5 =	vld [tilespmem:s20+$0x4120]  }
0x2c: {  	v3 =	vld [tilespmem:s20+$0x4130]  }
0x2d: {  	v1 =	vld [tilespmem:s20+$0x4140]  }
0x2e: {  	v2 =	vld [tilespmem:s20+$0x4150];
	v7 =	vmul.f32 v4, v0  }
0x2f: {  	s21 =	simm.s32 $0x200;
	v6 =	vmul.f32 v6, v0;
	v4 =	vld [tilespmem:s20+$0x4160]  }
.LBB2_3:
0x30: {  	s22 =	sshra.s32 s21, $0x2;
	p0 =	sne.s32 s21, $0xFE00;
	[tilespmem:s20+$0x4100] =	vst v7;
	v5 =	vmul.f32 v5, v0;
	v7 =	vld [tilespmem:s20+$0x4170]  }
0x31: {  	v8 =	vld [tilespmem:s22+$0x100];
	[tilespmem:s20+$0x4110] =	vst v6;
	v3 =	vmul.f32 v3, v0  }
0x32: {  	v6 =	vld [tilespmem:s22+$0x4100];
	[tilespmem:s20+$0x4120] =	vst v5;
	v1 =	vmul.f32 v1, v0  }
0x33: {  	v9 =	vld [tilespmem:s22+$0x4110];
	[tilespmem:s20+$0x4130] =	vst v3;
	v2 =	vmul.f32 v2, v0  }
.Ltmp0:
0x34: {  	v5 =	vld [tilespmem:s22+$0x4120];
	[tilespmem:s20+$0x4140] =	vst v1;
	v4 =	vmul.f32 v4, v0;
	(pc) =	sbr.rel @p0 .LBB2_3-.Ltmp0, $4  }
0x35: {  	v3 =	vld [tilespmem:s22+$0x4130];
	[tilespmem:s20+$0x4150] =	vst v2;
	v10 =	vmul.f32 v7, v0  }
0x36: {  	v1 =	vld [tilespmem:s22+$0x4140];
	[tilespmem:s20+$0x4160] =	vst v4;
	v0 =	vmov v8  }
0x37: {  	v7 =	vmul.f32 v6, v0;
	v2 =	vld [tilespmem:s22+$0x4150];
	[tilespmem:s20+$0x4170] =	vst v10;
	s20 =	smov.u32 s22  }
0x38: {  	s21 =	sadd.s32 $0x200, s21;
	v6 =	vmul.f32 v9, v0;
	v4 =	vld [tilespmem:s20+$0x4160]  }
0x39: {  	[tilespmem:s20+$0x4100] =	vst v7;
	v5 =	vmul.f32 v5, v0;
	v61 =	vld [tilespmem:s20+$0x4170]  }
0x3a: {  	[tilespmem:s20+$0x4110] =	vst v6;
	v3 =	vmul.f32 v3, v0  }
0x3b: {  	[tilespmem:s20+$0x4120] =	vst v5;
	v1 =	vmul.f32 v1, v0  }
0x3c: {  	[tilespmem:s20+$0x4130] =	vst v3;
	v2 =	vmul.f32 v2, v0  }
0x3d: {  	[tilespmem:s20+$0x4140] =	vst v1;
	v62 =	vmul.f32 v4, v0  }
0x3e: {  	s19 =	sadd.s32 $0x1, s19;
	[tilespmem:s20+$0x4150] =	vst v2;
	v63 =	vmul.f32 v61, v0  }
0x3f: {  	p0 =	sne.s32 s19, $0x4F;
	[tilespmem:s20+$0x4160] =	vst v62  }
.Ltmp1:
0x40: {  	[tilespmem:s20+$0x4170] =	vst v63;
	(pc) =	sbr.rel @p0 .LBB2_2-.Ltmp1, $4  }
0x41: {  	[spmem:s2] =	stream.indirect.scatter.add.f32 [tilespmem:s17], [sflag:$0x2], $0x80, s15, s15, $0xb8;
	[tilespmem:$0x1C100] =	vst v63  }
0x42: {  	_ =	swait.ge [sflag:s14], $0x4000  }
0x43: {  	[sflag:s14] =	ssyncset.done $0x0  }
0x44: {  	[sflag:s14] =	ssyncadd.s32 $0xFFFFC000  }
0x45: {  	s3 =	sadd.s32 $0x1, s3  }
0x46: {  	p0 =	sne.s32 s3, s12  }
.Ltmp2:
0x47: {  	[bflag:$0x0] =	sbarrier.arrive $0xFFFF;
	(pc) =	sbr.rel @p0 .LBB2_1-.Ltmp2, $4  }
0x48: {  	[hbm:s11], [sflag:s9] =	dma.local [spmem:s13], $0x2800  }
0x49: {  	_ =	swait.ge [sflag:s14], $0x2800  }
0x4a: {  	[sflag:s14] =	ssyncset.done $0x0  }
0x4b: {  	[sflag:s14] =	ssyncadd.s32 $0xFFFFD800  }
0x4c: {  	_ =	sfence.sel $0x180000  }
0x4d: {  	[bflag:$0x0] =	sbarrier.arrive $0xFFFF  }
0x4e: {  	p0 =	sne.s32 s1, $0x0;
	_ =	strace $0x9000004A  }
0x4f: {  	s0 =	sadd.s32 @!p0 $0x100000, s0;
	[bflag:$0x2] =	sbarrier.arrive $0xFFFF  }
0x50: {  	[sflag:s0] =	ssyncadd.tile.s32 @!p0 $0x1;
	_ =	shalt  }
.Lfunc_end2:
_tile_overlayer_lowered:
.L_overlay_start_2:
0x51: {  	(tag) =	ssettag $0x2  }
0x52: {  	s0 =	rddreg [dreg:$0x0];
	s2 =	stileid.u32  }
0x53: {  	s1 =	rddreg [dreg:$0x1];
	p0 =	sne.s32 s2, $0x0  }
0x54: {  	s3 =	rddreg [dreg:$0x2];
	[bflag:$0x3] =	sbarrier.arrive $0xFFFF;
	s2 =	simm.s32 @!p0 $0x1C02  }
0x55: {  	[timem:s3], [sflag:s2] =	dma.local @!p0 [hbm:s0], s1  }
0x56: {  	s0 =	simm.s32 @!p0 $0x2  }
0x57: {  	_ =	swait.ge @!p0 [sflag:s0], s1  }
0x58: {  	s1 =	ssub.s32 @!p0 $0x0, s1;
	[sflag:s0] =	ssyncset.done @!p0 $0x0  }
0x59: {  	[sflag:s0] =	ssyncadd.s32 @!p0 s1  }
0x5a: {  	[bflag:$0x3] =	sbarrier.arrive $0xFFFF  }
0x5b: {  	_ =	shalt  }

// kernel: kernel.22.cloned.1.call-start
scs
__scs_entry_jumppad:
0x0: {  	(pc) =	sbr.rel $0x88, $3  }
0x1: {  	(tag) =	ssettag $0x0;
	lr =	simm.s32 $0x1  }
0x2: {  	[smem:$0x3F90] =	sst lr;
	_ =	strace $0xD0000000  }
0x3: {  	_ = 	snop  }
0x4: {  	_ = 	snop  }
0x5: {  	_ = 	snop  }
0x6: {  	_ = 	snop  }
0x7: {  	_ = 	snop  }
__scs_overlays_trampoline_lowered:
0x8: {  	[smem:$0x3F9F] =	sst s0  }
0x9: {  	[smem:$0x3FA0] =	sst s1  }
0xa: {  	[smem:$0x3FA1] =	sst s2  }
0xb: {  	[smem:$0x3FA2] =	sst s3  }
0xc: {  	[smem:$0x3FA3] =	sst s4  }
0xd: {  	[smem:$0x3FA4] =	sst s5  }
0xe: {  	[smem:$0x3FA5] =	sst s6  }
0xf: {  	[smem:$0x3FA6] =	sst s7  }
0x10: {  	[smem:$0x3FA7] =	sst s8  }
0x11: {  	[smem:$0x3FA8] =	sst s9;
	s0 =	simm.s32 @!p0 $0x0  }
0x12: {  	s1 =	sld [smem:$0x3F8E];
	s0 =	simm.s32 @p0 $0x1  }
0x13: {  	[smem:$0x3FA9] =	sst s0;
	s0 =	simm.s32 @!p1 $0x0  }
0x14: {  	s2 =	sld [smem:$0x3F8D];
	s0 =	simm.s32 @p1 $0x1  }
0x15: {  	[smem:$0x3FAA] =	sst s0;
	s0 =	simm.s32 @!p2 $0x0  }
0x16: {  	s3 =	sld [smem:$0x3FDB];
	s0 =	simm.s32 @p2 $0x1  }
0x17: {  	s4 =	simm.s32 $0x1BF5;
	[smem:$0x3FAC] =	sst s0  }
0x18: {  	s0 =	sld [smem:$0x3F8F];
	_ =	swait.ge [sflag:s4], $0x0  }
0x19: {  	s7 =	sld [smem:$0x3F90]  }
0x1a: {  	s8 =	sadd.s32 $0xFFFFE003, lr  }
0x1b: {  	s9 =	sadd.s32 $0xFFFFFEF7, lr;
	s5 =	simm.s32 $0xFFFFFFFF;
	p2 =	slt.u32 s8, $0xFFFFF086  }
0x1c: {  	p1 =	slt.u32 s9, $0xF7A;
	s5 =	simm.s32 @!p2 $0x0  }
0x1d: {  	s5 =	simm.s32 @p1 $0x1;
	p0 =	seq.s32 s7, s2  }
0x1e: {  	s7 =	smul.u32 @!p0 $0xF7A, s2;
	p2 =	seq.s32 @!p0 s5, $0x0  }
0x1f: {  	s9 =	smul.u32 $0xF7A, s1;
	s8 =	simm.s32 @!p0 $0x1BF5;
	p2 =	por !p2, p0  }
0x20: {  	[sflag:s8] =	ssyncset.s32 @!p0 $0xFFFFF086;
	s6 =	sadd.s32 @!p0 s3, s7;
	s7 =	simm.s32 @!p0 $0x108  }
0x21: {  	s3 =	sadd.s32 s3, s9;
	s6 =	sadd.s32 @!p0 $0x88, s6;
	s7 =	simm.s32 @p2 $0x1082  }
0x22: {  	[simem:s7], [sflag:s8] =	dma.local @!p0 [hbm:s6], $0xF7A  }
0x23: {  	s9 =	sor.u32 $0xD0000000, s2;
	s6 =	simm.s32 $0x108;
	_ =	swait.ge @!p0 [sflag:s8], $0x0  }
0x24: {  	s3 =	sadd.s32 $0x88, s3;
	s6 =	simm.s32 @!p1 $0x1082;
	[sflag:s4] =	ssyncset.s32 $0xFFFFF086  }
0x25: {  	[simem:s6], [sflag:s4] =	dma.local [hbm:s3], $0xF7A  }
0x26: {  	[smem:$0x3F90] =	sst s1;
	(tag) =	ssettag s2;
	_ =	strace s9  }
0x27: {  	s1 =	sld [smem:$0x3FA0]  }
0x28: {  	s2 =	sld [smem:$0x3FA1]  }
0x29: {  	s4 =	sld [smem:$0x3FA3]  }
0x2a: {  	p0 =	seq.s32 s5, $0x0;
	s5 =	sld [smem:$0x3FA4]  }
0x2b: {  	s6 =	sld [smem:$0x3FA5]  }
0x2c: {  	s7 =	sld [smem:$0x3FA6]  }
0x2d: {  	s3 =	simm.s32 $0x108;
	s8 =	sld [smem:$0x3FA7]  }
0x2e: {  	s3 =	simm.s32 @!p0 $0x1082;
	s9 =	sld [smem:$0x3FA8]  }
0x2f: {  	lr =	sadd.s32 s0, s3;
	s0 =	sld [smem:$0x3F9F]  }
0x30: {  	s3 =	sld [smem:$0x3FA2]  }
0x31: {  	[smem:$0x3FAB] =	sst s10  }
0x32: {  	s10 =	sld [smem:$0x3FA9];
	_ =	sdelay $0x3  }
0x33: {  	p0 =	seq.s32 s10, $0x1;
	s10 =	sld [smem:$0x3FAB];
	_ =	sdelay $0x3  }
0x34: {  	[smem:$0x3FAB] =	sst s10  }
0x35: {  	s10 =	sld [smem:$0x3FAA];
	_ =	sdelay $0x3  }
0x36: {  	p1 =	seq.s32 s10, $0x1;
	s10 =	sld [smem:$0x3FAB];
	_ =	sdelay $0x3  }
0x37: {  	[smem:$0x3FAB] =	sst s10  }
0x38: {  	s10 =	sld [smem:$0x3FAC]  }
0x39: {  	_ = 	snop;
	(pc) =	sbr.ind lr, $3  }
0x3a: {  	_ = 	snop  }
0x3b: {  	_ = 	snop  }
0x3c: {  	p2 =	seq.s32 s10, $0x1;
	s10 =	sld [smem:$0x3FAB]  }
0x3d: {  	_ =	shalt  }
0x3e: {  	_ =	shalt  }
0x3f: {  	_ =	shalt  }
0x40: {  	_ =	shalt  }
0x41: {  	_ =	shalt  }
0x42: {  	_ =	shalt  }
0x43: {  	_ =	shalt  }
0x44: {  	_ =	shalt  }
0x45: {  	_ =	shalt  }
0x46: {  	_ =	shalt  }
0x47: {  	_ =	shalt  }
0x48: {  	_ =	shalt  }
0x49: {  	_ =	shalt  }
0x4a: {  	_ =	shalt  }
0x4b: {  	_ =	shalt  }
0x4c: {  	_ =	shalt  }
0x4d: {  	_ =	shalt  }
0x4e: {  	_ =	shalt  }
0x4f: {  	_ =	shalt  }
0x50: {  	_ =	shalt  }
0x51: {  	_ =	shalt  }
0x52: {  	_ =	shalt  }
0x53: {  	_ =	shalt  }
0x54: {  	_ =	shalt  }
0x55: {  	_ =	shalt  }
0x56: {  	_ =	shalt  }
0x57: {  	_ =	shalt  }
0x58: {  	_ =	shalt  }
0x59: {  	_ =	shalt  }
0x5a: {  	_ =	shalt  }
0x5b: {  	_ =	shalt  }
0x5c: {  	_ =	shalt  }
0x5d: {  	_ =	shalt  }
0x5e: {  	_ =	shalt  }
0x5f: {  	_ =	shalt  }
0x60: {  	_ =	shalt  }
0x61: {  	_ =	shalt  }
0x62: {  	_ =	shalt  }
0x63: {  	_ =	shalt  }
0x64: {  	_ =	shalt  }
0x65: {  	_ =	shalt  }
0x66: {  	_ =	shalt  }
0x67: {  	_ =	shalt  }
0x68: {  	_ =	shalt  }
0x69: {  	_ =	shalt  }
0x6a: {  	_ =	shalt  }
0x6b: {  	_ =	shalt  }
0x6c: {  	_ =	shalt  }
0x6d: {  	_ =	shalt  }
0x6e: {  	_ =	shalt  }
0x6f: {  	_ =	shalt  }
0x70: {  	_ =	shalt  }
0x71: {  	_ =	shalt  }
0x72: {  	_ =	shalt  }
0x73: {  	_ =	shalt  }
0x74: {  	_ =	shalt  }
0x75: {  	_ =	shalt  }
0x76: {  	_ =	shalt  }
0x77: {  	_ =	shalt  }
0x78: {  	_ =	shalt  }
0x79: {  	_ =	shalt  }
0x7a: {  	_ =	shalt  }
0x7b: {  	_ =	shalt  }
0x7c: {  	_ =	shalt  }
0x7d: {  	_ =	shalt  }
0x7e: {  	_ =	shalt  }
0x7f: {  	_ =	shalt  }
0x80: {  	_ =	shalt  }
0x81: {  	_ =	shalt  }
0x82: {  	_ =	shalt  }
0x83: {  	_ =	shalt  }
0x84: {  	_ =	shalt  }
0x85: {  	_ =	shalt  }
0x86: {  	_ =	shalt  }
0x87: {  	_ =	shalt  }
.Lfunc_end0:
.L_simem_size_0:
called_computation.2_lowered:
.L_overlay_start_0:
0x88: {  	s2 =	sld [smem:$0x3FD9]  }
0x89: {  	s3 =	sld [smem:$0x3FFE];
	_ =	sdelay $0x1  }
0x8a: {  	s1 =	srdreg.scid  }
0x8b: {  	s0 =	sand.u32 $0x1, s1  }
0x8c: {  	s16 =	sshll.u32 s0, $0xA;
	s2 =	sadd.s32 s3, s2  }
0x8d: {  	s2 =	sadd.s32 s2, s16  }
0x8e: {  	[smem:$0x3FB7] =	sst s2  }
0x8f: {  	_ = 	snop  }
0x90: {  	(tm) =	ssettm $0x1  }
0x91: {  	s17 =	sld [smem:$0x3FFB];
	_ =	sdelay $0x3  }
0x92: {  	_ =	strace s17  }
0x93: {  	s2 =	sld [smem:$0x3FFC];
	_ =	sdelay $0x3  }
0x94: {  	_ =	strace s2  }
0x95: {  	s2 =	sld [smem:$0x3FFD];
	_ =	sdelay $0x3  }
0x96: {  	_ =	strace s2  }
0x97: {  	_ =	strace $0x8FFFFFFF  }
0x98: {  	s18 =	sld [smem:$0x3FDB];
	_ =	sdelay $0x1  }
0x99: {  	s19 =	simm.s32 $_scs_section_size  }
0x9a: {  	s4 =	simm.s32 $_size__tile_overlayer_lowered;
	s5 =	simm.s32 $_tile_overlayer_lowered  }
0x9b: {  	s22 =	simm.s32 $0x1BFF;
	s21 =	sshll.u32 s5, $0x1;
	s2 =	sadd.s32 s19, s18  }
0x9c: {  	s6 =	simm.s32 $0x0;
	s20 =	sshll.u32 s4, $0x1;
	s4 =	sadd.s32 s21, s2  }
0x9d: {  	[timem:s6], [sflag:s22] =	dma.local [hbm:s4], s20  }
0x9e: {  	_ =	swait.ge [sflag:s22], s20  }
0x9f: {  	s3 =	ssub.s32 $0x0, s20;
	[sflag:s22] =	ssyncset.done $0x0  }
0xa0: {  	[sflag:s22] =	ssyncadd.s32 s3;
	_ =	sdelay $0x1  }
0xa1: {  	s23 =	simm.s32 $0x1B8B  }
0xa2: {  	_ =	swait.ge [sflag:s23], $0x1  }
0xa3: {  	[sflag:s23] =	ssyncset.done $0x0  }
0xa4: {  	s25 =	simm.s32 $0x1B8E;
	s24 =	sld [smem:$0x3FFE];
	[sflag:s23] =	ssyncadd.s32 $0xFFFFFFFF  }
0xa5: {  	s26 =	simm.s32 $execute0_lowered;
	[smem:$0x3FD2] =	sst s25  }
0xa6: {  	s4 =	sshll.u32 s26, $0x1;
	_ =	strace $0x8000004C;
	[dreg:$0x1] =	wrdreg $0xFFFFFFFF  }
0xa7: {  	s28 =	simm.s32 $_size_execute0_lowered;
	s2 =	sadd.s32 s2, s4;
	[dreg:$0x0] =	wrdreg $0x0  }
0xa8: {  	s4 =	sshll.u32 s28, $0x1;
	[dreg:$0x2] =	wrdreg s2  }
0xa9: {  	[dreg:$0x3] =	wrdreg s4  }
0xaa: {  	[dreg:$0x4] =	wrdreg $0xC0  }
0xab: {  	_ =	task [dreg:s6], $0x5FFFF  }
0xac: {  	[dreg:$0x1] =	wrdreg $0xFFFFFFFF  }
0xad: {  	[dreg:$0x0] =	wrdreg $0x60  }
0xae: {  	[dreg:$0x2] =	wrdreg s24  }
0xaf: {  	[dreg:$0x3] =	wrdreg $0x81000  }
0xb0: {  	[dreg:$0x4] =	wrdreg $0x9  }
0xb1: {  	_ =	task.clear_ibuf [dreg:s6], $0x5FFFF;
	_ =	strace $0x9000004C  }
0xb2: {  	s29 =	simm.s32 $0x9;
	_ =	strace $0x8000004E  }
0xb3: {  	_ =	swait.ge [sflag:s29], $0x1  }
0xb4: {  	[sflag:s29] =	ssyncadd.s32 $0xFFFFFFFF  }
0xb5: {  	_ =	strace $0x9000004E  }
0xb6: {  	_ =	sfence  }
0xb7: {  	s30 =	sld [smem:$0x0];
	_ =	sdelay $0x2  }
0xb8: {  	s31 =	sshll.u32 s1, $0xD;
	s1 =	sshrl.u32 s1, $0x2  }
0xb9: {  	s3 =	sand.u32 $0x4000, s31;
	s1 =	sadd.s32 s1, s30  }
0xba: {  	s0 =	sor.u32 s3, s0;
	s1 =	sshll.u32 s1, $0x11  }
0xbb: {  	s0 =	sor.u32 s1, s0  }
0xbc: {  	s0 =	sadd.s32 $0x8F2B, s0  }
0xbd: {  	[sflag:s0] =	ssyncadd.remote.s32 $0x1  }
0xbe: {  	_ =	sfence.sel $0xFFFF  }
0xbf: {  	[dreg:$0x0] =	wrdreg $0xFFFFFFFF;
	(pc) =	sbr.abs _section_cstart, $3  }
0xc0: {  	[dreg:$0x1] =	wrdreg $0xFFFFFFFF  }
0xc1: {  	_ =	task.clear_ibuf [dreg:s6], $0x2FFFF;
	_ =	strace $0x9FFFFFFF  }
0xc2: {  	(tm) =	ssettm $0x7FFFFFFF  }
0xc3: {  	_ =	shalt  }
tec
execute0_lowered:
.L_overlay_start_1:
0x0: {  	(tag) =	ssettag $0x1  }
0x1: {  	s8 =	rddreg [dreg:$0x0]  }
0x2: {  	s2 =	rddreg [dreg:$0x1]  }
0x3: {  	s0 =	rddreg [dreg:$0x2];
	s3 =	simm.s32 $0x0;
	s1 =	stileid.u32  }
0x4: {  	s4 =	srdreg.scid;
	s16 =	simm.s32 $0x100;
	s17 =	simm.s32 $0x4100  }
0x5: {  	s18 =	simm.s32 $0x1;
	s23 =	simm.s32 $0x0;
	[smem:$0x7FF] =	sst s3  }
0x6: {  	s9 =	smul.u32 $0x14000, s1;
	s10 =	sand.u32 $0x1, s4;
	s4 =	sadd.s32 $0x8000, s8  }
0x7: {  	s5 =	sadd.s32 $0x39E00, s8;
	s6 =	sadd.s32 $0x30000, s8;
	s7 =	sadd.s32 $0x43C00, s8  }
0x8: {  	s13 =	smul.u32 $0x50000, s1;
	s30 =	sshll.u32 s1, $0x1;
	s31 =	sshll.u32 s1, $0x6  }
0x9: {  	_ =	strace $0x8000004D;
	s11 =	smul.u32 $0x140000, s10;
	s28 =	ssub.s32 $0x2, s10  }
0xa: {  	s10 =	sor.u32 s10, s30;
	s12 =	sshrl.u32 s9, $0x3;
	s14 =	sshrl.u32 s28, $0x1  }
0xb: {  	s29 =	sshrl.u32 s13, $0x2;
	s10 =	smul.u32 $0x4F, s10;
	s9 =	sadd.s32 s9, s11  }
0xc: {  	s12 =	sadd.s32 s12, s8;
	s13 =	sadd.s32 s29, s2;
	s9 =	sshrl.u32 s9, $0x3  }
0xd: {  	s14 =	ssub.s32 s28, s14;
	s13 =	sshrl.u32 s13, $0x3;
	s15 =	sadd.s32 s9, s8  }
0xe: {  	s8 =	sadd.s32 $0x533C00, s12;
	s9 =	sor.u32 $0x1C02, s31;
	s12 =	smax.u32 s14, $0x1  }
0xf: {  	s14 =	simm.s32 $0x2;
	s11 =	sadd.s32 $0x5ECE00, s15;
	s15 =	simm.s32 $0x80  }
.LBB2_1:
0x10: {  	[spmem:s13], [sflag:s9] =	dma.local [hbm:s8], $0x2800  }
0x11: {  	_ =	swait.ge [sflag:s14], $0x2800  }
0x12: {  	[sflag:s14] =	ssyncset.done $0x0  }
0x13: {  	[sflag:s14] =	ssyncadd.s32 $0xFFFFD800  }
0x14: {  	s19 =	simm.s32 $0x0;
	[bflag:$0x0] =	sbarrier.arrive $0xFFFF  }
.LBB2_2:
0x15: {  	s20 =	sadd.s32 s10, s19  }
0x16: {  	s21 =	sshll.u32 s20, $0x4  }
0x17: {  	s22 =	sadd.s32 s5, s21  }
0x18: {  	[tilespmem:s23], [sflag:$0x2] =	stream.linear.gather [hbm4b:s22+s23], $0x80, $0x38;
	[tilespmem:$0x1C100] =	vst v63  }
0x19: {  	_ =	swait.ge [sflag:s14], $0x80  }
0x1a: {  	[sflag:s14] =	ssyncset.done $0x0  }
0x1b: {  	s21 =	sadd.s32 s6, s21;
	[sflag:s14] =	ssyncadd.s32 $0xFFFFFF80  }
0x1c: {  	[tilespmem:s15], [sflag:$0x2] =	stream.linear.gather [hbm4b:s21+s23], $0x80, $0x38;
	[tilespmem:$0x1C100] =	vst v63  }
0x1d: {  	_ =	swait.ge [sflag:s14], $0x80  }
0x1e: {  	s20 =	sshll.u32 s20, $0xB;
	[sflag:s14] =	ssyncset.done $0x0  }
0x1f: {  	s20 =	sadd.s32 s7, s20;
	[sflag:s14] =	ssyncadd.s32 $0xFFFFFF80  }
0x20: {  	[tilespmem:s16], [sflag:$0x2] =	stream.linear.gather [hbm4b:s20+s23], $0x4000, $0x38;
	[tilespmem:$0x1C100] =	vst v63  }
0x21: {  	_ =	swait.ge [sflag:s14], $0x4000  }
0x22: {  	[sflag:s14] =	ssyncset.done $0x0  }
0x23: {  	[sflag:s14] =	ssyncadd.s32 $0xFFFFC000  }
0x24: {  	[tilespmem:s17], [sflag:$0x1] =	stream.indirect.gather [hbm4b:s4+s15], $0x80, s23, s15, $0xb8;
	[tilespmem:$0x1C100] =	vst v63  }
0x25: {  	_ =	swait.ge [sflag:s18], $0x4000  }
0x26: {  	[sflag:s18] =	ssyncset.done $0x0  }
0x27: {  	s20 =	simm.s32 $0x0;
	[sflag:s18] =	ssyncadd.s32 $0xFFFFC000  }
0x28: {  	v0 =	vld [tilespmem:s20+$0x100]  }
0x29: {  	v4 =	vld [tilespmem:s20+$0x4100]  }
0x2a: {  	v6 =	vld [tilespmem:s20+$0x4110]  }
0x2b: {  	v5 =	vld [tilespmem:s20+$0x4120]  }
0x2c: {  	v3 =	vld [tilespmem:s20+$0x4130]  }
0x2d: {  	v1 =	vld [tilespmem:s20+$0x4140]  }
0x2e: {  	v2 =	vld [tilespmem:s20+$0x4150];
	v7 =	vmul.f32 v4, v0  }
0x2f: {  	s21 =	simm.s32 $0x200;
	v6 =	vmul.f32 v6, v0;
	v4 =	vld [tilespmem:s20+$0x4160]  }
.LBB2_3:
0x30: {  	s22 =	sshra.s32 s21, $0x2;
	p0 =	sne.s32 s21, $0xFE00;
	[tilespmem:s20+$0x4100] =	vst v7;
	v5 =	vmul.f32 v5, v0;
	v7 =	vld [tilespmem:s20+$0x4170]  }
0x31: {  	v8 =	vld [tilespmem:s22+$0x100];
	[tilespmem:s20+$0x4110] =	vst v6;
	v3 =	vmul.f32 v3, v0  }
0x32: {  	v6 =	vld [tilespmem:s22+$0x4100];
	[tilespmem:s20+$0x4120] =	vst v5;
	v1 =	vmul.f32 v1, v0  }
0x33: {  	v9 =	vld [tilespmem:s22+$0x4110];
	[tilespmem:s20+$0x4130] =	vst v3;
	v2 =	vmul.f32 v2, v0  }
.Ltmp0:
0x34: {  	v5 =	vld [tilespmem:s22+$0x4120];
	[tilespmem:s20+$0x4140] =	vst v1;
	v4 =	vmul.f32 v4, v0;
	(pc) =	sbr.rel @p0 .LBB2_3-.Ltmp0, $4  }
0x35: {  	v3 =	vld [tilespmem:s22+$0x4130];
	[tilespmem:s20+$0x4150] =	vst v2;
	v10 =	vmul.f32 v7, v0  }
0x36: {  	v1 =	vld [tilespmem:s22+$0x4140];
	[tilespmem:s20+$0x4160] =	vst v4;
	v0 =	vmov v8  }
0x37: {  	v7 =	vmul.f32 v6, v0;
	v2 =	vld [tilespmem:s22+$0x4150];
	[tilespmem:s20+$0x4170] =	vst v10;
	s20 =	smov.u32 s22  }
0x38: {  	s21 =	sadd.s32 $0x200, s21;
	v6 =	vmul.f32 v9, v0;
	v4 =	vld [tilespmem:s20+$0x4160]  }
0x39: {  	[tilespmem:s20+$0x4100] =	vst v7;
	v5 =	vmul.f32 v5, v0;
	v61 =	vld [tilespmem:s20+$0x4170]  }
0x3a: {  	[tilespmem:s20+$0x4110] =	vst v6;
	v3 =	vmul.f32 v3, v0  }
0x3b: {  	[tilespmem:s20+$0x4120] =	vst v5;
	v1 =	vmul.f32 v1, v0  }
0x3c: {  	[tilespmem:s20+$0x4130] =	vst v3;
	v2 =	vmul.f32 v2, v0  }
0x3d: {  	[tilespmem:s20+$0x4140] =	vst v1;
	v62 =	vmul.f32 v4, v0  }
0x3e: {  	s19 =	sadd.s32 $0x1, s19;
	[tilespmem:s20+$0x4150] =	vst v2;
	v63 =	vmul.f32 v61, v0  }
0x3f: {  	p0 =	sne.s32 s19, $0x4F;
	[tilespmem:s20+$0x4160] =	vst v62  }
.Ltmp1:
0x40: {  	[tilespmem:s20+$0x4170] =	vst v63;
	(pc) =	sbr.rel @p0 .LBB2_2-.Ltmp1, $4  }
0x41: {  	[spmem:s2] =	stream.indirect.scatter.add.f32 [tilespmem:s17], [sflag:$0x2], $0x80, s15, s15, $0xb8;
	[tilespmem:$0x1C100] =	vst v63  }
0x42: {  	_ =	swait.ge [sflag:s14], $0x4000  }
0x43: {  	[sflag:s14] =	ssyncset.done $0x0  }
0x44: {  	[sflag:s14] =	ssyncadd.s32 $0xFFFFC000  }
0x45: {  	s3 =	sadd.s32 $0x1, s3  }
0x46: {  	p0 =	sne.s32 s3, s12  }
.Ltmp2:
0x47: {  	[bflag:$0x0] =	sbarrier.arrive $0xFFFF;
	(pc) =	sbr.rel @p0 .LBB2_1-.Ltmp2, $4  }
0x48: {  	[hbm:s11], [sflag:s9] =	dma.local [spmem:s13], $0x2800  }
0x49: {  	_ =	swait.ge [sflag:s14], $0x2800  }
0x4a: {  	[sflag:s14] =	ssyncset.done $0x0  }
0x4b: {  	[sflag:s14] =	ssyncadd.s32 $0xFFFFD800  }
0x4c: {  	_ =	sfence.sel $0x180000  }
0x4d: {  	[bflag:$0x0] =	sbarrier.arrive $0xFFFF  }
0x4e: {  	p0 =	sne.s32 s1, $0x0;
	_ =	strace $0x9000004D  }
0x4f: {  	s0 =	sadd.s32 @!p0 $0x100000, s0;
	[bflag:$0x2] =	sbarrier.arrive $0xFFFF  }
0x50: {  	[sflag:s0] =	ssyncadd.tile.s32 @!p0 $0x1;
	_ =	shalt  }
.Lfunc_end2:
_tile_overlayer_lowered:
.L_overlay_start_2:
0x51: {  	(tag) =	ssettag $0x2  }
0x52: {  	s0 =	rddreg [dreg:$0x0];
	s2 =	stileid.u32  }
0x53: {  	s1 =	rddreg [dreg:$0x1];
	p0 =	sne.s32 s2, $0x0  }
0x54: {  	s3 =	rddreg [dreg:$0x2];
	[bflag:$0x3] =	sbarrier.arrive $0xFFFF;
	s2 =	simm.s32 @!p0 $0x1C02  }
0x55: {  	[timem:s3], [sflag:s2] =	dma.local @!p0 [hbm:s0], s1  }
0x56: {  	s0 =	simm.s32 @!p0 $0x2  }
0x57: {  	_ =	swait.ge @!p0 [sflag:s0], s1  }
0x58: {  	s1 =	ssub.s32 @!p0 $0x0, s1;
	[sflag:s0] =	ssyncset.done @!p0 $0x0  }
0x59: {  	[sflag:s0] =	ssyncadd.s32 @!p0 s1  }
0x5a: {  	[bflag:$0x3] =	sbarrier.arrive $0xFFFF  }
0x5b: {  	_ =	shalt  }

// kernel: kernel.25.cloned.1.call-start
scs
__scs_entry_jumppad:
0x0: {  	(pc) =	sbr.rel $0x88, $3  }
0x1: {  	(tag) =	ssettag $0x0;
	lr =	simm.s32 $0x1  }
0x2: {  	[smem:$0x3F90] =	sst lr;
	_ =	strace $0xD0000000  }
0x3: {  	_ = 	snop  }
0x4: {  	_ = 	snop  }
0x5: {  	_ = 	snop  }
0x6: {  	_ = 	snop  }
0x7: {  	_ = 	snop  }
__scs_overlays_trampoline_lowered:
0x8: {  	[smem:$0x3F9F] =	sst s0  }
0x9: {  	[smem:$0x3FA0] =	sst s1  }
0xa: {  	[smem:$0x3FA1] =	sst s2  }
0xb: {  	[smem:$0x3FA2] =	sst s3  }
0xc: {  	[smem:$0x3FA3] =	sst s4  }
0xd: {  	[smem:$0x3FA4] =	sst s5  }
0xe: {  	[smem:$0x3FA5] =	sst s6  }
0xf: {  	[smem:$0x3FA6] =	sst s7  }
0x10: {  	[smem:$0x3FA7] =	sst s8  }
0x11: {  	[smem:$0x3FA8] =	sst s9;
	s0 =	simm.s32 @!p0 $0x0  }
0x12: {  	s1 =	sld [smem:$0x3F8E];
	s0 =	simm.s32 @p0 $0x1  }
0x13: {  	[smem:$0x3FA9] =	sst s0;
	s0 =	simm.s32 @!p1 $0x0  }
0x14: {  	s2 =	sld [smem:$0x3F8D];
	s0 =	simm.s32 @p1 $0x1  }
0x15: {  	[smem:$0x3FAA] =	sst s0;
	s0 =	simm.s32 @!p2 $0x0  }
0x16: {  	s3 =	sld [smem:$0x3FDB];
	s0 =	simm.s32 @p2 $0x1  }
0x17: {  	s4 =	simm.s32 $0x1BF5;
	[smem:$0x3FAC] =	sst s0  }
0x18: {  	s0 =	sld [smem:$0x3F8F];
	_ =	swait.ge [sflag:s4], $0x0  }
0x19: {  	s7 =	sld [smem:$0x3F90]  }
0x1a: {  	s8 =	sadd.s32 $0xFFFFE003, lr  }
0x1b: {  	s9 =	sadd.s32 $0xFFFFFEF7, lr;
	s5 =	simm.s32 $0xFFFFFFFF;
	p2 =	slt.u32 s8, $0xFFFFF086  }
0x1c: {  	p1 =	slt.u32 s9, $0xF7A;
	s5 =	simm.s32 @!p2 $0x0  }
0x1d: {  	s5 =	simm.s32 @p1 $0x1;
	p0 =	seq.s32 s7, s2  }
0x1e: {  	s7 =	smul.u32 @!p0 $0xF7A, s2;
	p2 =	seq.s32 @!p0 s5, $0x0  }
0x1f: {  	s9 =	smul.u32 $0xF7A, s1;
	s8 =	simm.s32 @!p0 $0x1BF5;
	p2 =	por !p2, p0  }
0x20: {  	[sflag:s8] =	ssyncset.s32 @!p0 $0xFFFFF086;
	s6 =	sadd.s32 @!p0 s3, s7;
	s7 =	simm.s32 @!p0 $0x108  }
0x21: {  	s3 =	sadd.s32 s3, s9;
	s6 =	sadd.s32 @!p0 $0x88, s6;
	s7 =	simm.s32 @p2 $0x1082  }
0x22: {  	[simem:s7], [sflag:s8] =	dma.local @!p0 [hbm:s6], $0xF7A  }
0x23: {  	s9 =	sor.u32 $0xD0000000, s2;
	s6 =	simm.s32 $0x108;
	_ =	swait.ge @!p0 [sflag:s8], $0x0  }
0x24: {  	s3 =	sadd.s32 $0x88, s3;
	s6 =	simm.s32 @!p1 $0x1082;
	[sflag:s4] =	ssyncset.s32 $0xFFFFF086  }
0x25: {  	[simem:s6], [sflag:s4] =	dma.local [hbm:s3], $0xF7A  }
0x26: {  	[smem:$0x3F90] =	sst s1;
	(tag) =	ssettag s2;
	_ =	strace s9  }
0x27: {  	s1 =	sld [smem:$0x3FA0]  }
0x28: {  	s2 =	sld [smem:$0x3FA1]  }
0x29: {  	s4 =	sld [smem:$0x3FA3]  }
0x2a: {  	p0 =	seq.s32 s5, $0x0;
	s5 =	sld [smem:$0x3FA4]  }
0x2b: {  	s6 =	sld [smem:$0x3FA5]  }
0x2c: {  	s7 =	sld [smem:$0x3FA6]  }
0x2d: {  	s3 =	simm.s32 $0x108;
	s8 =	sld [smem:$0x3FA7]  }
0x2e: {  	s3 =	simm.s32 @!p0 $0x1082;
	s9 =	sld [smem:$0x3FA8]  }
0x2f: {  	lr =	sadd.s32 s0, s3;
	s0 =	sld [smem:$0x3F9F]  }
0x30: {  	s3 =	sld [smem:$0x3FA2]  }
0x31: {  	[smem:$0x3FAB] =	sst s10  }
0x32: {  	s10 =	sld [smem:$0x3FA9];
	_ =	sdelay $0x3  }
0x33: {  	p0 =	seq.s32 s10, $0x1;
	s10 =	sld [smem:$0x3FAB];
	_ =	sdelay $0x3  }
0x34: {  	[smem:$0x3FAB] =	sst s10  }
0x35: {  	s10 =	sld [smem:$0x3FAA];
	_ =	sdelay $0x3  }
0x36: {  	p1 =	seq.s32 s10, $0x1;
	s10 =	sld [smem:$0x3FAB];
	_ =	sdelay $0x3  }
0x37: {  	[smem:$0x3FAB] =	sst s10  }
0x38: {  	s10 =	sld [smem:$0x3FAC]  }
0x39: {  	_ = 	snop;
	(pc) =	sbr.ind lr, $3  }
0x3a: {  	_ = 	snop  }
0x3b: {  	_ = 	snop  }
0x3c: {  	p2 =	seq.s32 s10, $0x1;
	s10 =	sld [smem:$0x3FAB]  }
0x3d: {  	_ =	shalt  }
0x3e: {  	_ =	shalt  }
0x3f: {  	_ =	shalt  }
0x40: {  	_ =	shalt  }
0x41: {  	_ =	shalt  }
0x42: {  	_ =	shalt  }
0x43: {  	_ =	shalt  }
0x44: {  	_ =	shalt  }
0x45: {  	_ =	shalt  }
0x46: {  	_ =	shalt  }
0x47: {  	_ =	shalt  }
0x48: {  	_ =	shalt  }
0x49: {  	_ =	shalt  }
0x4a: {  	_ =	shalt  }
0x4b: {  	_ =	shalt  }
0x4c: {  	_ =	shalt  }
0x4d: {  	_ =	shalt  }
0x4e: {  	_ =	shalt  }
0x4f: {  	_ =	shalt  }
0x50: {  	_ =	shalt  }
0x51: {  	_ =	shalt  }
0x52: {  	_ =	shalt  }
0x53: {  	_ =	shalt  }
0x54: {  	_ =	shalt  }
0x55: {  	_ =	shalt  }
0x56: {  	_ =	shalt  }
0x57: {  	_ =	shalt  }
0x58: {  	_ =	shalt  }
0x59: {  	_ =	shalt  }
0x5a: {  	_ =	shalt  }
0x5b: {  	_ =	shalt  }
0x5c: {  	_ =	shalt  }
0x5d: {  	_ =	shalt  }
0x5e: {  	_ =	shalt  }
0x5f: {  	_ =	shalt  }
0x60: {  	_ =	shalt  }
0x61: {  	_ =	shalt  }
0x62: {  	_ =	shalt  }
0x63: {  	_ =	shalt  }
0x64: {  	_ =	shalt  }
0x65: {  	_ =	shalt  }
0x66: {  	_ =	shalt  }
0x67: {  	_ =	shalt  }
0x68: {  	_ =	shalt  }
0x69: {  	_ =	shalt  }
0x6a: {  	_ =	shalt  }
0x6b: {  	_ =	shalt  }
0x6c: {  	_ =	shalt  }
0x6d: {  	_ =	shalt  }
0x6e: {  	_ =	shalt  }
0x6f: {  	_ =	shalt  }
0x70: {  	_ =	shalt  }
0x71: {  	_ =	shalt  }
0x72: {  	_ =	shalt  }
0x73: {  	_ =	shalt  }
0x74: {  	_ =	shalt  }
0x75: {  	_ =	shalt  }
0x76: {  	_ =	shalt  }
0x77: {  	_ =	shalt  }
0x78: {  	_ =	shalt  }
0x79: {  	_ =	shalt  }
0x7a: {  	_ =	shalt  }
0x7b: {  	_ =	shalt  }
0x7c: {  	_ =	shalt  }
0x7d: {  	_ =	shalt  }
0x7e: {  	_ =	shalt  }
0x7f: {  	_ =	shalt  }
0x80: {  	_ =	shalt  }
0x81: {  	_ =	shalt  }
0x82: {  	_ =	shalt  }
0x83: {  	_ =	shalt  }
0x84: {  	_ =	shalt  }
0x85: {  	_ =	shalt  }
0x86: {  	_ =	shalt  }
0x87: {  	_ =	shalt  }
.Lfunc_end0:
.L_simem_size_0:
called_computation.3_lowered:
.L_overlay_start_0:
0x88: {  	s2 =	sld [smem:$0x3FD9]  }
0x89: {  	s3 =	sld [smem:$0x3FFE];
	_ =	sdelay $0x1  }
0x8a: {  	s1 =	srdreg.scid  }
0x8b: {  	s0 =	sand.u32 $0x1, s1  }
0x8c: {  	s16 =	sshll.u32 s0, $0xA;
	s2 =	sadd.s32 s3, s2  }
0x8d: {  	s2 =	sadd.s32 s2, s16  }
0x8e: {  	[smem:$0x3FB7] =	sst s2  }
0x8f: {  	_ = 	snop  }
0x90: {  	(tm) =	ssettm $0x1  }
0x91: {  	s17 =	sld [smem:$0x3FFB];
	_ =	sdelay $0x3  }
0x92: {  	_ =	strace s17  }
0x93: {  	s2 =	sld [smem:$0x3FFC];
	_ =	sdelay $0x3  }
0x94: {  	_ =	strace s2  }
0x95: {  	s2 =	sld [smem:$0x3FFD];
	_ =	sdelay $0x3  }
0x96: {  	_ =	strace s2  }
0x97: {  	_ =	strace $0x8FFFFFFF  }
0x98: {  	s18 =	sld [smem:$0x3FDB];
	_ =	sdelay $0x1  }
0x99: {  	s19 =	simm.s32 $_scs_section_size  }
0x9a: {  	s4 =	simm.s32 $_size__tile_overlayer_lowered;
	s5 =	simm.s32 $_tile_overlayer_lowered  }
0x9b: {  	s22 =	simm.s32 $0x1BFF;
	s21 =	sshll.u32 s5, $0x1;
	s2 =	sadd.s32 s19, s18  }
0x9c: {  	s6 =	simm.s32 $0x0;
	s20 =	sshll.u32 s4, $0x1;
	s4 =	sadd.s32 s21, s2  }
0x9d: {  	[timem:s6], [sflag:s22] =	dma.local [hbm:s4], s20  }
0x9e: {  	_ =	swait.ge [sflag:s22], s20  }
0x9f: {  	s3 =	ssub.s32 $0x0, s20;
	[sflag:s22] =	ssyncset.done $0x0  }
0xa0: {  	[sflag:s22] =	ssyncadd.s32 s3;
	_ =	sdelay $0x1  }
0xa1: {  	s23 =	simm.s32 $0x1B8B  }
0xa2: {  	_ =	swait.ge [sflag:s23], $0x1  }
0xa3: {  	[sflag:s23] =	ssyncset.done $0x0  }
0xa4: {  	s25 =	simm.s32 $0x1B8E;
	s24 =	sld [smem:$0x3FFE];
	[sflag:s23] =	ssyncadd.s32 $0xFFFFFFFF  }
0xa5: {  	s26 =	simm.s32 $execute0_lowered;
	[smem:$0x3FD2] =	sst s25  }
0xa6: {  	s4 =	sshll.u32 s26, $0x1;
	_ =	strace $0x8000004F;
	[dreg:$0x1] =	wrdreg $0xFFFFFFFF  }
0xa7: {  	s28 =	simm.s32 $_size_execute0_lowered;
	s2 =	sadd.s32 s2, s4;
	[dreg:$0x0] =	wrdreg $0x0  }
0xa8: {  	s4 =	sshll.u32 s28, $0x1;
	[dreg:$0x2] =	wrdreg s2  }
0xa9: {  	[dreg:$0x3] =	wrdreg s4  }
0xaa: {  	[dreg:$0x4] =	wrdreg $0xC0  }
0xab: {  	_ =	task [dreg:s6], $0x5FFFF  }
0xac: {  	[dreg:$0x1] =	wrdreg $0xFFFFFFFF  }
0xad: {  	[dreg:$0x0] =	wrdreg $0x60  }
0xae: {  	[dreg:$0x2] =	wrdreg s24  }
0xaf: {  	[dreg:$0x3] =	wrdreg $0x81000  }
0xb0: {  	[dreg:$0x4] =	wrdreg $0x9  }
0xb1: {  	_ =	task.clear_ibuf [dreg:s6], $0x5FFFF;
	_ =	strace $0x9000004F  }
0xb2: {  	s29 =	simm.s32 $0x9;
	_ =	strace $0x80000051  }
0xb3: {  	_ =	swait.ge [sflag:s29], $0x1  }
0xb4: {  	[sflag:s29] =	ssyncadd.s32 $0xFFFFFFFF  }
0xb5: {  	_ =	strace $0x90000051  }
0xb6: {  	_ =	sfence  }
0xb7: {  	s30 =	sld [smem:$0x0];
	_ =	sdelay $0x2  }
0xb8: {  	s31 =	sshll.u32 s1, $0xD;
	s1 =	sshrl.u32 s1, $0x2  }
0xb9: {  	s3 =	sand.u32 $0x4000, s31;
	s1 =	sadd.s32 s1, s30  }
0xba: {  	s0 =	sor.u32 s3, s0;
	s1 =	sshll.u32 s1, $0x11  }
0xbb: {  	s0 =	sor.u32 s1, s0  }
0xbc: {  	s0 =	sadd.s32 $0x8F2B, s0  }
0xbd: {  	[sflag:s0] =	ssyncadd.remote.s32 $0x1  }
0xbe: {  	_ =	sfence.sel $0xFFFF  }
0xbf: {  	[dreg:$0x0] =	wrdreg $0xFFFFFFFF;
	(pc) =	sbr.abs _section_cstart, $3  }
0xc0: {  	[dreg:$0x1] =	wrdreg $0xFFFFFFFF  }
0xc1: {  	_ =	task.clear_ibuf [dreg:s6], $0x2FFFF;
	_ =	strace $0x9FFFFFFF  }
0xc2: {  	(tm) =	ssettm $0x7FFFFFFF  }
0xc3: {  	_ =	shalt  }
tec
execute0_lowered:
.L_overlay_start_1:
0x0: {  	(tag) =	ssettag $0x1  }
0x1: {  	s8 =	rddreg [dreg:$0x0]  }
0x2: {  	s2 =	rddreg [dreg:$0x1]  }
0x3: {  	s0 =	rddreg [dreg:$0x2];
	s3 =	simm.s32 $0x0;
	s1 =	stileid.u32  }
0x4: {  	s4 =	srdreg.scid;
	s16 =	simm.s32 $0x100;
	s17 =	simm.s32 $0x4100  }
0x5: {  	s18 =	simm.s32 $0x1;
	s23 =	simm.s32 $0x0;
	[smem:$0x7FF] =	sst s3  }
0x6: {  	s9 =	smul.u32 $0x14000, s1;
	s10 =	sand.u32 $0x1, s4;
	s4 =	sadd.s32 $0x8000, s8  }
0x7: {  	s5 =	sadd.s32 $0x39E00, s8;
	s6 =	sadd.s32 $0x30000, s8;
	s7 =	sadd.s32 $0x43C00, s8  }
0x8: {  	s13 =	smul.u32 $0x50000, s1;
	s30 =	sshll.u32 s1, $0x1;
	s31 =	sshll.u32 s1, $0x6  }
0x9: {  	_ =	strace $0x80000050;
	s11 =	smul.u32 $0x140000, s10;
	s28 =	ssub.s32 $0x2, s10  }
0xa: {  	s10 =	sor.u32 s10, s30;
	s12 =	sshrl.u32 s9, $0x3;
	s14 =	sshrl.u32 s28, $0x1  }
0xb: {  	s29 =	sshrl.u32 s13, $0x2;
	s10 =	smul.u32 $0x4F, s10;
	s9 =	sadd.s32 s9, s11  }
0xc: {  	s12 =	sadd.s32 s12, s8;
	s13 =	sadd.s32 s29, s2;
	s9 =	sshrl.u32 s9, $0x3  }
0xd: {  	s14 =	ssub.s32 s28, s14;
	s13 =	sshrl.u32 s13, $0x3;
	s15 =	sadd.s32 s9, s8  }
0xe: {  	s8 =	sadd.s32 $0x533C00, s12;
	s9 =	sor.u32 $0x1C02, s31;
	s12 =	smax.u32 s14, $0x1  }
0xf: {  	s14 =	simm.s32 $0x2;
	s11 =	sadd.s32 $0x5ECE00, s15;
	s15 =	simm.s32 $0x80  }
.LBB2_1:
0x10: {  	[spmem:s13], [sflag:s9] =	dma.local [hbm:s8], $0x2800  }
0x11: {  	_ =	swait.ge [sflag:s14], $0x2800  }
0x12: {  	[sflag:s14] =	ssyncset.done $0x0  }
0x13: {  	[sflag:s14] =	ssyncadd.s32 $0xFFFFD800  }
0x14: {  	s19 =	simm.s32 $0x0;
	[bflag:$0x0] =	sbarrier.arrive $0xFFFF  }
.LBB2_2:
0x15: {  	s20 =	sadd.s32 s10, s19  }
0x16: {  	s21 =	sshll.u32 s20, $0x4  }
0x17: {  	s22 =	sadd.s32 s5, s21  }
0x18: {  	[tilespmem:s23], [sflag:$0x2] =	stream.linear.gather [hbm4b:s22+s23], $0x80, $0x38;
	[tilespmem:$0x1C100] =	vst v63  }
0x19: {  	_ =	swait.ge [sflag:s14], $0x80  }
0x1a: {  	[sflag:s14] =	ssyncset.done $0x0  }
0x1b: {  	s21 =	sadd.s32 s6, s21;
	[sflag:s14] =	ssyncadd.s32 $0xFFFFFF80  }
0x1c: {  	[tilespmem:s15], [sflag:$0x2] =	stream.linear.gather [hbm4b:s21+s23], $0x80, $0x38;
	[tilespmem:$0x1C100] =	vst v63  }
0x1d: {  	_ =	swait.ge [sflag:s14], $0x80  }
0x1e: {  	s20 =	sshll.u32 s20, $0xB;
	[sflag:s14] =	ssyncset.done $0x0  }
0x1f: {  	s20 =	sadd.s32 s7, s20;
	[sflag:s14] =	ssyncadd.s32 $0xFFFFFF80  }
0x20: {  	[tilespmem:s16], [sflag:$0x2] =	stream.linear.gather [hbm4b:s20+s23], $0x4000, $0x38;
	[tilespmem:$0x1C100] =	vst v63  }
0x21: {  	_ =	swait.ge [sflag:s14], $0x4000  }
0x22: {  	[sflag:s14] =	ssyncset.done $0x0  }
0x23: {  	[sflag:s14] =	ssyncadd.s32 $0xFFFFC000  }
0x24: {  	[tilespmem:s17], [sflag:$0x1] =	stream.indirect.gather [hbm4b:s4+s15], $0x80, s23, s15, $0xb8;
	[tilespmem:$0x1C100] =	vst v63  }
0x25: {  	_ =	swait.ge [sflag:s18], $0x4000  }
0x26: {  	[sflag:s18] =	ssyncset.done $0x0  }
0x27: {  	s20 =	simm.s32 $0x0;
	[sflag:s18] =	ssyncadd.s32 $0xFFFFC000  }
0x28: {  	v0 =	vld [tilespmem:s20+$0x100]  }
0x29: {  	v4 =	vld [tilespmem:s20+$0x4100]  }
0x2a: {  	v6 =	vld [tilespmem:s20+$0x4110]  }
0x2b: {  	v5 =	vld [tilespmem:s20+$0x4120]  }
0x2c: {  	v3 =	vld [tilespmem:s20+$0x4130]  }
0x2d: {  	v1 =	vld [tilespmem:s20+$0x4140]  }
0x2e: {  	v2 =	vld [tilespmem:s20+$0x4150];
	v7 =	vmul.f32 v4, v0  }
0x2f: {  	s21 =	simm.s32 $0x200;
	v6 =	vmul.f32 v6, v0;
	v4 =	vld [tilespmem:s20+$0x4160]  }
.LBB2_3:
0x30: {  	s22 =	sshra.s32 s21, $0x2;
	p0 =	sne.s32 s21, $0xFE00;
	[tilespmem:s20+$0x4100] =	vst v7;
	v5 =	vmul.f32 v5, v0;
	v7 =	vld [tilespmem:s20+$0x4170]  }
0x31: {  	v8 =	vld [tilespmem:s22+$0x100];
	[tilespmem:s20+$0x4110] =	vst v6;
	v3 =	vmul.f32 v3, v0  }
0x32: {  	v6 =	vld [tilespmem:s22+$0x4100];
	[tilespmem:s20+$0x4120] =	vst v5;
	v1 =	vmul.f32 v1, v0  }
0x33: {  	v9 =	vld [tilespmem:s22+$0x4110];
	[tilespmem:s20+$0x4130] =	vst v3;
	v2 =	vmul.f32 v2, v0  }
.Ltmp0:
0x34: {  	v5 =	vld [tilespmem:s22+$0x4120];
	[tilespmem:s20+$0x4140] =	vst v1;
	v4 =	vmul.f32 v4, v0;
	(pc) =	sbr.rel @p0 .LBB2_3-.Ltmp0, $4  }
0x35: {  	v3 =	vld [tilespmem:s22+$0x4130];
	[tilespmem:s20+$0x4150] =	vst v2;
	v10 =	vmul.f32 v7, v0  }
0x36: {  	v1 =	vld [tilespmem:s22+$0x4140];
	[tilespmem:s20+$0x4160] =	vst v4;
	v0 =	vmov v8  }
0x37: {  	v7 =	vmul.f32 v6, v0;
	v2 =	vld [tilespmem:s22+$0x4150];
	[tilespmem:s20+$0x4170] =	vst v10;
	s20 =	smov.u32 s22  }
0x38: {  	s21 =	sadd.s32 $0x200, s21;
	v6 =	vmul.f32 v9, v0;
	v4 =	vld [tilespmem:s20+$0x4160]  }
0x39: {  	[tilespmem:s20+$0x4100] =	vst v7;
	v5 =	vmul.f32 v5, v0;
	v61 =	vld [tilespmem:s20+$0x4170]  }
0x3a: {  	[tilespmem:s20+$0x4110] =	vst v6;
	v3 =	vmul.f32 v3, v0  }
0x3b: {  	[tilespmem:s20+$0x4120] =	vst v5;
	v1 =	vmul.f32 v1, v0  }
0x3c: {  	[tilespmem:s20+$0x4130] =	vst v3;
	v2 =	vmul.f32 v2, v0  }
0x3d: {  	[tilespmem:s20+$0x4140] =	vst v1;
	v62 =	vmul.f32 v4, v0  }
0x3e: {  	s19 =	sadd.s32 $0x1, s19;
	[tilespmem:s20+$0x4150] =	vst v2;
	v63 =	vmul.f32 v61, v0  }
0x3f: {  	p0 =	sne.s32 s19, $0x4F;
	[tilespmem:s20+$0x4160] =	vst v62  }
.Ltmp1:
0x40: {  	[tilespmem:s20+$0x4170] =	vst v63;
	(pc) =	sbr.rel @p0 .LBB2_2-.Ltmp1, $4  }
0x41: {  	[spmem:s2] =	stream.indirect.scatter.add.f32 [tilespmem:s17], [sflag:$0x2], $0x80, s15, s15, $0xb8;
	[tilespmem:$0x1C100] =	vst v63  }
0x42: {  	_ =	swait.ge [sflag:s14], $0x4000  }
0x43: {  	[sflag:s14] =	ssyncset.done $0x0  }
0x44: {  	[sflag:s14] =	ssyncadd.s32 $0xFFFFC000  }
0x45: {  	s3 =	sadd.s32 $0x1, s3  }
0x46: {  	p0 =	sne.s32 s3, s12  }
.Ltmp2:
0x47: {  	[bflag:$0x0] =	sbarrier.arrive $0xFFFF;
	(pc) =	sbr.rel @p0 .LBB2_1-.Ltmp2, $4  }
0x48: {  	[hbm:s11], [sflag:s9] =	dma.local [spmem:s13], $0x2800  }
0x49: {  	_ =	swait.ge [sflag:s14], $0x2800  }
0x4a: {  	[sflag:s14] =	ssyncset.done $0x0  }
0x4b: {  	[sflag:s14] =	ssyncadd.s32 $0xFFFFD800  }
0x4c: {  	_ =	sfence.sel $0x180000  }
0x4d: {  	[bflag:$0x0] =	sbarrier.arrive $0xFFFF  }
0x4e: {  	p0 =	sne.s32 s1, $0x0;
	_ =	strace $0x90000050  }
0x4f: {  	s0 =	sadd.s32 @!p0 $0x100000, s0;
	[bflag:$0x2] =	sbarrier.arrive $0xFFFF  }
0x50: {  	[sflag:s0] =	ssyncadd.tile.s32 @!p0 $0x1;
	_ =	shalt  }
.Lfunc_end2:
_tile_overlayer_lowered:
.L_overlay_start_2:
0x51: {  	(tag) =	ssettag $0x2  }
0x52: {  	s0 =	rddreg [dreg:$0x0];
	s2 =	stileid.u32  }
0x53: {  	s1 =	rddreg [dreg:$0x1];
	p0 =	sne.s32 s2, $0x0  }
0x54: {  	s3 =	rddreg [dreg:$0x2];
	[bflag:$0x3] =	sbarrier.arrive $0xFFFF;
	s2 =	simm.s32 @!p0 $0x1C02  }
0x55: {  	[timem:s3], [sflag:s2] =	dma.local @!p0 [hbm:s0], s1  }
0x56: {  	s0 =	simm.s32 @!p0 $0x2  }
0x57: {  	_ =	swait.ge @!p0 [sflag:s0], s1  }
0x58: {  	s1 =	ssub.s32 @!p0 $0x0, s1;
	[sflag:s0] =	ssyncset.done @!p0 $0x0  }
0x59: {  	[sflag:s0] =	ssyncadd.s32 @!p0 s1  }
0x5a: {  	[bflag:$0x3] =	sbarrier.arrive $0xFFFF  }
0x5b: {  	_ =	shalt  }

</sc_bundles>
